<compile_context>
chip_gen: v7x
topology: tpu7x:2x2x1
jax: 0.10.2.dev20260603
libtpu: 0.0.44.dev20260713+nightly
codegen_flags: <defaults>
</compile_context>

<pallas_src>
import functools

import jax
import jax.numpy as jnp
from jax import lax
from jax.experimental import pallas as pl
from jax.experimental.pallas import tpu as pltpu
from jax.experimental.pallas import tpu_sc as plsc

N = 10000
E = 320000
IN_DIM = 128
HID_DIM = 256
OUT_DIM = 2

PQ_D = 16
NC = 2
NS = 16
EPT = E // (NC * NS)
CH = 128
NCH = 80
EPT_P = NCH * CH
NP = N + 8
NB2 = 8
NR2 = NCH // NB2
CH1 = 40
NCHUNK1 = EPT // CH1
NSEG1 = 5
NCH_SEG1 = NCHUNK1 // NSEG1
NB1 = 5
NR1 = NCH_SEG1 // NB1


CNT_D = 16


def _sc_aggregate(table, edges, zeros, zeros_c, ones_c, d):
    mesh = plsc.VectorSubcoreMesh(core_axis_name="core", subcore_axis_name="subcore")

    @functools.partial(
        pl.kernel,
        out_type=[jax.ShapeDtypeStruct((NC, N, d), jnp.float32),
                  jax.ShapeDtypeStruct((NC, N, CNT_D), jnp.float32)],
        mesh=mesh,
        compiler_params=pltpu.CompilerParams(use_tc_tiling_on_sc=False),
        scratch_types=(
            [pltpu.VMEM((NCH_SEG1, CH1), jnp.int32)] * 2
            + [pltpu.VMEM((CH1, d), jnp.float32)] * NB1
            + [pltpu.VMEM((CH1, CNT_D), jnp.float32)]
            + [pltpu.SemaphoreType.DMA] * (2 * NB1 + 1)
            + [pltpu.VMEM_SHARED((N, d), jnp.float32),
               pltpu.VMEM_SHARED((N, CNT_D), jnp.float32)]
        ),
    )
    def agg_kernel(table_hbm, edge_hbm, zeros_hbm, zc_hbm, ones_hbm,
                   out_hbm, cnt_hbm, *scr):
        srcs, dsts = scr[0], scr[1]
        rows = scr[2:2 + NB1]
        ones_v = scr[2 + NB1]
        gsem = scr[3 + NB1:3 + 2 * NB1]
        ssem = scr[3 + 2 * NB1:3 + 3 * NB1]
        csem = scr[3 + 3 * NB1]
        acc = scr[4 + 3 * NB1]
        acc_c = scr[5 + 3 * NB1]
        c = lax.axis_index("core")
        s = lax.axis_index("subcore")

        @pl.when(s == 0)
        def _():
            pltpu.sync_copy(zeros_hbm, acc)
            pltpu.sync_copy(zc_hbm, acc_c)

        pltpu.sync_copy(ones_hbm, ones_v)

        plsc.subcore_barrier()

        @pl.loop(0, NSEG1)
        def _(g):
            pltpu.sync_copy(edge_hbm.at[0, c, s, g], srcs)
            pltpu.sync_copy(edge_hbm.at[1, c, s, g], dsts)

            for j in range(NB1):
                pltpu.async_copy(table_hbm.at[srcs.at[j]], rows[j], gsem[j])

            @pl.loop(0, NR1)
            def _(r):
                base = r * NB1
                for j in range(NB1):
                    pltpu.make_async_copy(table_hbm.at[srcs.at[base + j]],
                                          rows[j], gsem[j]).wait()
                    pltpu.async_copy(rows[j], acc.at[dsts.at[base + j]],
                                     ssem[j], add=True)
                    pltpu.async_copy(ones_v, acc_c.at[dsts.at[base + j]],
                                     csem, add=True)

                @pl.when(r < NR1 - 1)
                def _():
                    for j in range(NB1):
                        pltpu.make_async_copy(rows[j],
                                              acc.at[dsts.at[base + j]],
                                              ssem[j]).wait()
                        pltpu.async_copy(table_hbm.at[srcs.at[base + NB1 + j]],
                                         rows[j], gsem[j])

            for j in range(NB1):
                pltpu.make_async_copy(rows[j],
                                      acc.at[dsts.at[NCH_SEG1 - NB1 + j]],
                                      ssem[j]).wait()

            @pl.loop(0, NCH_SEG1)
            def _(i):
                pltpu.make_async_copy(ones_v, acc_c.at[dsts.at[i]], csem).wait()

        plsc.subcore_barrier()

        rpt = 624
        r0 = s * rpt
        pltpu.sync_copy(acc.at[pl.ds(r0, rpt)], out_hbm.at[c, pl.ds(r0, rpt)])
        pltpu.sync_copy(acc_c.at[pl.ds(r0, rpt)], cnt_hbm.at[c, pl.ds(r0, rpt)])

        @pl.when(s == 0)
        def _():
            tail = NS * rpt
            pltpu.sync_copy(acc.at[pl.ds(tail, N - tail)],
                            out_hbm.at[c, pl.ds(tail, N - tail)])
            pltpu.sync_copy(acc_c.at[pl.ds(tail, N - tail)],
                            cnt_hbm.at[c, pl.ds(tail, N - tail)])

    return agg_kernel(table, edges, zeros, zeros_c, ones_c)


def _sc_aggregate_small(table, src, dst, zeros, d):
    mesh = plsc.VectorSubcoreMesh(core_axis_name="core", subcore_axis_name="subcore")

    @functools.partial(
        pl.kernel,
        out_type=jax.ShapeDtypeStruct((NC, NP, d), jnp.float32),
        mesh=mesh,
        compiler_params=pltpu.CompilerParams(use_tc_tiling_on_sc=False),
        scratch_types=(
            [pltpu.VMEM((NCH, CH), jnp.int32)] * 2
            + [pltpu.VMEM((CH, d), jnp.float32)] * NB2
            + [pltpu.SemaphoreType.DMA] * (2 * NB2)
            + [pltpu.VMEM_SHARED((NP, d), jnp.float32)]
        ),
    )
    def agg_kernel(table_hbm, src_hbm, dst_hbm, zeros_hbm, out_hbm, *scr):
        srcs, dsts = scr[0], scr[1]
        rows = scr[2:2 + NB2]
        gsem = scr[2 + NB2:2 + 2 * NB2]
        ssem = scr[2 + 2 * NB2:2 + 3 * NB2]
        acc = scr[2 + 3 * NB2]
        c = lax.axis_index("core")
        s = lax.axis_index("subcore")

        @pl.when(s == 0)
        def _():
            pltpu.sync_copy(zeros_hbm, acc)

        pltpu.sync_copy(src_hbm.at[c, s], srcs)
        pltpu.sync_copy(dst_hbm.at[c, s], dsts)

        plsc.subcore_barrier()

        for j in range(NB2):
            pltpu.async_copy(table_hbm.at[srcs.at[j]], rows[j], gsem[j])

        @pl.loop(0, NR2)
        def _(r):
            base = r * NB2
            for j in range(NB2):
                pltpu.make_async_copy(table_hbm.at[srcs.at[base + j]],
                                      rows[j], gsem[j]).wait()
                pltpu.async_copy(rows[j], acc.at[dsts.at[base + j]], ssem[j],
                                 add=True)

            @pl.when(r < NR2 - 1)
            def _():
                for j in range(NB2):
                    pltpu.make_async_copy(rows[j], acc.at[dsts.at[base + j]],
                                          ssem[j]).wait()
                    pltpu.async_copy(table_hbm.at[srcs.at[base + NB2 + j]],
                                     rows[j], gsem[j])

        for j in range(NB2):
            pltpu.make_async_copy(rows[j], acc.at[dsts.at[NCH - NB2 + j]],
                                  ssem[j]).wait()

        plsc.subcore_barrier()

        rpt = 624
        r0 = s * rpt
        pltpu.sync_copy(acc.at[pl.ds(r0, rpt)], out_hbm.at[c, pl.ds(r0, rpt)])

        @pl.when(s == 0)
        def _():
            tail = NS * rpt
            pltpu.sync_copy(acc.at[pl.ds(tail, NP - tail)],
                            out_hbm.at[c, pl.ds(tail, NP - tail)])

    return agg_kernel(table, src, dst, zeros)


BR = 2000
NBR = N // BR


def _dot(a, b):
    return lax.dot_general(a, b, (((1,), (0,)), ((), ())),
                           preferred_element_type=jnp.float32,
                           precision=lax.Precision.DEFAULT)


def _tc_sage1(aggf, aggc, x, w1lt, w1rt, b1l2):

    def body(af_ref, ac_ref, x_ref, w1l_ref, w1r_ref, b1l_ref,
             hpre_ref, civ_ref, stats_ref):
        i = pl.program_id(0)
        agg = af_ref[0] + af_ref[1]
        cnt = ac_ref[0, :, 0:1] + ac_ref[1, :, 0:1]
        civ = 1.0 / jnp.maximum(cnt, 1.0)
        mean = agg * civ
        h = _dot(mean, w1l_ref[...]) + _dot(x_ref[...], w1r_ref[...]) + b1l_ref[...]
        hpre_ref[...] = h
        civ_ref[...] = civ

        @pl.when(i == 0)
        def _():
            stats_ref[...] = jnp.zeros_like(stats_ref)

        stats_ref[0:1, :] += jnp.sum(h, axis=0, keepdims=True)
        stats_ref[1:2, :] += jnp.sum(h * h, axis=0, keepdims=True)

    return pl.pallas_call(
        body,
        grid=(NBR,),
        in_specs=[
            pl.BlockSpec((NC, BR, IN_DIM), lambda i: (0, i, 0)),
            pl.BlockSpec((NC, BR, CNT_D), lambda i: (0, i, 0)),
            pl.BlockSpec((BR, IN_DIM), lambda i: (i, 0)),
            pl.BlockSpec((IN_DIM, HID_DIM), lambda i: (0, 0)),
            pl.BlockSpec((IN_DIM, HID_DIM), lambda i: (0, 0)),
            pl.BlockSpec((1, HID_DIM), lambda i: (0, 0)),
        ],
        out_specs=[
            pl.BlockSpec((BR, HID_DIM), lambda i: (i, 0)),
            pl.BlockSpec((BR, 1), lambda i: (i, 0)),
            pl.BlockSpec((2, HID_DIM), lambda i: (0, 0)),
        ],
        out_shape=[
            jax.ShapeDtypeStruct((N, HID_DIM), jnp.float32),
            jax.ShapeDtypeStruct((N, 1), jnp.float32),
            jax.ShapeDtypeStruct((2, HID_DIM), jnp.float32),
        ],
    )(aggf, aggc, x, w1lt, w1rt, b1l2)


def _tc_bn_proj(hpre, civ, stats, gamma2, beta2, w2t):

    def body(h_ref, civ_ref, stats_ref, g_ref, bta_ref, w2t_ref, pq_ref):
        mu = stats_ref[0:1, :] * (1.0 / N)
        var = stats_ref[1:2, :] * (1.0 / N) - mu * mu
        h = (h_ref[...] - mu) * lax.rsqrt(var + 1e-5) * g_ref[...] + bta_ref[...]
        h = jnp.maximum(h, 0.0)
        pq = _dot(h, w2t_ref[...])
        pq_ref[...] = jnp.concatenate(
            [pq[:, :2 * OUT_DIM], civ_ref[...], pq[:, 2 * OUT_DIM + 1:]], axis=1)

    return pl.pallas_call(
        body,
        grid=(NBR,),
        in_specs=[
            pl.BlockSpec((BR, HID_DIM), lambda i: (i, 0)),
            pl.BlockSpec((BR, 1), lambda i: (i, 0)),
            pl.BlockSpec((2, HID_DIM), lambda i: (0, 0)),
            pl.BlockSpec((1, HID_DIM), lambda i: (0, 0)),
            pl.BlockSpec((1, HID_DIM), lambda i: (0, 0)),
            pl.BlockSpec((HID_DIM, PQ_D), lambda i: (0, 0)),
        ],
        out_specs=pl.BlockSpec((BR, PQ_D), lambda i: (i, 0)),
        out_shape=jax.ShapeDtypeStruct((N, PQ_D), jnp.float32),
    )(hpre, civ, stats, gamma2, beta2, w2t)


def _tc_final(agg2p, pq, b2l2):
    def body(a_ref, pq_ref, b_ref, out_ref):
        a = a_ref[0] + a_ref[1]
        meanp = a[:, :OUT_DIM] * pq_ref[:, 2 * OUT_DIM:2 * OUT_DIM + 1]
        out_ref[...] = meanp + pq_ref[:, OUT_DIM:2 * OUT_DIM] + b_ref[...]

    return pl.pallas_call(
        body,
        grid=(NBR,),
        in_specs=[
            pl.BlockSpec((NC, BR, PQ_D), lambda i: (0, i, 0)),
            pl.BlockSpec((BR, PQ_D), lambda i: (i, 0)),
            pl.BlockSpec((1, OUT_DIM), lambda i: (0, 0)),
        ],
        out_specs=pl.BlockSpec((BR, OUT_DIM), lambda i: (i, 0)),
        out_shape=jax.ShapeDtypeStruct((N, OUT_DIM), jnp.float32),
    )(agg2p, pq, b2l2)


def kernel(x, edge_index, W1l, b1l, W1r, gamma1, beta1, W2l, b2l, W2r):
    pad_s = jnp.zeros((NC * NS, EPT_P - EPT), jnp.int32)
    pad_d = jnp.full((NC * NS, EPT_P - EPT), N, jnp.int32)
    src_p = jnp.concatenate([edge_index[0].reshape(NC * NS, EPT), pad_s],
                            axis=1).reshape(NC, NS, NCH, CH)
    dst_p = jnp.concatenate([edge_index[1].reshape(NC * NS, EPT), pad_d],
                            axis=1).reshape(NC, NS, NCH, CH)

    edges_6 = edge_index.reshape(2, NC, NS, NSEG1, NCH_SEG1, CH1)
    zeros1 = jnp.zeros((N, IN_DIM), jnp.float32)
    zeros_c = jnp.zeros((N, CNT_D), jnp.float32)
    ones_c = jnp.ones((CH1, CNT_D), jnp.float32)
    aggf, aggc = _sc_aggregate(x, edges_6, zeros1, zeros_c, ones_c, IN_DIM)

    w2t = jnp.concatenate(
        [W2l.T, W2r.T, jnp.zeros((HID_DIM, PQ_D - 2 * OUT_DIM), jnp.float32)],
        axis=1)
    hpre, civ, stats = _tc_sage1(aggf, aggc, x, W1l.T, W1r.T, b1l.reshape(1, -1))
    pq = _tc_bn_proj(hpre, civ, stats, gamma1.reshape(1, -1),
                     beta1.reshape(1, -1), w2t)

    zeros2 = jnp.zeros((NP, PQ_D), jnp.float32)
    agg2p = _sc_aggregate_small(pq, src_p, dst_p, zeros2, PQ_D)

    return _tc_final(agg2p, pq, b2l.reshape(1, -1))

# --- scband reference (transcript-rebuilt; emitter-appended) ---
"""Pipeline reference for scband-graph-sage-49100066128550 (READ-ONLY COPY).

The authoritative reference and input builder live on the scoring server;
editing this copy changes nothing except your own understanding.
"""

import jax, jax.numpy as jnp
import numpy as np

N = 10000
E = 320000
IN_DIM = 128
HID_DIM = 256
OUT_DIM = 2


def setup_inputs(seed: int = 0) -> dict:
    key = jax.random.key(seed)
    ks = jax.random.split(key, 12)
    x = jax.random.normal(ks[0], (N, IN_DIM), dtype=jnp.float32)
    edge_index = jax.random.randint(ks[1], (2, E), 0, N, dtype=jnp.int32)
    # SAGEConv1 params (PyG: lin_l has bias, lin_r no bias)
    s1 = 1.0 / np.sqrt(IN_DIM)
    W1l = jax.random.uniform(ks[2], (HID_DIM, IN_DIM), jnp.float32, -s1, s1)
    b1l = jax.random.uniform(ks[3], (HID_DIM,), jnp.float32, -s1, s1)
    W1r = jax.random.uniform(ks[4], (HID_DIM, IN_DIM), jnp.float32, -s1, s1)
    # BatchNorm1d params
    gamma1 = jnp.ones((HID_DIM,), jnp.float32)
    beta1 = jnp.zeros((HID_DIM,), jnp.float32)
    # SAGEConv2 params
    s2 = 1.0 / np.sqrt(HID_DIM)
    W2l = jax.random.uniform(ks[5], (OUT_DIM, HID_DIM), jnp.float32, -s2, s2)
    b2l = jax.random.uniform(ks[6], (OUT_DIM,), jnp.float32, -s2, s2)
    W2r = jax.random.uniform(ks[7], (OUT_DIM, HID_DIM), jnp.float32, -s2, s2)
    return {"x": x, "edge_index": edge_index, "W1l": W1l, "b1l": b1l, "W1r": W1r,
            "gamma1": gamma1, "beta1": beta1, "W2l": W2l, "b2l": b2l, "W2r": W2r}


def _sage_conv(x, edge_index, Wl, bl, Wr):
    src = edge_index[0]
    dst = edge_index[1]
    msg = jnp.take(x, src, axis=0)                       # gather
    agg = jax.ops.segment_sum(msg, dst, num_segments=N)  # scatter-add
    cnt = jax.ops.segment_sum(jnp.ones((msg.shape[0], 1), x.dtype), dst,
                              num_segments=N)
    mean = agg / jnp.clip(cnt, 1.0, None)                # mean aggregation
    return mean @ Wl.T + bl + x @ Wr.T


def _batch_norm(h, gamma, beta, eps=1e-5):
    mu = jnp.mean(h, axis=0)
    var = jnp.var(h, axis=0)
    return (h - mu) / jnp.sqrt(var + eps) * gamma + beta


def reference(x, edge_index, W1l, b1l, W1r, gamma1, beta1, W2l, b2l, W2r):
    h = _sage_conv(x, edge_index, W1l, b1l, W1r)
    h = _batch_norm(h, gamma1, beta1)
    # Dropout(0.3) treated as identity (eval mode)
    h = jax.nn.relu(h)
    out = _sage_conv(h, edge_index, W2l, b2l, W2r)
    return out

if __name__ == "__main__":
    import jax
    _d = setup_inputs()
    print(jax.jit(kernel)(*tuple(_d.values())))

</pallas_src>

<mosaic_0001>
#map = affine_map<(d0, d1) -> (0, 0)>
#map1 = affine_map<(d0, d1) -> (0, 0, 0, 0, 0, 0)>
#map2 = affine_map<(d0, d1) -> (0, 0, 0)>
module attributes {stable_mosaic.version = 14 : i64} {
  func.func @agg_kernel(%arg0: i32, %arg1: i32, %arg2: memref<10000x128xf32, #tpu.memory_space<hbm>>, %arg3: memref<2x2x16x5x50x40xi32, #tpu.memory_space<hbm>>, %arg4: memref<10000x128xf32, #tpu.memory_space<hbm>>, %arg5: memref<10000x16xf32, #tpu.memory_space<hbm>>, %arg6: memref<40x16xf32, #tpu.memory_space<hbm>>, %arg7: memref<2x10000x128xf32, #tpu.memory_space<hbm>>, %arg8: memref<2x10000x16xf32, #tpu.memory_space<hbm>>, %arg9: memref<50x40xi32, #tpu.memory_space<vmem>>, %arg10: memref<50x40xi32, #tpu.memory_space<vmem>>, %arg11: memref<40x128xf32, #tpu.memory_space<vmem>>, %arg12: memref<40x128xf32, #tpu.memory_space<vmem>>, %arg13: memref<40x128xf32, #tpu.memory_space<vmem>>, %arg14: memref<40x128xf32, #tpu.memory_space<vmem>>, %arg15: memref<40x128xf32, #tpu.memory_space<vmem>>, %arg16: memref<40x16xf32, #tpu.memory_space<vmem>>, %arg17: memref<!tpu.dma_semaphore, #tpu.memory_space<semaphore_mem>>, %arg18: memref<!tpu.dma_semaphore, #tpu.memory_space<semaphore_mem>>, %arg19: memref<!tpu.dma_semaphore, #tpu.memory_space<semaphore_mem>>, %arg20: memref<!tpu.dma_semaphore, #tpu.memory_space<semaphore_mem>>, %arg21: memref<!tpu.dma_semaphore, #tpu.memory_space<semaphore_mem>>, %arg22: memref<!tpu.dma_semaphore, #tpu.memory_space<semaphore_mem>>, %arg23: memref<!tpu.dma_semaphore, #tpu.memory_space<semaphore_mem>>, %arg24: memref<!tpu.dma_semaphore, #tpu.memory_space<semaphore_mem>>, %arg25: memref<!tpu.dma_semaphore, #tpu.memory_space<semaphore_mem>>, %arg26: memref<!tpu.dma_semaphore, #tpu.memory_space<semaphore_mem>>, %arg27: memref<!tpu.dma_semaphore, #tpu.memory_space<semaphore_mem>>, %arg28: memref<10000x128xf32, #tpu.memory_space<vmem_shared>>, %arg29: memref<10000x16xf32, #tpu.memory_space<vmem_shared>>) attributes {dimension_semantics = [#tpu.dimension_semantics<core_parallel>, #tpu.dimension_semantics<subcore_parallel>], iteration_bounds = array<i64: 2, 16>, scalar_prefetch = 0 : i64, scratch_operands = 21 : i64, tpu.core_type = #tpu.core_type<sc_vector_subcore>, window_params = [{transform_indices = #map}, {transform_indices = #map1}, {transform_indices = #map}, {transform_indices = #map}, {transform_indices = #map}, {transform_indices = #map2}, {transform_indices = #map2}]} {
    %eq3A = arith.constant 0 : i32
    %eq3A_0 = arith.cmpi eq, %arg1, %eq3A : i32
    %convert_element_type3A = arith.extui %eq3A_0 : i1 to i32
    %cond3A = arith.constant 0 : i32
    %cond3A_1 = arith.cmpi ne, %convert_element_type3A, %cond3A : i32
    scf.if %cond3A_1 {
      "tpu.region"() ({
        %run_scoped3A = tpu.sem_alloc : memref<!tpu.dma_semaphore, #tpu.memory_space<semaphore_mem>>
        tpu.enqueue_dma source(%arg4 : memref<10000x128xf32, #tpu.memory_space<hbm>>) target(%arg28 : memref<10000x128xf32, #tpu.memory_space<vmem_shared>>) target_semaphore(%run_scoped3A : memref<!tpu.dma_semaphore, #tpu.memory_space<semaphore_mem>>)
        tpu.wait_dma2 semaphore(%run_scoped3A : memref<!tpu.dma_semaphore, #tpu.memory_space<semaphore_mem>>) src(%arg4 : memref<10000x128xf32, #tpu.memory_space<hbm>>) dst(%arg28 : memref<10000x128xf32, #tpu.memory_space<vmem_shared>>)
        tpu.yield
      }) : () -> ()
      "tpu.region"() ({
        %run_scoped3A = tpu.sem_alloc : memref<!tpu.dma_semaphore, #tpu.memory_space<semaphore_mem>>
        tpu.enqueue_dma source(%arg5 : memref<10000x16xf32, #tpu.memory_space<hbm>>) target(%arg29 : memref<10000x16xf32, #tpu.memory_space<vmem_shared>>) target_semaphore(%run_scoped3A : memref<!tpu.dma_semaphore, #tpu.memory_space<semaphore_mem>>)
        tpu.wait_dma2 semaphore(%run_scoped3A : memref<!tpu.dma_semaphore, #tpu.memory_space<semaphore_mem>>) src(%arg5 : memref<10000x16xf32, #tpu.memory_space<hbm>>) dst(%arg29 : memref<10000x16xf32, #tpu.memory_space<vmem_shared>>)
        tpu.yield
      }) : () -> ()
    } else {
    }
    "tpu.region"() ({
      %run_scoped3A = tpu.sem_alloc : memref<!tpu.dma_semaphore, #tpu.memory_space<semaphore_mem>>
      tpu.enqueue_dma source(%arg6 : memref<40x16xf32, #tpu.memory_space<hbm>>) target(%arg16 : memref<40x16xf32, #tpu.memory_space<vmem>>) target_semaphore(%run_scoped3A : memref<!tpu.dma_semaphore, #tpu.memory_space<semaphore_mem>>)
      tpu.wait_dma2 semaphore(%run_scoped3A : memref<!tpu.dma_semaphore, #tpu.memory_space<semaphore_mem>>) src(%arg6 : memref<40x16xf32, #tpu.memory_space<hbm>>) dst(%arg16 : memref<40x16xf32, #tpu.memory_space<vmem>>)
      tpu.yield
    }) : () -> ()
    %barrier3A = arith.constant 0 : index
    tpu.barrier barrier_id(%barrier3A)
    %scan3A = arith.constant 0 : i32
    %scan3A_2 = arith.constant 5 : i32
    %scan3A_3 = arith.addi %scan3A, %scan3A_2 : i32
    %scan3A_4 = arith.constant 1 : i32
    scf.for %scan3A_13 = %scan3A to %scan3A_3 step %scan3A_4  : i32 {
      %mul3A_14 = arith.constant 1 : i32
      %mul3A_15 = arith.muli %scan3A_13, %mul3A_14 : i32
      %add3A = arith.constant 0 : i32
      %add3A_16 = arith.addi %add3A, %mul3A_15 : i32
      %run_scoped3A = arith.constant 0 : i32
      "tpu.region"() ({
        %run_scoped3A_96 = tpu.sem_alloc : memref<!tpu.dma_semaphore, #tpu.memory_space<semaphore_mem>>
        %dma_start3A_97 = arith.constant 0 : i32
        %dma_start3A_98 = arith.constant 0 : i32
        %dma_start3A_99 = tpu.memref_slice %arg3[%run_scoped3A, %arg0, %arg1, %add3A_16, %dma_start3A_97, %dma_start3A_98] : memref<2x2x16x5x50x40xi32, #tpu.memory_space<hbm>> -> memref<1x1x1x1x50x40xi32, #tpu.memory_space<hbm>>
        %dma_start3A_100 = tpu.memref_squeeze %dma_start3A_99 : memref<1x1x1x1x50x40xi32, #tpu.memory_space<hbm>> -> memref<50x40xi32, #tpu.memory_space<hbm>>
        %dma_start3A_101 = arith.constant 0 : i32
        %dma_start3A_102 = arith.constant 0 : i32
        %dma_start3A_103 = tpu.memref_slice %arg3[%run_scoped3A, %arg0, %arg1, %add3A_16, %dma_start3A_101, %dma_start3A_102] : memref<2x2x16x5x50x40xi32, #tpu.memory_space<hbm>> -> memref<1x1x1x1x50x40xi32, #tpu.memory_space<hbm>>
        %dma_start3A_104 = tpu.memref_squeeze %dma_start3A_103 : memref<1x1x1x1x50x40xi32, #tpu.memory_space<hbm>> -> memref<50x40xi32, #tpu.memory_space<hbm>>
        tpu.enqueue_dma source(%dma_start3A_104 : memref<50x40xi32, #tpu.memory_space<hbm>>) target(%arg9 : memref<50x40xi32, #tpu.memory_space<vmem>>) target_semaphore(%run_scoped3A_96 : memref<!tpu.dma_semaphore, #tpu.memory_space<semaphore_mem>>)
        %dma_wait3A_105 = arith.constant 0 : i32
        %dma_wait3A_106 = arith.constant 0 : i32
        %dma_wait3A_107 = tpu.memref_slice %arg3[%run_scoped3A, %arg0, %arg1, %add3A_16, %dma_wait3A_105, %dma_wait3A_106] : memref<2x2x16x5x50x40xi32, #tpu.memory_space<hbm>> -> memref<1x1x1x1x50x40xi32, #tpu.memory_space<hbm>>
        %dma_wait3A_108 = tpu.memref_squeeze %dma_wait3A_107 : memref<1x1x1x1x50x40xi32, #tpu.memory_space<hbm>> -> memref<50x40xi32, #tpu.memory_space<hbm>>
        %dma_wait3A_109 = arith.constant 0 : i32
        %dma_wait3A_110 = arith.constant 0 : i32
        %dma_wait3A_111 = tpu.memref_slice %arg3[%run_scoped3A, %arg0, %arg1, %add3A_16, %dma_wait3A_109, %dma_wait3A_110] : memref<2x2x16x5x50x40xi32, #tpu.memory_space<hbm>> -> memref<1x1x1x1x50x40xi32, #tpu.memory_space<hbm>>
        %dma_wait3A_112 = tpu.memref_squeeze %dma_wait3A_111 : memref<1x1x1x1x50x40xi32, #tpu.memory_space<hbm>> -> memref<50x40xi32, #tpu.memory_space<hbm>>
        tpu.wait_dma2 semaphore(%run_scoped3A_96 : memref<!tpu.dma_semaphore, #tpu.memory_space<semaphore_mem>>) src(%dma_wait3A_112 : memref<50x40xi32, #tpu.memory_space<hbm>>) dst(%arg9 : memref<50x40xi32, #tpu.memory_space<vmem>>)
        tpu.yield
      }) : () -> ()
      %run_scoped3A_17 = arith.constant 1 : i32
      "tpu.region"() ({
        %run_scoped3A_96 = tpu.sem_alloc : memref<!tpu.dma_semaphore, #tpu.memory_space<semaphore_mem>>
        %dma_start3A_97 = arith.constant 0 : i32
        %dma_start3A_98 = arith.constant 0 : i32
        %dma_start3A_99 = tpu.memref_slice %arg3[%run_scoped3A_17, %arg0, %arg1, %add3A_16, %dma_start3A_97, %dma_start3A_98] : memref<2x2x16x5x50x40xi32, #tpu.memory_space<hbm>> -> memref<1x1x1x1x50x40xi32, #tpu.memory_space<hbm>>
        %dma_start3A_100 = tpu.memref_squeeze %dma_start3A_99 : memref<1x1x1x1x50x40xi32, #tpu.memory_space<hbm>> -> memref<50x40xi32, #tpu.memory_space<hbm>>
        %dma_start3A_101 = arith.constant 0 : i32
        %dma_start3A_102 = arith.constant 0 : i32
        %dma_start3A_103 = tpu.memref_slice %arg3[%run_scoped3A_17, %arg0, %arg1, %add3A_16, %dma_start3A_101, %dma_start3A_102] : memref<2x2x16x5x50x40xi32, #tpu.memory_space<hbm>> -> memref<1x1x1x1x50x40xi32, #tpu.memory_space<hbm>>
        %dma_start3A_104 = tpu.memref_squeeze %dma_start3A_103 : memref<1x1x1x1x50x40xi32, #tpu.memory_space<hbm>> -> memref<50x40xi32, #tpu.memory_space<hbm>>
        tpu.enqueue_dma source(%dma_start3A_104 : memref<50x40xi32, #tpu.memory_space<hbm>>) target(%arg10 : memref<50x40xi32, #tpu.memory_space<vmem>>) target_semaphore(%run_scoped3A_96 : memref<!tpu.dma_semaphore, #tpu.memory_space<semaphore_mem>>)
        %dma_wait3A_105 = arith.constant 0 : i32
        %dma_wait3A_106 = arith.constant 0 : i32
        %dma_wait3A_107 = tpu.memref_slice %arg3[%run_scoped3A_17, %arg0, %arg1, %add3A_16, %dma_wait3A_105, %dma_wait3A_106] : memref<2x2x16x5x50x40xi32, #tpu.memory_space<hbm>> -> memref<1x1x1x1x50x40xi32, #tpu.memory_space<hbm>>
        %dma_wait3A_108 = tpu.memref_squeeze %dma_wait3A_107 : memref<1x1x1x1x50x40xi32, #tpu.memory_space<hbm>> -> memref<50x40xi32, #tpu.memory_space<hbm>>
        %dma_wait3A_109 = arith.constant 0 : i32
        %dma_wait3A_110 = arith.constant 0 : i32
        %dma_wait3A_111 = tpu.memref_slice %arg3[%run_scoped3A_17, %arg0, %arg1, %add3A_16, %dma_wait3A_109, %dma_wait3A_110] : memref<2x2x16x5x50x40xi32, #tpu.memory_space<hbm>> -> memref<1x1x1x1x50x40xi32, #tpu.memory_space<hbm>>
        %dma_wait3A_112 = tpu.memref_squeeze %dma_wait3A_111 : memref<1x1x1x1x50x40xi32, #tpu.memory_space<hbm>> -> memref<50x40xi32, #tpu.memory_space<hbm>>
        tpu.wait_dma2 semaphore(%run_scoped3A_96 : memref<!tpu.dma_semaphore, #tpu.memory_space<semaphore_mem>>) src(%dma_wait3A_112 : memref<50x40xi32, #tpu.memory_space<hbm>>) dst(%arg10 : memref<50x40xi32, #tpu.memory_space<vmem>>)
        tpu.yield
      }) : () -> ()
      %dma_start3A = arith.constant 0 : i32
      %dma_start3A_18 = arith.constant 0 : i32
      %dma_start3A_19 = tpu.memref_slice %arg9[%dma_start3A, %dma_start3A_18] : memref<50x40xi32, #tpu.memory_space<vmem>> -> memref<1x40xi32, #tpu.memory_space<vmem>>
      %dma_start3A_20 = tpu.memref_squeeze %dma_start3A_19 : memref<1x40xi32, #tpu.memory_space<vmem>> -> memref<40xi32, #tpu.memory_space<vmem>>
      %dma_start3A_21 = arith.constant 0 : i32
      %dma_start3A_22 = arith.constant 0 : i32
      %dma_start3A_23 = tpu.memref_slice %arg2[%dma_start3A_21, %dma_start3A_22] : memref<10000x128xf32, #tpu.memory_space<hbm>> -> memref<10000x128xf32, #tpu.memory_space<hbm>>
      tpu.enqueue_indirect_dma source(%dma_start3A_23 : memref<10000x128xf32, #tpu.memory_space<hbm>>) target(%arg11 : memref<40x128xf32, #tpu.memory_space<vmem>>) offsets(%dma_start3A_20 : memref<40xi32, #tpu.memory_space<vmem>>) semaphore(%arg17 : memref<!tpu.dma_semaphore, #tpu.memory_space<semaphore_mem>>)
      %dma_start3A_24 = arith.constant 1 : i32
      %dma_start3A_25 = arith.constant 0 : i32
      %dma_start3A_26 = tpu.memref_slice %arg9[%dma_start3A_24, %dma_start3A_25] : memref<50x40xi32, #tpu.memory_space<vmem>> -> memref<1x40xi32, #tpu.memory_space<vmem>>
      %dma_start3A_27 = tpu.memref_squeeze %dma_start3A_26 : memref<1x40xi32, #tpu.memory_space<vmem>> -> memref<40xi32, #tpu.memory_space<vmem>>
      %dma_start3A_28 = arith.constant 0 : i32
      %dma_start3A_29 = arith.constant 0 : i32
      %dma_start3A_30 = tpu.memref_slice %arg2[%dma_start3A_28, %dma_start3A_29] : memref<10000x128xf32, #tpu.memory_space<hbm>> -> memref<10000x128xf32, #tpu.memory_space<hbm>>
      tpu.enqueue_indirect_dma source(%dma_start3A_30 : memref<10000x128xf32, #tpu.memory_space<hbm>>) target(%arg12 : memref<40x128xf32, #tpu.memory_space<vmem>>) offsets(%dma_start3A_27 : memref<40xi32, #tpu.memory_space<vmem>>) semaphore(%arg18 : memref<!tpu.dma_semaphore, #tpu.memory_space<semaphore_mem>>)
      %dma_start3A_31 = arith.constant 2 : i32
      %dma_start3A_32 = arith.constant 0 : i32
      %dma_start3A_33 = tpu.memref_slice %arg9[%dma_start3A_31, %dma_start3A_32] : memref<50x40xi32, #tpu.memory_space<vmem>> -> memref<1x40xi32, #tpu.memory_space<vmem>>
      %dma_start3A_34 = tpu.memref_squeeze %dma_start3A_33 : memref<1x40xi32, #tpu.memory_space<vmem>> -> memref<40xi32, #tpu.memory_space<vmem>>
      %dma_start3A_35 = arith.constant 0 : i32
      %dma_start3A_36 = arith.constant 0 : i32
      %dma_start3A_37 = tpu.memref_slice %arg2[%dma_start3A_35, %dma_start3A_36] : memref<10000x128xf32, #tpu.memory_space<hbm>> -> memref<10000x128xf32, #tpu.memory_space<hbm>>
      tpu.enqueue_indirect_dma source(%dma_start3A_37 : memref<10000x128xf32, #tpu.memory_space<hbm>>) target(%arg13 : memref<40x128xf32, #tpu.memory_space<vmem>>) offsets(%dma_start3A_34 : memref<40xi32, #tpu.memory_space<vmem>>) semaphore(%arg19 : memref<!tpu.dma_semaphore, #tpu.memory_space<semaphore_mem>>)
      %dma_start3A_38 = arith.constant 3 : i32
      %dma_start3A_39 = arith.constant 0 : i32
      %dma_start3A_40 = tpu.memref_slice %arg9[%dma_start3A_38, %dma_start3A_39] : memref<50x40xi32, #tpu.memory_space<vmem>> -> memref<1x40xi32, #tpu.memory_space<vmem>>
      %dma_start3A_41 = tpu.memref_squeeze %dma_start3A_40 : memref<1x40xi32, #tpu.memory_space<vmem>> -> memref<40xi32, #tpu.memory_space<vmem>>
      %dma_start3A_42 = arith.constant 0 : i32
      %dma_start3A_43 = arith.constant 0 : i32
      %dma_start3A_44 = tpu.memref_slice %arg2[%dma_start3A_42, %dma_start3A_43] : memref<10000x128xf32, #tpu.memory_space<hbm>> -> memref<10000x128xf32, #tpu.memory_space<hbm>>
      tpu.enqueue_indirect_dma source(%dma_start3A_44 : memref<10000x128xf32, #tpu.memory_space<hbm>>) target(%arg14 : memref<40x128xf32, #tpu.memory_space<vmem>>) offsets(%dma_start3A_41 : memref<40xi32, #tpu.memory_space<vmem>>) semaphore(%arg20 : memref<!tpu.dma_semaphore, #tpu.memory_space<semaphore_mem>>)
      %dma_start3A_45 = arith.constant 4 : i32
      %dma_start3A_46 = arith.constant 0 : i32
      %dma_start3A_47 = tpu.memref_slice %arg9[%dma_start3A_45, %dma_start3A_46] : memref<50x40xi32, #tpu.memory_space<vmem>> -> memref<1x40xi32, #tpu.memory_space<vmem>>
      %dma_start3A_48 = tpu.memref_squeeze %dma_start3A_47 : memref<1x40xi32, #tpu.memory_space<vmem>> -> memref<40xi32, #tpu.memory_space<vmem>>
      %dma_start3A_49 = arith.constant 0 : i32
      %dma_start3A_50 = arith.constant 0 : i32
      %dma_start3A_51 = tpu.memref_slice %arg2[%dma_start3A_49, %dma_start3A_50] : memref<10000x128xf32, #tpu.memory_space<hbm>> -> memref<10000x128xf32, #tpu.memory_space<hbm>>
      tpu.enqueue_indirect_dma source(%dma_start3A_51 : memref<10000x128xf32, #tpu.memory_space<hbm>>) target(%arg15 : memref<40x128xf32, #tpu.memory_space<vmem>>) offsets(%dma_start3A_48 : memref<40xi32, #tpu.memory_space<vmem>>) semaphore(%arg21 : memref<!tpu.dma_semaphore, #tpu.memory_space<semaphore_mem>>)
      %scan3A_52 = arith.constant 0 : i32
      %scan3A_53 = arith.constant 10 : i32
      %scan3A_54 = arith.addi %scan3A_52, %scan3A_53 : i32
      %scan3A_55 = arith.constant 1 : i32
      scf.for %scan3A_96 = %scan3A_52 to %scan3A_54 step %scan3A_55  : i32 {
        %mul3A_97 = arith.constant 1 : i32
        %mul3A_98 = arith.muli %scan3A_96, %mul3A_97 : i32
        %add3A_99 = arith.constant 0 : i32
        %add3A_100 = arith.addi %add3A_99, %mul3A_98 : i32
        %mul3A_101 = arith.constant 5 : i32
        %mul3A_102 = arith.muli %add3A_100, %mul3A_101 : i32
        %add3A_103 = arith.constant 0 : i32
        %add3A_104 = arith.addi %mul3A_102, %add3A_103 : i32
        %dma_wait3A_105 = arith.constant 0 : i32
        %dma_wait3A_106 = tpu.memref_slice %arg9[%add3A_104, %dma_wait3A_105] : memref<50x40xi32, #tpu.memory_space<vmem>> -> memref<1x40xi32, #tpu.memory_space<vmem>>
        %dma_wait3A_107 = tpu.memref_squeeze %dma_wait3A_106 : memref<1x40xi32, #tpu.memory_space<vmem>> -> memref<40xi32, #tpu.memory_space<vmem>>
        %dma_wait3A_108 = arith.constant 0 : i32
        %dma_wait3A_109 = arith.constant 0 : i32
        %dma_wait3A_110 = tpu.memref_slice %arg2[%dma_wait3A_108, %dma_wait3A_109] : memref<10000x128xf32, #tpu.memory_space<hbm>> -> memref<10000x128xf32, #tpu.memory_space<hbm>>
        tpu.wait_indirect_dma semaphore(%arg17 : memref<!tpu.dma_semaphore, #tpu.memory_space<semaphore_mem>>) src(%dma_wait3A_110 : memref<10000x128xf32, #tpu.memory_space<hbm>>) dst(%arg11 : memref<40x128xf32, #tpu.memory_space<vmem>>)
        %add3A_111 = arith.constant 0 : i32
        %add3A_112 = arith.addi %mul3A_102, %add3A_111 : i32
        %dma_start3A_113 = arith.constant 0 : i32
        %dma_start3A_114 = tpu.memref_slice %arg10[%add3A_112, %dma_start3A_113] : memref<50x40xi32, #tpu.memory_space<vmem>> -> memref<1x40xi32, #tpu.memory_space<vmem>>
        %dma_start3A_115 = tpu.memref_squeeze %dma_start3A_114 : memref<1x40xi32, #tpu.memory_space<vmem>> -> memref<40xi32, #tpu.memory_space<vmem>>
        %dma_start3A_116 = arith.constant 0 : i32
        %dma_start3A_117 = arith.constant 0 : i32
        %dma_start3A_118 = tpu.memref_slice %arg28[%dma_start3A_116, %dma_start3A_117] : memref<10000x128xf32, #tpu.memory_space<vmem_shared>> -> memref<10000x128xf32, #tpu.memory_space<vmem_shared>>
        tpu.enqueue_indirect_dma source(%arg11 : memref<40x128xf32, #tpu.memory_space<vmem>>) target(%dma_start3A_118 : memref<10000x128xf32, #tpu.memory_space<vmem_shared>>) offsets(%dma_start3A_115 : memref<40xi32, #tpu.memory_space<vmem>>) semaphore(%arg22 : memref<!tpu.dma_semaphore, #tpu.memory_space<semaphore_mem>>) {add = true}
        %add3A_119 = arith.constant 0 : i32
        %add3A_120 = arith.addi %mul3A_102, %add3A_119 : i32
        %dma_start3A_121 = arith.constant 0 : i32
        %dma_start3A_122 = tpu.memref_slice %arg10[%add3A_120, %dma_start3A_121] : memref<50x40xi32, #tpu.memory_space<vmem>> -> memref<1x40xi32, #tpu.memory_space<vmem>>
        %dma_start3A_123 = tpu.memref_squeeze %dma_start3A_122 : memref<1x40xi32, #tpu.memory_space<vmem>> -> memref<40xi32, #tpu.memory_space<vmem>>
        %dma_start3A_124 = arith.constant 0 : i32
        %dma_start3A_125 = arith.constant 0 : i32
        %dma_start3A_126 = tpu.memref_slice %arg29[%dma_start3A_124, %dma_start3A_125] : memref<10000x16xf32, #tpu.memory_space<vmem_shared>> -> memref<10000x16xf32, #tpu.memory_space<vmem_shared>>
        tpu.enqueue_indirect_dma source(%arg16 : memref<40x16xf32, #tpu.memory_space<vmem>>) target(%dma_start3A_126 : memref<10000x16xf32, #tpu.memory_space<vmem_shared>>) offsets(%dma_start3A_123 : memref<40xi32, #tpu.memory_space<vmem>>) semaphore(%arg27 : memref<!tpu.dma_semaphore, #tpu.memory_space<semaphore_mem>>) {add = true}
        %add3A_127 = arith.constant 1 : i32
        %add3A_128 = arith.addi %mul3A_102, %add3A_127 : i32
        %dma_wait3A_129 = arith.constant 0 : i32
        %dma_wait3A_130 = tpu.memref_slice %arg9[%add3A_128, %dma_wait3A_129] : memref<50x40xi32, #tpu.memory_space<vmem>> -> memref<1x40xi32, #tpu.memory_space<vmem>>
        %dma_wait3A_131 = tpu.memref_squeeze %dma_wait3A_130 : memref<1x40xi32, #tpu.memory_space<vmem>> -> memref<40xi32, #tpu.memory_space<vmem>>
        %dma_wait3A_132 = arith.constant 0 : i32
        %dma_wait3A_133 = arith.constant 0 : i32
        %dma_wait3A_134 = tpu.memref_slice %arg2[%dma_wait3A_132, %dma_wait3A_133] : memref<10000x128xf32, #tpu.memory_space<hbm>> -> memref<10000x128xf32, #tpu.memory_space<hbm>>
        tpu.wait_indirect_dma semaphore(%arg18 : memref<!tpu.dma_semaphore, #tpu.memory_space<semaphore_mem>>) src(%dma_wait3A_134 : memref<10000x128xf32, #tpu.memory_space<hbm>>) dst(%arg12 : memref<40x128xf32, #tpu.memory_space<vmem>>)
        %add3A_135 = arith.constant 1 : i32
        %add3A_136 = arith.addi %mul3A_102, %add3A_135 : i32
        %dma_start3A_137 = arith.constant 0 : i32
        %dma_start3A_138 = tpu.memref_slice %arg10[%add3A_136, %dma_start3A_137] : memref<50x40xi32, #tpu.memory_space<vmem>> -> memref<1x40xi32, #tpu.memory_space<vmem>>
        %dma_start3A_139 = tpu.memref_squeeze %dma_start3A_138 : memref<1x40xi32, #tpu.memory_space<vmem>> -> memref<40xi32, #tpu.memory_space<vmem>>
        %dma_start3A_140 = arith.constant 0 : i32
        %dma_start3A_141 = arith.constant 0 : i32
        %dma_start3A_142 = tpu.memref_slice %arg28[%dma_start3A_140, %dma_start3A_141] : memref<10000x128xf32, #tpu.memory_space<vmem_shared>> -> memref<10000x128xf32, #tpu.memory_space<vmem_shared>>
        tpu.enqueue_indirect_dma source(%arg12 : memref<40x128xf32, #tpu.memory_space<vmem>>) target(%dma_start3A_142 : memref<10000x128xf32, #tpu.memory_space<vmem_shared>>) offsets(%dma_start3A_139 : memref<40xi32, #tpu.memory_space<vmem>>) semaphore(%arg23 : memref<!tpu.dma_semaphore, #tpu.memory_space<semaphore_mem>>) {add = true}
        %add3A_143 = arith.constant 1 : i32
        %add3A_144 = arith.addi %mul3A_102, %add3A_143 : i32
        %dma_start3A_145 = arith.constant 0 : i32
        %dma_start3A_146 = tpu.memref_slice %arg10[%add3A_144, %dma_start3A_145] : memref<50x40xi32, #tpu.memory_space<vmem>> -> memref<1x40xi32, #tpu.memory_space<vmem>>
        %dma_start3A_147 = tpu.memref_squeeze %dma_start3A_146 : memref<1x40xi32, #tpu.memory_space<vmem>> -> memref<40xi32, #tpu.memory_space<vmem>>
        %dma_start3A_148 = arith.constant 0 : i32
        %dma_start3A_149 = arith.constant 0 : i32
        %dma_start3A_150 = tpu.memref_slice %arg29[%dma_start3A_148, %dma_start3A_149] : memref<10000x16xf32, #tpu.memory_space<vmem_shared>> -> memref<10000x16xf32, #tpu.memory_space<vmem_shared>>
        tpu.enqueue_indirect_dma source(%arg16 : memref<40x16xf32, #tpu.memory_space<vmem>>) target(%dma_start3A_150 : memref<10000x16xf32, #tpu.memory_space<vmem_shared>>) offsets(%dma_start3A_147 : memref<40xi32, #tpu.memory_space<vmem>>) semaphore(%arg27 : memref<!tpu.dma_semaphore, #tpu.memory_space<semaphore_mem>>) {add = true}
        %add3A_151 = arith.constant 2 : i32
        %add3A_152 = arith.addi %mul3A_102, %add3A_151 : i32
        %dma_wait3A_153 = arith.constant 0 : i32
        %dma_wait3A_154 = tpu.memref_slice %arg9[%add3A_152, %dma_wait3A_153] : memref<50x40xi32, #tpu.memory_space<vmem>> -> memref<1x40xi32, #tpu.memory_space<vmem>>
        %dma_wait3A_155 = tpu.memref_squeeze %dma_wait3A_154 : memref<1x40xi32, #tpu.memory_space<vmem>> -> memref<40xi32, #tpu.memory_space<vmem>>
        %dma_wait3A_156 = arith.constant 0 : i32
        %dma_wait3A_157 = arith.constant 0 : i32
        %dma_wait3A_158 = tpu.memref_slice %arg2[%dma_wait3A_156, %dma_wait3A_157] : memref<10000x128xf32, #tpu.memory_space<hbm>> -> memref<10000x128xf32, #tpu.memory_space<hbm>>
        tpu.wait_indirect_dma semaphore(%arg19 : memref<!tpu.dma_semaphore, #tpu.memory_space<semaphore_mem>>) src(%dma_wait3A_158 : memref<10000x128xf32, #tpu.memory_space<hbm>>) dst(%arg13 : memref<40x128xf32, #tpu.memory_space<vmem>>)
        %add3A_159 = arith.constant 2 : i32
        %add3A_160 = arith.addi %mul3A_102, %add3A_159 : i32
        %dma_start3A_161 = arith.constant 0 : i32
        %dma_start3A_162 = tpu.memref_slice %arg10[%add3A_160, %dma_start3A_161] : memref<50x40xi32, #tpu.memory_space<vmem>> -> memref<1x40xi32, #tpu.memory_space<vmem>>
        %dma_start3A_163 = tpu.memref_squeeze %dma_start3A_162 : memref<1x40xi32, #tpu.memory_space<vmem>> -> memref<40xi32, #tpu.memory_space<vmem>>
        %dma_start3A_164 = arith.constant 0 : i32
        %dma_start3A_165 = arith.constant 0 : i32
        %dma_start3A_166 = tpu.memref_slice %arg28[%dma_start3A_164, %dma_start3A_165] : memref<10000x128xf32, #tpu.memory_space<vmem_shared>> -> memref<10000x128xf32, #tpu.memory_space<vmem_shared>>
        tpu.enqueue_indirect_dma source(%arg13 : memref<40x128xf32, #tpu.memory_space<vmem>>) target(%dma_start3A_166 : memref<10000x128xf32, #tpu.memory_space<vmem_shared>>) offsets(%dma_start3A_163 : memref<40xi32, #tpu.memory_space<vmem>>) semaphore(%arg24 : memref<!tpu.dma_semaphore, #tpu.memory_space<semaphore_mem>>) {add = true}
        %add3A_167 = arith.constant 2 : i32
        %add3A_168 = arith.addi %mul3A_102, %add3A_167 : i32
        %dma_start3A_169 = arith.constant 0 : i32
        %dma_start3A_170 = tpu.memref_slice %arg10[%add3A_168, %dma_start3A_169] : memref<50x40xi32, #tpu.memory_space<vmem>> -> memref<1x40xi32, #tpu.memory_space<vmem>>
        %dma_start3A_171 = tpu.memref_squeeze %dma_start3A_170 : memref<1x40xi32, #tpu.memory_space<vmem>> -> memref<40xi32, #tpu.memory_space<vmem>>
        %dma_start3A_172 = arith.constant 0 : i32
        %dma_start3A_173 = arith.constant 0 : i32
        %dma_start3A_174 = tpu.memref_slice %arg29[%dma_start3A_172, %dma_start3A_173] : memref<10000x16xf32, #tpu.memory_space<vmem_shared>> -> memref<10000x16xf32, #tpu.memory_space<vmem_shared>>
        tpu.enqueue_indirect_dma source(%arg16 : memref<40x16xf32, #tpu.memory_space<vmem>>) target(%dma_start3A_174 : memref<10000x16xf32, #tpu.memory_space<vmem_shared>>) offsets(%dma_start3A_171 : memref<40xi32, #tpu.memory_space<vmem>>) semaphore(%arg27 : memref<!tpu.dma_semaphore, #tpu.memory_space<semaphore_mem>>) {add = true}
        %add3A_175 = arith.constant 3 : i32
        %add3A_176 = arith.addi %mul3A_102, %add3A_175 : i32
        %dma_wait3A_177 = arith.constant 0 : i32
        %dma_wait3A_178 = tpu.memref_slice %arg9[%add3A_176, %dma_wait3A_177] : memref<50x40xi32, #tpu.memory_space<vmem>> -> memref<1x40xi32, #tpu.memory_space<vmem>>
        %dma_wait3A_179 = tpu.memref_squeeze %dma_wait3A_178 : memref<1x40xi32, #tpu.memory_space<vmem>> -> memref<40xi32, #tpu.memory_space<vmem>>
        %dma_wait3A_180 = arith.constant 0 : i32
        %dma_wait3A_181 = arith.constant 0 : i32
        %dma_wait3A_182 = tpu.memref_slice %arg2[%dma_wait3A_180, %dma_wait3A_181] : memref<10000x128xf32, #tpu.memory_space<hbm>> -> memref<10000x128xf32, #tpu.memory_space<hbm>>
        tpu.wait_indirect_dma semaphore(%arg20 : memref<!tpu.dma_semaphore, #tpu.memory_space<semaphore_mem>>) src(%dma_wait3A_182 : memref<10000x128xf32, #tpu.memory_space<hbm>>) dst(%arg14 : memref<40x128xf32, #tpu.memory_space<vmem>>)
        %add3A_183 = arith.constant 3 : i32
        %add3A_184 = arith.addi %mul3A_102, %add3A_183 : i32
        %dma_start3A_185 = arith.constant 0 : i32
        %dma_start3A_186 = tpu.memref_slice %arg10[%add3A_184, %dma_start3A_185] : memref<50x40xi32, #tpu.memory_space<vmem>> -> memref<1x40xi32, #tpu.memory_space<vmem>>
        %dma_start3A_187 = tpu.memref_squeeze %dma_start3A_186 : memref<1x40xi32, #tpu.memory_space<vmem>> -> memref<40xi32, #tpu.memory_space<vmem>>
        %dma_start3A_188 = arith.constant 0 : i32
        %dma_start3A_189 = arith.constant 0 : i32
        %dma_start3A_190 = tpu.memref_slice %arg28[%dma_start3A_188, %dma_start3A_189] : memref<10000x128xf32, #tpu.memory_space<vmem_shared>> -> memref<10000x128xf32, #tpu.memory_space<vmem_shared>>
        tpu.enqueue_indirect_dma source(%arg14 : memref<40x128xf32, #tpu.memory_space<vmem>>) target(%dma_start3A_190 : memref<10000x128xf32, #tpu.memory_space<vmem_shared>>) offsets(%dma_start3A_187 : memref<40xi32, #tpu.memory_space<vmem>>) semaphore(%arg25 : memref<!tpu.dma_semaphore, #tpu.memory_space<semaphore_mem>>) {add = true}
        %add3A_191 = arith.constant 3 : i32
        %add3A_192 = arith.addi %mul3A_102, %add3A_191 : i32
        %dma_start3A_193 = arith.constant 0 : i32
        %dma_start3A_194 = tpu.memref_slice %arg10[%add3A_192, %dma_start3A_193] : memref<50x40xi32, #tpu.memory_space<vmem>> -> memref<1x40xi32, #tpu.memory_space<vmem>>
        %dma_start3A_195 = tpu.memref_squeeze %dma_start3A_194 : memref<1x40xi32, #tpu.memory_space<vmem>> -> memref<40xi32, #tpu.memory_space<vmem>>
        %dma_start3A_196 = arith.constant 0 : i32
        %dma_start3A_197 = arith.constant 0 : i32
        %dma_start3A_198 = tpu.memref_slice %arg29[%dma_start3A_196, %dma_start3A_197] : memref<10000x16xf32, #tpu.memory_space<vmem_shared>> -> memref<10000x16xf32, #tpu.memory_space<vmem_shared>>
        tpu.enqueue_indirect_dma source(%arg16 : memref<40x16xf32, #tpu.memory_space<vmem>>) target(%dma_start3A_198 : memref<10000x16xf32, #tpu.memory_space<vmem_shared>>) offsets(%dma_start3A_195 : memref<40xi32, #tpu.memory_space<vmem>>) semaphore(%arg27 : memref<!tpu.dma_semaphore, #tpu.memory_space<semaphore_mem>>) {add = true}
        %add3A_199 = arith.constant 4 : i32
        %add3A_200 = arith.addi %mul3A_102, %add3A_199 : i32
        %dma_wait3A_201 = arith.constant 0 : i32
        %dma_wait3A_202 = tpu.memref_slice %arg9[%add3A_200, %dma_wait3A_201] : memref<50x40xi32, #tpu.memory_space<vmem>> -> memref<1x40xi32, #tpu.memory_space<vmem>>
        %dma_wait3A_203 = tpu.memref_squeeze %dma_wait3A_202 : memref<1x40xi32, #tpu.memory_space<vmem>> -> memref<40xi32, #tpu.memory_space<vmem>>
        %dma_wait3A_204 = arith.constant 0 : i32
        %dma_wait3A_205 = arith.constant 0 : i32
        %dma_wait3A_206 = tpu.memref_slice %arg2[%dma_wait3A_204, %dma_wait3A_205] : memref<10000x128xf32, #tpu.memory_space<hbm>> -> memref<10000x128xf32, #tpu.memory_space<hbm>>
        tpu.wait_indirect_dma semaphore(%arg21 : memref<!tpu.dma_semaphore, #tpu.memory_space<semaphore_mem>>) src(%dma_wait3A_206 : memref<10000x128xf32, #tpu.memory_space<hbm>>) dst(%arg15 : memref<40x128xf32, #tpu.memory_space<vmem>>)
        %add3A_207 = arith.constant 4 : i32
        %add3A_208 = arith.addi %mul3A_102, %add3A_207 : i32
        %dma_start3A_209 = arith.constant 0 : i32
        %dma_start3A_210 = tpu.memref_slice %arg10[%add3A_208, %dma_start3A_209] : memref<50x40xi32, #tpu.memory_space<vmem>> -> memref<1x40xi32, #tpu.memory_space<vmem>>
        %dma_start3A_211 = tpu.memref_squeeze %dma_start3A_210 : memref<1x40xi32, #tpu.memory_space<vmem>> -> memref<40xi32, #tpu.memory_space<vmem>>
        %dma_start3A_212 = arith.constant 0 : i32
        %dma_start3A_213 = arith.constant 0 : i32
        %dma_start3A_214 = tpu.memref_slice %arg28[%dma_start3A_212, %dma_start3A_213] : memref<10000x128xf32, #tpu.memory_space<vmem_shared>> -> memref<10000x128xf32, #tpu.memory_space<vmem_shared>>
        tpu.enqueue_indirect_dma source(%arg15 : memref<40x128xf32, #tpu.memory_space<vmem>>) target(%dma_start3A_214 : memref<10000x128xf32, #tpu.memory_space<vmem_shared>>) offsets(%dma_start3A_211 : memref<40xi32, #tpu.memory_space<vmem>>) semaphore(%arg26 : memref<!tpu.dma_semaphore, #tpu.memory_space<semaphore_mem>>) {add = true}
        %add3A_215 = arith.constant 4 : i32
        %add3A_216 = arith.addi %mul3A_102, %add3A_215 : i32
        %dma_start3A_217 = arith.constant 0 : i32
        %dma_start3A_218 = tpu.memref_slice %arg10[%add3A_216, %dma_start3A_217] : memref<50x40xi32, #tpu.memory_space<vmem>> -> memref<1x40xi32, #tpu.memory_space<vmem>>
        %dma_start3A_219 = tpu.memref_squeeze %dma_start3A_218 : memref<1x40xi32, #tpu.memory_space<vmem>> -> memref<40xi32, #tpu.memory_space<vmem>>
        %dma_start3A_220 = arith.constant 0 : i32
        %dma_start3A_221 = arith.constant 0 : i32
        %dma_start3A_222 = tpu.memref_slice %arg29[%dma_start3A_220, %dma_start3A_221] : memref<10000x16xf32, #tpu.memory_space<vmem_shared>> -> memref<10000x16xf32, #tpu.memory_space<vmem_shared>>
        tpu.enqueue_indirect_dma source(%arg16 : memref<40x16xf32, #tpu.memory_space<vmem>>) target(%dma_start3A_222 : memref<10000x16xf32, #tpu.memory_space<vmem_shared>>) offsets(%dma_start3A_219 : memref<40xi32, #tpu.memory_space<vmem>>) semaphore(%arg27 : memref<!tpu.dma_semaphore, #tpu.memory_space<semaphore_mem>>) {add = true}
        %lt3A = arith.constant 9 : i32
        %lt3A_223 = arith.cmpi slt, %add3A_100, %lt3A : i32
        %convert_element_type3A_224 = arith.extui %lt3A_223 : i1 to i32
        %cond3A_225 = arith.constant 0 : i32
        %cond3A_226 = arith.cmpi ne, %convert_element_type3A_224, %cond3A_225 : i32
        scf.if %cond3A_226 {
          %add3A_227 = arith.constant 0 : i32
          %add3A_228 = arith.addi %mul3A_102, %add3A_227 : i32
          %dma_wait3A_229 = arith.constant 0 : i32
          %dma_wait3A_230 = tpu.memref_slice %arg10[%add3A_228, %dma_wait3A_229] : memref<50x40xi32, #tpu.memory_space<vmem>> -> memref<1x40xi32, #tpu.memory_space<vmem>>
          %dma_wait3A_231 = tpu.memref_squeeze %dma_wait3A_230 : memref<1x40xi32, #tpu.memory_space<vmem>> -> memref<40xi32, #tpu.memory_space<vmem>>
          %dma_wait3A_232 = arith.constant 0 : i32
          %dma_wait3A_233 = arith.constant 0 : i32
          %dma_wait3A_234 = tpu.memref_slice %arg28[%dma_wait3A_232, %dma_wait3A_233] : memref<10000x128xf32, #tpu.memory_space<vmem_shared>> -> memref<10000x128xf32, #tpu.memory_space<vmem_shared>>
          tpu.wait_indirect_dma semaphore(%arg22 : memref<!tpu.dma_semaphore, #tpu.memory_space<semaphore_mem>>) src(%arg11 : memref<40x128xf32, #tpu.memory_space<vmem>>) dst(%dma_wait3A_234 : memref<10000x128xf32, #tpu.memory_space<vmem_shared>>)
          %add3A_235 = arith.constant 5 : i32
          %add3A_236 = arith.addi %mul3A_102, %add3A_235 : i32
          %add3A_237 = arith.constant 0 : i32
          %add3A_238 = arith.addi %add3A_236, %add3A_237 : i32
          %dma_start3A_239 = arith.constant 0 : i32
          %dma_start3A_240 = tpu.memref_slice %arg9[%add3A_238, %dma_start3A_239] : memref<50x40xi32, #tpu.memory_space<vmem>> -> memref<1x40xi32, #tpu.memory_space<vmem>>
          %dma_start3A_241 = tpu.memref_squeeze %dma_start3A_240 : memref<1x40xi32, #tpu.memory_space<vmem>> -> memref<40xi32, #tpu.memory_space<vmem>>
          %dma_start3A_242 = arith.constant 0 : i32
          %dma_start3A_243 = arith.constant 0 : i32
          %dma_start3A_244 = tpu.memref_slice %arg2[%dma_start3A_242, %dma_start3A_243] : memref<10000x128xf32, #tpu.memory_space<hbm>> -> memref<10000x128xf32, #tpu.memory_space<hbm>>
          tpu.enqueue_indirect_dma source(%dma_start3A_244 : memref<10000x128xf32, #tpu.memory_space<hbm>>) target(%arg11 : memref<40x128xf32, #tpu.memory_space<vmem>>) offsets(%dma_start3A_241 : memref<40xi32, #tpu.memory_space<vmem>>) semaphore(%arg17 : memref<!tpu.dma_semaphore, #tpu.memory_space<semaphore_mem>>)
          %add3A_245 = arith.constant 1 : i32
          %add3A_246 = arith.addi %mul3A_102, %add3A_245 : i32
          %dma_wait3A_247 = arith.constant 0 : i32
          %dma_wait3A_248 = tpu.memref_slice %arg10[%add3A_246, %dma_wait3A_247] : memref<50x40xi32, #tpu.memory_space<vmem>> -> memref<1x40xi32, #tpu.memory_space<vmem>>
          %dma_wait3A_249 = tpu.memref_squeeze %dma_wait3A_248 : memref<1x40xi32, #tpu.memory_space<vmem>> -> memref<40xi32, #tpu.memory_space<vmem>>
          %dma_wait3A_250 = arith.constant 0 : i32
          %dma_wait3A_251 = arith.constant 0 : i32
          %dma_wait3A_252 = tpu.memref_slice %arg28[%dma_wait3A_250, %dma_wait3A_251] : memref<10000x128xf32, #tpu.memory_space<vmem_shared>> -> memref<10000x128xf32, #tpu.memory_space<vmem_shared>>
          tpu.wait_indirect_dma semaphore(%arg23 : memref<!tpu.dma_semaphore, #tpu.memory_space<semaphore_mem>>) src(%arg12 : memref<40x128xf32, #tpu.memory_space<vmem>>) dst(%dma_wait3A_252 : memref<10000x128xf32, #tpu.memory_space<vmem_shared>>)
          %add3A_253 = arith.constant 5 : i32
          %add3A_254 = arith.addi %mul3A_102, %add3A_253 : i32
          %add3A_255 = arith.constant 1 : i32
          %add3A_256 = arith.addi %add3A_254, %add3A_255 : i32
          %dma_start3A_257 = arith.constant 0 : i32
          %dma_start3A_258 = tpu.memref_slice %arg9[%add3A_256, %dma_start3A_257] : memref<50x40xi32, #tpu.memory_space<vmem>> -> memref<1x40xi32, #tpu.memory_space<vmem>>
          %dma_start3A_259 = tpu.memref_squeeze %dma_start3A_258 : memref<1x40xi32, #tpu.memory_space<vmem>> -> memref<40xi32, #tpu.memory_space<vmem>>
          %dma_start3A_260 = arith.constant 0 : i32
          %dma_start3A_261 = arith.constant 0 : i32
          %dma_start3A_262 = tpu.memref_slice %arg2[%dma_start3A_260, %dma_start3A_261] : memref<10000x128xf32, #tpu.memory_space<hbm>> -> memref<10000x128xf32, #tpu.memory_space<hbm>>
          tpu.enqueue_indirect_dma source(%dma_start3A_262 : memref<10000x128xf32, #tpu.memory_space<hbm>>) target(%arg12 : memref<40x128xf32, #tpu.memory_space<vmem>>) offsets(%dma_start3A_259 : memref<40xi32, #tpu.memory_space<vmem>>) semaphore(%arg18 : memref<!tpu.dma_semaphore, #tpu.memory_space<semaphore_mem>>)
          %add3A_263 = arith.constant 2 : i32
          %add3A_264 = arith.addi %mul3A_102, %add3A_263 : i32
          %dma_wait3A_265 = arith.constant 0 : i32
          %dma_wait3A_266 = tpu.memref_slice %arg10[%add3A_264, %dma_wait3A_265] : memref<50x40xi32, #tpu.memory_space<vmem>> -> memref<1x40xi32, #tpu.memory_space<vmem>>
          %dma_wait3A_267 = tpu.memref_squeeze %dma_wait3A_266 : memref<1x40xi32, #tpu.memory_space<vmem>> -> memref<40xi32, #tpu.memory_space<vmem>>
          %dma_wait3A_268 = arith.constant 0 : i32
          %dma_wait3A_269 = arith.constant 0 : i32
          %dma_wait3A_270 = tpu.memref_slice %arg28[%dma_wait3A_268, %dma_wait3A_269] : memref<10000x128xf32, #tpu.memory_space<vmem_shared>> -> memref<10000x128xf32, #tpu.memory_space<vmem_shared>>
          tpu.wait_indirect_dma semaphore(%arg24 : memref<!tpu.dma_semaphore, #tpu.memory_space<semaphore_mem>>) src(%arg13 : memref<40x128xf32, #tpu.memory_space<vmem>>) dst(%dma_wait3A_270 : memref<10000x128xf32, #tpu.memory_space<vmem_shared>>)
          %add3A_271 = arith.constant 5 : i32
          %add3A_272 = arith.addi %mul3A_102, %add3A_271 : i32
          %add3A_273 = arith.constant 2 : i32
          %add3A_274 = arith.addi %add3A_272, %add3A_273 : i32
          %dma_start3A_275 = arith.constant 0 : i32
          %dma_start3A_276 = tpu.memref_slice %arg9[%add3A_274, %dma_start3A_275] : memref<50x40xi32, #tpu.memory_space<vmem>> -> memref<1x40xi32, #tpu.memory_space<vmem>>
          %dma_start3A_277 = tpu.memref_squeeze %dma_start3A_276 : memref<1x40xi32, #tpu.memory_space<vmem>> -> memref<40xi32, #tpu.memory_space<vmem>>
          %dma_start3A_278 = arith.constant 0 : i32
          %dma_start3A_279 = arith.constant 0 : i32
          %dma_start3A_280 = tpu.memref_slice %arg2[%dma_start3A_278, %dma_start3A_279] : memref<10000x128xf32, #tpu.memory_space<hbm>> -> memref<10000x128xf32, #tpu.memory_space<hbm>>
          tpu.enqueue_indirect_dma source(%dma_start3A_280 : memref<10000x128xf32, #tpu.memory_space<hbm>>) target(%arg13 : memref<40x128xf32, #tpu.memory_space<vmem>>) offsets(%dma_start3A_277 : memref<40xi32, #tpu.memory_space<vmem>>) semaphore(%arg19 : memref<!tpu.dma_semaphore, #tpu.memory_space<semaphore_mem>>)
          %add3A_281 = arith.constant 3 : i32
          %add3A_282 = arith.addi %mul3A_102, %add3A_281 : i32
          %dma_wait3A_283 = arith.constant 0 : i32
          %dma_wait3A_284 = tpu.memref_slice %arg10[%add3A_282, %dma_wait3A_283] : memref<50x40xi32, #tpu.memory_space<vmem>> -> memref<1x40xi32, #tpu.memory_space<vmem>>
          %dma_wait3A_285 = tpu.memref_squeeze %dma_wait3A_284 : memref<1x40xi32, #tpu.memory_space<vmem>> -> memref<40xi32, #tpu.memory_space<vmem>>
          %dma_wait3A_286 = arith.constant 0 : i32
          %dma_wait3A_287 = arith.constant 0 : i32
          %dma_wait3A_288 = tpu.memref_slice %arg28[%dma_wait3A_286, %dma_wait3A_287] : memref<10000x128xf32, #tpu.memory_space<vmem_shared>> -> memref<10000x128xf32, #tpu.memory_space<vmem_shared>>
          tpu.wait_indirect_dma semaphore(%arg25 : memref<!tpu.dma_semaphore, #tpu.memory_space<semaphore_mem>>) src(%arg14 : memref<40x128xf32, #tpu.memory_space<vmem>>) dst(%dma_wait3A_288 : memref<10000x128xf32, #tpu.memory_space<vmem_shared>>)
          %add3A_289 = arith.constant 5 : i32
          %add3A_290 = arith.addi %mul3A_102, %add3A_289 : i32
          %add3A_291 = arith.constant 3 : i32
          %add3A_292 = arith.addi %add3A_290, %add3A_291 : i32
          %dma_start3A_293 = arith.constant 0 : i32
          %dma_start3A_294 = tpu.memref_slice %arg9[%add3A_292, %dma_start3A_293] : memref<50x40xi32, #tpu.memory_space<vmem>> -> memref<1x40xi32, #tpu.memory_space<vmem>>
          %dma_start3A_295 = tpu.memref_squeeze %dma_start3A_294 : memref<1x40xi32, #tpu.memory_space<vmem>> -> memref<40xi32, #tpu.memory_space<vmem>>
          %dma_start3A_296 = arith.constant 0 : i32
          %dma_start3A_297 = arith.constant 0 : i32
          %dma_start3A_298 = tpu.memref_slice %arg2[%dma_start3A_296, %dma_start3A_297] : memref<10000x128xf32, #tpu.memory_space<hbm>> -> memref<10000x128xf32, #tpu.memory_space<hbm>>
          tpu.enqueue_indirect_dma source(%dma_start3A_298 : memref<10000x128xf32, #tpu.memory_space<hbm>>) target(%arg14 : memref<40x128xf32, #tpu.memory_space<vmem>>) offsets(%dma_start3A_295 : memref<40xi32, #tpu.memory_space<vmem>>) semaphore(%arg20 : memref<!tpu.dma_semaphore, #tpu.memory_space<semaphore_mem>>)
          %add3A_299 = arith.constant 4 : i32
          %add3A_300 = arith.addi %mul3A_102, %add3A_299 : i32
          %dma_wait3A_301 = arith.constant 0 : i32
          %dma_wait3A_302 = tpu.memref_slice %arg10[%add3A_300, %dma_wait3A_301] : memref<50x40xi32, #tpu.memory_space<vmem>> -> memref<1x40xi32, #tpu.memory_space<vmem>>
          %dma_wait3A_303 = tpu.memref_squeeze %dma_wait3A_302 : memref<1x40xi32, #tpu.memory_space<vmem>> -> memref<40xi32, #tpu.memory_space<vmem>>
          %dma_wait3A_304 = arith.constant 0 : i32
          %dma_wait3A_305 = arith.constant 0 : i32
          %dma_wait3A_306 = tpu.memref_slice %arg28[%dma_wait3A_304, %dma_wait3A_305] : memref<10000x128xf32, #tpu.memory_space<vmem_shared>> -> memref<10000x128xf32, #tpu.memory_space<vmem_shared>>
          tpu.wait_indirect_dma semaphore(%arg26 : memref<!tpu.dma_semaphore, #tpu.memory_space<semaphore_mem>>) src(%arg15 : memref<40x128xf32, #tpu.memory_space<vmem>>) dst(%dma_wait3A_306 : memref<10000x128xf32, #tpu.memory_space<vmem_shared>>)
          %add3A_307 = arith.constant 5 : i32
          %add3A_308 = arith.addi %mul3A_102, %add3A_307 : i32
          %add3A_309 = arith.constant 4 : i32
          %add3A_310 = arith.addi %add3A_308, %add3A_309 : i32
          %dma_start3A_311 = arith.constant 0 : i32
          %dma_start3A_312 = tpu.memref_slice %arg9[%add3A_310, %dma_start3A_311] : memref<50x40xi32, #tpu.memory_space<vmem>> -> memref<1x40xi32, #tpu.memory_space<vmem>>
          %dma_start3A_313 = tpu.memref_squeeze %dma_start3A_312 : memref<1x40xi32, #tpu.memory_space<vmem>> -> memref<40xi32, #tpu.memory_space<vmem>>
          %dma_start3A_314 = arith.constant 0 : i32
          %dma_start3A_315 = arith.constant 0 : i32
          %dma_start3A_316 = tpu.memref_slice %arg2[%dma_start3A_314, %dma_start3A_315] : memref<10000x128xf32, #tpu.memory_space<hbm>> -> memref<10000x128xf32, #tpu.memory_space<hbm>>
          tpu.enqueue_indirect_dma source(%dma_start3A_316 : memref<10000x128xf32, #tpu.memory_space<hbm>>) target(%arg15 : memref<40x128xf32, #tpu.memory_space<vmem>>) offsets(%dma_start3A_313 : memref<40xi32, #tpu.memory_space<vmem>>) semaphore(%arg21 : memref<!tpu.dma_semaphore, #tpu.memory_space<semaphore_mem>>)
        } else {
        }
      }
      %scan3A_56 = arith.constant 10 : i32
      %dma_wait3A = arith.constant 45 : i32
      %dma_wait3A_57 = arith.constant 0 : i32
      %dma_wait3A_58 = tpu.memref_slice %arg10[%dma_wait3A, %dma_wait3A_57] : memref<50x40xi32, #tpu.memory_space<vmem>> -> memref<1x40xi32, #tpu.memory_space<vmem>>
      %dma_wait3A_59 = tpu.memref_squeeze %dma_wait3A_58 : memref<1x40xi32, #tpu.memory_space<vmem>> -> memref<40xi32, #tpu.memory_space<vmem>>
      %dma_wait3A_60 = arith.constant 0 : i32
      %dma_wait3A_61 = arith.constant 0 : i32
      %dma_wait3A_62 = tpu.memref_slice %arg28[%dma_wait3A_60, %dma_wait3A_61] : memref<10000x128xf32, #tpu.memory_space<vmem_shared>> -> memref<10000x128xf32, #tpu.memory_space<vmem_shared>>
      tpu.wait_indirect_dma semaphore(%arg22 : memref<!tpu.dma_semaphore, #tpu.memory_space<semaphore_mem>>) src(%arg11 : memref<40x128xf32, #tpu.memory_space<vmem>>) dst(%dma_wait3A_62 : memref<10000x128xf32, #tpu.memory_space<vmem_shared>>)
      %dma_wait3A_63 = arith.constant 46 : i32
      %dma_wait3A_64 = arith.constant 0 : i32
      %dma_wait3A_65 = tpu.memref_slice %arg10[%dma_wait3A_63, %dma_wait3A_64] : memref<50x40xi32, #tpu.memory_space<vmem>> -> memref<1x40xi32, #tpu.memory_space<vmem>>
      %dma_wait3A_66 = tpu.memref_squeeze %dma_wait3A_65 : memref<1x40xi32, #tpu.memory_space<vmem>> -> memref<40xi32, #tpu.memory_space<vmem>>
      %dma_wait3A_67 = arith.constant 0 : i32
      %dma_wait3A_68 = arith.constant 0 : i32
      %dma_wait3A_69 = tpu.memref_slice %arg28[%dma_wait3A_67, %dma_wait3A_68] : memref<10000x128xf32, #tpu.memory_space<vmem_shared>> -> memref<10000x128xf32, #tpu.memory_space<vmem_shared>>
      tpu.wait_indirect_dma semaphore(%arg23 : memref<!tpu.dma_semaphore, #tpu.memory_space<semaphore_mem>>) src(%arg12 : memref<40x128xf32, #tpu.memory_space<vmem>>) dst(%dma_wait3A_69 : memref<10000x128xf32, #tpu.memory_space<vmem_shared>>)
      %dma_wait3A_70 = arith.constant 47 : i32
      %dma_wait3A_71 = arith.constant 0 : i32
      %dma_wait3A_72 = tpu.memref_slice %arg10[%dma_wait3A_70, %dma_wait3A_71] : memref<50x40xi32, #tpu.memory_space<vmem>> -> memref<1x40xi32, #tpu.memory_space<vmem>>
      %dma_wait3A_73 = tpu.memref_squeeze %dma_wait3A_72 : memref<1x40xi32, #tpu.memory_space<vmem>> -> memref<40xi32, #tpu.memory_space<vmem>>
      %dma_wait3A_74 = arith.constant 0 : i32
      %dma_wait3A_75 = arith.constant 0 : i32
      %dma_wait3A_76 = tpu.memref_slice %arg28[%dma_wait3A_74, %dma_wait3A_75] : memref<10000x128xf32, #tpu.memory_space<vmem_shared>> -> memref<10000x128xf32, #tpu.memory_space<vmem_shared>>
      tpu.wait_indirect_dma semaphore(%arg24 : memref<!tpu.dma_semaphore, #tpu.memory_space<semaphore_mem>>) src(%arg13 : memref<40x128xf32, #tpu.memory_space<vmem>>) dst(%dma_wait3A_76 : memref<10000x128xf32, #tpu.memory_space<vmem_shared>>)
      %dma_wait3A_77 = arith.constant 48 : i32
      %dma_wait3A_78 = arith.constant 0 : i32
      %dma_wait3A_79 = tpu.memref_slice %arg10[%dma_wait3A_77, %dma_wait3A_78] : memref<50x40xi32, #tpu.memory_space<vmem>> -> memref<1x40xi32, #tpu.memory_space<vmem>>
      %dma_wait3A_80 = tpu.memref_squeeze %dma_wait3A_79 : memref<1x40xi32, #tpu.memory_space<vmem>> -> memref<40xi32, #tpu.memory_space<vmem>>
      %dma_wait3A_81 = arith.constant 0 : i32
      %dma_wait3A_82 = arith.constant 0 : i32
      %dma_wait3A_83 = tpu.memref_slice %arg28[%dma_wait3A_81, %dma_wait3A_82] : memref<10000x128xf32, #tpu.memory_space<vmem_shared>> -> memref<10000x128xf32, #tpu.memory_space<vmem_shared>>
      tpu.wait_indirect_dma semaphore(%arg25 : memref<!tpu.dma_semaphore, #tpu.memory_space<semaphore_mem>>) src(%arg14 : memref<40x128xf32, #tpu.memory_space<vmem>>) dst(%dma_wait3A_83 : memref<10000x128xf32, #tpu.memory_space<vmem_shared>>)
      %dma_wait3A_84 = arith.constant 49 : i32
      %dma_wait3A_85 = arith.constant 0 : i32
      %dma_wait3A_86 = tpu.memref_slice %arg10[%dma_wait3A_84, %dma_wait3A_85] : memref<50x40xi32, #tpu.memory_space<vmem>> -> memref<1x40xi32, #tpu.memory_space<vmem>>
      %dma_wait3A_87 = tpu.memref_squeeze %dma_wait3A_86 : memref<1x40xi32, #tpu.memory_space<vmem>> -> memref<40xi32, #tpu.memory_space<vmem>>
      %dma_wait3A_88 = arith.constant 0 : i32
      %dma_wait3A_89 = arith.constant 0 : i32
      %dma_wait3A_90 = tpu.memref_slice %arg28[%dma_wait3A_88, %dma_wait3A_89] : memref<10000x128xf32, #tpu.memory_space<vmem_shared>> -> memref<10000x128xf32, #tpu.memory_space<vmem_shared>>
      tpu.wait_indirect_dma semaphore(%arg26 : memref<!tpu.dma_semaphore, #tpu.memory_space<semaphore_mem>>) src(%arg15 : memref<40x128xf32, #tpu.memory_space<vmem>>) dst(%dma_wait3A_90 : memref<10000x128xf32, #tpu.memory_space<vmem_shared>>)
      %scan3A_91 = arith.constant 0 : i32
      %scan3A_92 = arith.constant 50 : i32
      %scan3A_93 = arith.addi %scan3A_91, %scan3A_92 : i32
      %scan3A_94 = arith.constant 1 : i32
      scf.for %scan3A_96 = %scan3A_91 to %scan3A_93 step %scan3A_94  : i32 {
        %mul3A_97 = arith.constant 1 : i32
        %mul3A_98 = arith.muli %scan3A_96, %mul3A_97 : i32
        %add3A_99 = arith.constant 0 : i32
        %add3A_100 = arith.addi %add3A_99, %mul3A_98 : i32
        %dma_wait3A_101 = arith.constant 0 : i32
        %dma_wait3A_102 = tpu.memref_slice %arg10[%add3A_100, %dma_wait3A_101] : memref<50x40xi32, #tpu.memory_space<vmem>> -> memref<1x40xi32, #tpu.memory_space<vmem>>
        %dma_wait3A_103 = tpu.memref_squeeze %dma_wait3A_102 : memref<1x40xi32, #tpu.memory_space<vmem>> -> memref<40xi32, #tpu.memory_space<vmem>>
        %dma_wait3A_104 = arith.constant 0 : i32
        %dma_wait3A_105 = arith.constant 0 : i32
        %dma_wait3A_106 = tpu.memref_slice %arg29[%dma_wait3A_104, %dma_wait3A_105] : memref<10000x16xf32, #tpu.memory_space<vmem_shared>> -> memref<10000x16xf32, #tpu.memory_space<vmem_shared>>
        tpu.wait_indirect_dma semaphore(%arg27 : memref<!tpu.dma_semaphore, #tpu.memory_space<semaphore_mem>>) src(%arg16 : memref<40x16xf32, #tpu.memory_space<vmem>>) dst(%dma_wait3A_106 : memref<10000x16xf32, #tpu.memory_space<vmem_shared>>)
      }
      %scan3A_95 = arith.constant 50 : i32
    }
    %scan3A_5 = arith.constant 5 : i32
    %barrier3A_6 = arith.constant 0 : index
    tpu.barrier barrier_id(%barrier3A_6)
    %mul3A = arith.constant 624 : i32
    %mul3A_7 = arith.muli %arg1, %mul3A : i32
    "tpu.region"() ({
      %run_scoped3A = tpu.sem_alloc : memref<!tpu.dma_semaphore, #tpu.memory_space<semaphore_mem>>
      %dma_start3A = arith.constant 0 : i32
      %dma_start3A_13 = tpu.memref_slice %arg7[%arg0, %mul3A_7, %dma_start3A] : memref<2x10000x128xf32, #tpu.memory_space<hbm>> -> memref<1x624x128xf32, #tpu.memory_space<hbm>>
      %dma_start3A_14 = tpu.memref_squeeze %dma_start3A_13 : memref<1x624x128xf32, #tpu.memory_space<hbm>> -> memref<624x128xf32, #tpu.memory_space<hbm>>
      %dma_start3A_15 = arith.constant 0 : i32
      %dma_start3A_16 = tpu.memref_slice %arg28[%mul3A_7, %dma_start3A_15] : memref<10000x128xf32, #tpu.memory_space<vmem_shared>> -> memref<624x128xf32, #tpu.memory_space<vmem_shared>>
      tpu.enqueue_dma source(%dma_start3A_16 : memref<624x128xf32, #tpu.memory_space<vmem_shared>>) target(%dma_start3A_14 : memref<624x128xf32, #tpu.memory_space<hbm>>) target_semaphore(%run_scoped3A : memref<!tpu.dma_semaphore, #tpu.memory_space<semaphore_mem>>)
      %dma_wait3A = arith.constant 0 : i32
      %dma_wait3A_17 = tpu.memref_slice %arg7[%arg0, %mul3A_7, %dma_wait3A] : memref<2x10000x128xf32, #tpu.memory_space<hbm>> -> memref<1x624x128xf32, #tpu.memory_space<hbm>>
      %dma_wait3A_18 = tpu.memref_squeeze %dma_wait3A_17 : memref<1x624x128xf32, #tpu.memory_space<hbm>> -> memref<624x128xf32, #tpu.memory_space<hbm>>
      %dma_wait3A_19 = arith.constant 0 : i32
      %dma_wait3A_20 = tpu.memref_slice %arg28[%mul3A_7, %dma_wait3A_19] : memref<10000x128xf32, #tpu.memory_space<vmem_shared>> -> memref<624x128xf32, #tpu.memory_space<vmem_shared>>
      tpu.wait_dma2 semaphore(%run_scoped3A : memref<!tpu.dma_semaphore, #tpu.memory_space<semaphore_mem>>) src(%dma_wait3A_20 : memref<624x128xf32, #tpu.memory_space<vmem_shared>>) dst(%dma_wait3A_18 : memref<624x128xf32, #tpu.memory_space<hbm>>)
      tpu.yield
    }) : () -> ()
    "tpu.region"() ({
      %run_scoped3A = tpu.sem_alloc : memref<!tpu.dma_semaphore, #tpu.memory_space<semaphore_mem>>
      %dma_start3A = arith.constant 0 : i32
      %dma_start3A_13 = tpu.memref_slice %arg8[%arg0, %mul3A_7, %dma_start3A] : memref<2x10000x16xf32, #tpu.memory_space<hbm>> -> memref<1x624x16xf32, #tpu.memory_space<hbm>>
      %dma_start3A_14 = tpu.memref_squeeze %dma_start3A_13 : memref<1x624x16xf32, #tpu.memory_space<hbm>> -> memref<624x16xf32, #tpu.memory_space<hbm>>
      %dma_start3A_15 = arith.constant 0 : i32
      %dma_start3A_16 = tpu.memref_slice %arg29[%mul3A_7, %dma_start3A_15] : memref<10000x16xf32, #tpu.memory_space<vmem_shared>> -> memref<624x16xf32, #tpu.memory_space<vmem_shared>>
      tpu.enqueue_dma source(%dma_start3A_16 : memref<624x16xf32, #tpu.memory_space<vmem_shared>>) target(%dma_start3A_14 : memref<624x16xf32, #tpu.memory_space<hbm>>) target_semaphore(%run_scoped3A : memref<!tpu.dma_semaphore, #tpu.memory_space<semaphore_mem>>)
      %dma_wait3A = arith.constant 0 : i32
      %dma_wait3A_17 = tpu.memref_slice %arg8[%arg0, %mul3A_7, %dma_wait3A] : memref<2x10000x16xf32, #tpu.memory_space<hbm>> -> memref<1x624x16xf32, #tpu.memory_space<hbm>>
      %dma_wait3A_18 = tpu.memref_squeeze %dma_wait3A_17 : memref<1x624x16xf32, #tpu.memory_space<hbm>> -> memref<624x16xf32, #tpu.memory_space<hbm>>
      %dma_wait3A_19 = arith.constant 0 : i32
      %dma_wait3A_20 = tpu.memref_slice %arg29[%mul3A_7, %dma_wait3A_19] : memref<10000x16xf32, #tpu.memory_space<vmem_shared>> -> memref<624x16xf32, #tpu.memory_space<vmem_shared>>
      tpu.wait_dma2 semaphore(%run_scoped3A : memref<!tpu.dma_semaphore, #tpu.memory_space<semaphore_mem>>) src(%dma_wait3A_20 : memref<624x16xf32, #tpu.memory_space<vmem_shared>>) dst(%dma_wait3A_18 : memref<624x16xf32, #tpu.memory_space<hbm>>)
      tpu.yield
    }) : () -> ()
    %eq3A_8 = arith.constant 0 : i32
    %eq3A_9 = arith.cmpi eq, %arg1, %eq3A_8 : i32
    %convert_element_type3A_10 = arith.extui %eq3A_9 : i1 to i32
    %cond3A_11 = arith.constant 0 : i32
    %cond3A_12 = arith.cmpi ne, %convert_element_type3A_10, %cond3A_11 : i32
    scf.if %cond3A_12 {
      "tpu.region"() ({
        %run_scoped3A = tpu.sem_alloc : memref<!tpu.dma_semaphore, #tpu.memory_space<semaphore_mem>>
        %dma_start3A = arith.constant 9984 : i32
        %dma_start3A_13 = arith.constant 0 : i32
        %dma_start3A_14 = tpu.memref_slice %arg7[%arg0, %dma_start3A, %dma_start3A_13] : memref<2x10000x128xf32, #tpu.memory_space<hbm>> -> memref<1x16x128xf32, #tpu.memory_space<hbm>>
        %dma_start3A_15 = tpu.memref_squeeze %dma_start3A_14 : memref<1x16x128xf32, #tpu.memory_space<hbm>> -> memref<16x128xf32, #tpu.memory_space<hbm>>
        %dma_start3A_16 = arith.constant 9984 : i32
        %dma_start3A_17 = arith.constant 0 : i32
        %dma_start3A_18 = tpu.memref_slice %arg28[%dma_start3A_16, %dma_start3A_17] : memref<10000x128xf32, #tpu.memory_space<vmem_shared>> -> memref<16x128xf32, #tpu.memory_space<vmem_shared>>
        tpu.enqueue_dma source(%dma_start3A_18 : memref<16x128xf32, #tpu.memory_space<vmem_shared>>) target(%dma_start3A_15 : memref<16x128xf32, #tpu.memory_space<hbm>>) target_semaphore(%run_scoped3A : memref<!tpu.dma_semaphore, #tpu.memory_space<semaphore_mem>>)
        %dma_wait3A = arith.constant 9984 : i32
        %dma_wait3A_19 = arith.constant 0 : i32
        %dma_wait3A_20 = tpu.memref_slice %arg7[%arg0, %dma_wait3A, %dma_wait3A_19] : memref<2x10000x128xf32, #tpu.memory_space<hbm>> -> memref<1x16x128xf32, #tpu.memory_space<hbm>>
        %dma_wait3A_21 = tpu.memref_squeeze %dma_wait3A_20 : memref<1x16x128xf32, #tpu.memory_space<hbm>> -> memref<16x128xf32, #tpu.memory_space<hbm>>
        %dma_wait3A_22 = arith.constant 9984 : i32
        %dma_wait3A_23 = arith.constant 0 : i32
        %dma_wait3A_24 = tpu.memref_slice %arg28[%dma_wait3A_22, %dma_wait3A_23] : memref<10000x128xf32, #tpu.memory_space<vmem_shared>> -> memref<16x128xf32, #tpu.memory_space<vmem_shared>>
        tpu.wait_dma2 semaphore(%run_scoped3A : memref<!tpu.dma_semaphore, #tpu.memory_space<semaphore_mem>>) src(%dma_wait3A_24 : memref<16x128xf32, #tpu.memory_space<vmem_shared>>) dst(%dma_wait3A_21 : memref<16x128xf32, #tpu.memory_space<hbm>>)
        tpu.yield
      }) : () -> ()
      "tpu.region"() ({
        %run_scoped3A = tpu.sem_alloc : memref<!tpu.dma_semaphore, #tpu.memory_space<semaphore_mem>>
        %dma_start3A = arith.constant 9984 : i32
        %dma_start3A_13 = arith.constant 0 : i32
        %dma_start3A_14 = tpu.memref_slice %arg8[%arg0, %dma_start3A, %dma_start3A_13] : memref<2x10000x16xf32, #tpu.memory_space<hbm>> -> memref<1x16x16xf32, #tpu.memory_space<hbm>>
        %dma_start3A_15 = tpu.memref_squeeze %dma_start3A_14 : memref<1x16x16xf32, #tpu.memory_space<hbm>> -> memref<16x16xf32, #tpu.memory_space<hbm>>
        %dma_start3A_16 = arith.constant 9984 : i32
        %dma_start3A_17 = arith.constant 0 : i32
        %dma_start3A_18 = tpu.memref_slice %arg29[%dma_start3A_16, %dma_start3A_17] : memref<10000x16xf32, #tpu.memory_space<vmem_shared>> -> memref<16x16xf32, #tpu.memory_space<vmem_shared>>
        tpu.enqueue_dma source(%dma_start3A_18 : memref<16x16xf32, #tpu.memory_space<vmem_shared>>) target(%dma_start3A_15 : memref<16x16xf32, #tpu.memory_space<hbm>>) target_semaphore(%run_scoped3A : memref<!tpu.dma_semaphore, #tpu.memory_space<semaphore_mem>>)
        %dma_wait3A = arith.constant 9984 : i32
        %dma_wait3A_19 = arith.constant 0 : i32
        %dma_wait3A_20 = tpu.memref_slice %arg8[%arg0, %dma_wait3A, %dma_wait3A_19] : memref<2x10000x16xf32, #tpu.memory_space<hbm>> -> memref<1x16x16xf32, #tpu.memory_space<hbm>>
        %dma_wait3A_21 = tpu.memref_squeeze %dma_wait3A_20 : memref<1x16x16xf32, #tpu.memory_space<hbm>> -> memref<16x16xf32, #tpu.memory_space<hbm>>
        %dma_wait3A_22 = arith.constant 9984 : i32
        %dma_wait3A_23 = arith.constant 0 : i32
        %dma_wait3A_24 = tpu.memref_slice %arg29[%dma_wait3A_22, %dma_wait3A_23] : memref<10000x16xf32, #tpu.memory_space<vmem_shared>> -> memref<16x16xf32, #tpu.memory_space<vmem_shared>>
        tpu.wait_dma2 semaphore(%run_scoped3A : memref<!tpu.dma_semaphore, #tpu.memory_space<semaphore_mem>>) src(%dma_wait3A_24 : memref<16x16xf32, #tpu.memory_space<vmem_shared>>) dst(%dma_wait3A_21 : memref<16x16xf32, #tpu.memory_space<hbm>>)
        tpu.yield
      }) : () -> ()
    } else {
    }
    return
  }
}

#map = affine_map<(d0, d1) -> (0, 0)>
#map1 = affine_map<(d0, d1) -> (0, 0, 0, 0)>
#map2 = affine_map<(d0, d1) -> (0, 0, 0)>
module attributes {stable_mosaic.version = 14 : i64} {
  func.func @agg_kernel(%arg0: i32, %arg1: i32, %arg2: memref<10000x16xf32, #tpu.memory_space<hbm>>, %arg3: memref<2x16x80x128xi32, #tpu.memory_space<hbm>>, %arg4: memref<2x16x80x128xi32, #tpu.memory_space<hbm>>, %arg5: memref<10008x16xf32, #tpu.memory_space<hbm>>, %arg6: memref<2x10008x16xf32, #tpu.memory_space<hbm>>, %arg7: memref<80x128xi32, #tpu.memory_space<vmem>>, %arg8: memref<80x128xi32, #tpu.memory_space<vmem>>, %arg9: memref<128x16xf32, #tpu.memory_space<vmem>>, %arg10: memref<128x16xf32, #tpu.memory_space<vmem>>, %arg11: memref<128x16xf32, #tpu.memory_space<vmem>>, %arg12: memref<128x16xf32, #tpu.memory_space<vmem>>, %arg13: memref<128x16xf32, #tpu.memory_space<vmem>>, %arg14: memref<128x16xf32, #tpu.memory_space<vmem>>, %arg15: memref<128x16xf32, #tpu.memory_space<vmem>>, %arg16: memref<128x16xf32, #tpu.memory_space<vmem>>, %arg17: memref<!tpu.dma_semaphore, #tpu.memory_space<semaphore_mem>>, %arg18: memref<!tpu.dma_semaphore, #tpu.memory_space<semaphore_mem>>, %arg19: memref<!tpu.dma_semaphore, #tpu.memory_space<semaphore_mem>>, %arg20: memref<!tpu.dma_semaphore, #tpu.memory_space<semaphore_mem>>, %arg21: memref<!tpu.dma_semaphore, #tpu.memory_space<semaphore_mem>>, %arg22: memref<!tpu.dma_semaphore, #tpu.memory_space<semaphore_mem>>, %arg23: memref<!tpu.dma_semaphore, #tpu.memory_space<semaphore_mem>>, %arg24: memref<!tpu.dma_semaphore, #tpu.memory_space<semaphore_mem>>, %arg25: memref<!tpu.dma_semaphore, #tpu.memory_space<semaphore_mem>>, %arg26: memref<!tpu.dma_semaphore, #tpu.memory_space<semaphore_mem>>, %arg27: memref<!tpu.dma_semaphore, #tpu.memory_space<semaphore_mem>>, %arg28: memref<!tpu.dma_semaphore, #tpu.memory_space<semaphore_mem>>, %arg29: memref<!tpu.dma_semaphore, #tpu.memory_space<semaphore_mem>>, %arg30: memref<!tpu.dma_semaphore, #tpu.memory_space<semaphore_mem>>, %arg31: memref<!tpu.dma_semaphore, #tpu.memory_space<semaphore_mem>>, %arg32: memref<!tpu.dma_semaphore, #tpu.memory_space<semaphore_mem>>, %arg33: memref<10008x16xf32, #tpu.memory_space<vmem_shared>>) attributes {dimension_semantics = [#tpu.dimension_semantics<core_parallel>, #tpu.dimension_semantics<subcore_parallel>], iteration_bounds = array<i64: 2, 16>, scalar_prefetch = 0 : i64, scratch_operands = 27 : i64, tpu.core_type = #tpu.core_type<sc_vector_subcore>, window_params = [{transform_indices = #map}, {transform_indices = #map1}, {transform_indices = #map1}, {transform_indices = #map}, {transform_indices = #map2}]} {
    %eq3A = arith.constant 0 : i32
    %eq3A_0 = arith.cmpi eq, %arg1, %eq3A : i32
    %convert_element_type3A = arith.extui %eq3A_0 : i1 to i32
    %cond3A = arith.constant 0 : i32
    %cond3A_1 = arith.cmpi ne, %convert_element_type3A, %cond3A : i32
    scf.if %cond3A_1 {
      "tpu.region"() ({
        %run_scoped3A = tpu.sem_alloc : memref<!tpu.dma_semaphore, #tpu.memory_space<semaphore_mem>>
        tpu.enqueue_dma source(%arg5 : memref<10008x16xf32, #tpu.memory_space<hbm>>) target(%arg33 : memref<10008x16xf32, #tpu.memory_space<vmem_shared>>) target_semaphore(%run_scoped3A : memref<!tpu.dma_semaphore, #tpu.memory_space<semaphore_mem>>)
        tpu.wait_dma2 semaphore(%run_scoped3A : memref<!tpu.dma_semaphore, #tpu.memory_space<semaphore_mem>>) src(%arg5 : memref<10008x16xf32, #tpu.memory_space<hbm>>) dst(%arg33 : memref<10008x16xf32, #tpu.memory_space<vmem_shared>>)
        tpu.yield
      }) : () -> ()
    } else {
    }
    "tpu.region"() ({
      %run_scoped3A = tpu.sem_alloc : memref<!tpu.dma_semaphore, #tpu.memory_space<semaphore_mem>>
      %dma_start3A_123 = arith.constant 0 : i32
      %dma_start3A_124 = arith.constant 0 : i32
      %dma_start3A_125 = tpu.memref_slice %arg3[%arg0, %arg1, %dma_start3A_123, %dma_start3A_124] : memref<2x16x80x128xi32, #tpu.memory_space<hbm>> -> memref<1x1x80x128xi32, #tpu.memory_space<hbm>>
      %dma_start3A_126 = tpu.memref_squeeze %dma_start3A_125 : memref<1x1x80x128xi32, #tpu.memory_space<hbm>> -> memref<80x128xi32, #tpu.memory_space<hbm>>
      %dma_start3A_127 = arith.constant 0 : i32
      %dma_start3A_128 = arith.constant 0 : i32
      %dma_start3A_129 = tpu.memref_slice %arg3[%arg0, %arg1, %dma_start3A_127, %dma_start3A_128] : memref<2x16x80x128xi32, #tpu.memory_space<hbm>> -> memref<1x1x80x128xi32, #tpu.memory_space<hbm>>
      %dma_start3A_130 = tpu.memref_squeeze %dma_start3A_129 : memref<1x1x80x128xi32, #tpu.memory_space<hbm>> -> memref<80x128xi32, #tpu.memory_space<hbm>>
      tpu.enqueue_dma source(%dma_start3A_130 : memref<80x128xi32, #tpu.memory_space<hbm>>) target(%arg7 : memref<80x128xi32, #tpu.memory_space<vmem>>) target_semaphore(%run_scoped3A : memref<!tpu.dma_semaphore, #tpu.memory_space<semaphore_mem>>)
      %dma_wait3A_131 = arith.constant 0 : i32
      %dma_wait3A_132 = arith.constant 0 : i32
      %dma_wait3A_133 = tpu.memref_slice %arg3[%arg0, %arg1, %dma_wait3A_131, %dma_wait3A_132] : memref<2x16x80x128xi32, #tpu.memory_space<hbm>> -> memref<1x1x80x128xi32, #tpu.memory_space<hbm>>
      %dma_wait3A_134 = tpu.memref_squeeze %dma_wait3A_133 : memref<1x1x80x128xi32, #tpu.memory_space<hbm>> -> memref<80x128xi32, #tpu.memory_space<hbm>>
      %dma_wait3A_135 = arith.constant 0 : i32
      %dma_wait3A_136 = arith.constant 0 : i32
      %dma_wait3A_137 = tpu.memref_slice %arg3[%arg0, %arg1, %dma_wait3A_135, %dma_wait3A_136] : memref<2x16x80x128xi32, #tpu.memory_space<hbm>> -> memref<1x1x80x128xi32, #tpu.memory_space<hbm>>
      %dma_wait3A_138 = tpu.memref_squeeze %dma_wait3A_137 : memref<1x1x80x128xi32, #tpu.memory_space<hbm>> -> memref<80x128xi32, #tpu.memory_space<hbm>>
      tpu.wait_dma2 semaphore(%run_scoped3A : memref<!tpu.dma_semaphore, #tpu.memory_space<semaphore_mem>>) src(%dma_wait3A_138 : memref<80x128xi32, #tpu.memory_space<hbm>>) dst(%arg7 : memref<80x128xi32, #tpu.memory_space<vmem>>)
      tpu.yield
    }) : () -> ()
    "tpu.region"() ({
      %run_scoped3A = tpu.sem_alloc : memref<!tpu.dma_semaphore, #tpu.memory_space<semaphore_mem>>
      %dma_start3A_123 = arith.constant 0 : i32
      %dma_start3A_124 = arith.constant 0 : i32
      %dma_start3A_125 = tpu.memref_slice %arg4[%arg0, %arg1, %dma_start3A_123, %dma_start3A_124] : memref<2x16x80x128xi32, #tpu.memory_space<hbm>> -> memref<1x1x80x128xi32, #tpu.memory_space<hbm>>
      %dma_start3A_126 = tpu.memref_squeeze %dma_start3A_125 : memref<1x1x80x128xi32, #tpu.memory_space<hbm>> -> memref<80x128xi32, #tpu.memory_space<hbm>>
      %dma_start3A_127 = arith.constant 0 : i32
      %dma_start3A_128 = arith.constant 0 : i32
      %dma_start3A_129 = tpu.memref_slice %arg4[%arg0, %arg1, %dma_start3A_127, %dma_start3A_128] : memref<2x16x80x128xi32, #tpu.memory_space<hbm>> -> memref<1x1x80x128xi32, #tpu.memory_space<hbm>>
      %dma_start3A_130 = tpu.memref_squeeze %dma_start3A_129 : memref<1x1x80x128xi32, #tpu.memory_space<hbm>> -> memref<80x128xi32, #tpu.memory_space<hbm>>
      tpu.enqueue_dma source(%dma_start3A_130 : memref<80x128xi32, #tpu.memory_space<hbm>>) target(%arg8 : memref<80x128xi32, #tpu.memory_space<vmem>>) target_semaphore(%run_scoped3A : memref<!tpu.dma_semaphore, #tpu.memory_space<semaphore_mem>>)
      %dma_wait3A_131 = arith.constant 0 : i32
      %dma_wait3A_132 = arith.constant 0 : i32
      %dma_wait3A_133 = tpu.memref_slice %arg4[%arg0, %arg1, %dma_wait3A_131, %dma_wait3A_132] : memref<2x16x80x128xi32, #tpu.memory_space<hbm>> -> memref<1x1x80x128xi32, #tpu.memory_space<hbm>>
      %dma_wait3A_134 = tpu.memref_squeeze %dma_wait3A_133 : memref<1x1x80x128xi32, #tpu.memory_space<hbm>> -> memref<80x128xi32, #tpu.memory_space<hbm>>
      %dma_wait3A_135 = arith.constant 0 : i32
      %dma_wait3A_136 = arith.constant 0 : i32
      %dma_wait3A_137 = tpu.memref_slice %arg4[%arg0, %arg1, %dma_wait3A_135, %dma_wait3A_136] : memref<2x16x80x128xi32, #tpu.memory_space<hbm>> -> memref<1x1x80x128xi32, #tpu.memory_space<hbm>>
      %dma_wait3A_138 = tpu.memref_squeeze %dma_wait3A_137 : memref<1x1x80x128xi32, #tpu.memory_space<hbm>> -> memref<80x128xi32, #tpu.memory_space<hbm>>
      tpu.wait_dma2 semaphore(%run_scoped3A : memref<!tpu.dma_semaphore, #tpu.memory_space<semaphore_mem>>) src(%dma_wait3A_138 : memref<80x128xi32, #tpu.memory_space<hbm>>) dst(%arg8 : memref<80x128xi32, #tpu.memory_space<vmem>>)
      tpu.yield
    }) : () -> ()
    %barrier3A = arith.constant 0 : index
    tpu.barrier barrier_id(%barrier3A)
    %dma_start3A = arith.constant 0 : i32
    %dma_start3A_2 = arith.constant 0 : i32
    %dma_start3A_3 = tpu.memref_slice %arg7[%dma_start3A, %dma_start3A_2] : memref<80x128xi32, #tpu.memory_space<vmem>> -> memref<1x128xi32, #tpu.memory_space<vmem>>
    %dma_start3A_4 = tpu.memref_squeeze %dma_start3A_3 : memref<1x128xi32, #tpu.memory_space<vmem>> -> memref<128xi32, #tpu.memory_space<vmem>>
    %dma_start3A_5 = arith.constant 0 : i32
    %dma_start3A_6 = arith.constant 0 : i32
    %dma_start3A_7 = tpu.memref_slice %arg2[%dma_start3A_5, %dma_start3A_6] : memref<10000x16xf32, #tpu.memory_space<hbm>> -> memref<10000x16xf32, #tpu.memory_space<hbm>>
    tpu.enqueue_indirect_dma source(%dma_start3A_7 : memref<10000x16xf32, #tpu.memory_space<hbm>>) target(%arg9 : memref<128x16xf32, #tpu.memory_space<vmem>>) offsets(%dma_start3A_4 : memref<128xi32, #tpu.memory_space<vmem>>) semaphore(%arg17 : memref<!tpu.dma_semaphore, #tpu.memory_space<semaphore_mem>>)
    %dma_start3A_8 = arith.constant 1 : i32
    %dma_start3A_9 = arith.constant 0 : i32
    %dma_start3A_10 = tpu.memref_slice %arg7[%dma_start3A_8, %dma_start3A_9] : memref<80x128xi32, #tpu.memory_space<vmem>> -> memref<1x128xi32, #tpu.memory_space<vmem>>
    %dma_start3A_11 = tpu.memref_squeeze %dma_start3A_10 : memref<1x128xi32, #tpu.memory_space<vmem>> -> memref<128xi32, #tpu.memory_space<vmem>>
    %dma_start3A_12 = arith.constant 0 : i32
    %dma_start3A_13 = arith.constant 0 : i32
    %dma_start3A_14 = tpu.memref_slice %arg2[%dma_start3A_12, %dma_start3A_13] : memref<10000x16xf32, #tpu.memory_space<hbm>> -> memref<10000x16xf32, #tpu.memory_space<hbm>>
    tpu.enqueue_indirect_dma source(%dma_start3A_14 : memref<10000x16xf32, #tpu.memory_space<hbm>>) target(%arg10 : memref<128x16xf32, #tpu.memory_space<vmem>>) offsets(%dma_start3A_11 : memref<128xi32, #tpu.memory_space<vmem>>) semaphore(%arg18 : memref<!tpu.dma_semaphore, #tpu.memory_space<semaphore_mem>>)
    %dma_start3A_15 = arith.constant 2 : i32
    %dma_start3A_16 = arith.constant 0 : i32
    %dma_start3A_17 = tpu.memref_slice %arg7[%dma_start3A_15, %dma_start3A_16] : memref<80x128xi32, #tpu.memory_space<vmem>> -> memref<1x128xi32, #tpu.memory_space<vmem>>
    %dma_start3A_18 = tpu.memref_squeeze %dma_start3A_17 : memref<1x128xi32, #tpu.memory_space<vmem>> -> memref<128xi32, #tpu.memory_space<vmem>>
    %dma_start3A_19 = arith.constant 0 : i32
    %dma_start3A_20 = arith.constant 0 : i32
    %dma_start3A_21 = tpu.memref_slice %arg2[%dma_start3A_19, %dma_start3A_20] : memref<10000x16xf32, #tpu.memory_space<hbm>> -> memref<10000x16xf32, #tpu.memory_space<hbm>>
    tpu.enqueue_indirect_dma source(%dma_start3A_21 : memref<10000x16xf32, #tpu.memory_space<hbm>>) target(%arg11 : memref<128x16xf32, #tpu.memory_space<vmem>>) offsets(%dma_start3A_18 : memref<128xi32, #tpu.memory_space<vmem>>) semaphore(%arg19 : memref<!tpu.dma_semaphore, #tpu.memory_space<semaphore_mem>>)
    %dma_start3A_22 = arith.constant 3 : i32
    %dma_start3A_23 = arith.constant 0 : i32
    %dma_start3A_24 = tpu.memref_slice %arg7[%dma_start3A_22, %dma_start3A_23] : memref<80x128xi32, #tpu.memory_space<vmem>> -> memref<1x128xi32, #tpu.memory_space<vmem>>
    %dma_start3A_25 = tpu.memref_squeeze %dma_start3A_24 : memref<1x128xi32, #tpu.memory_space<vmem>> -> memref<128xi32, #tpu.memory_space<vmem>>
    %dma_start3A_26 = arith.constant 0 : i32
    %dma_start3A_27 = arith.constant 0 : i32
    %dma_start3A_28 = tpu.memref_slice %arg2[%dma_start3A_26, %dma_start3A_27] : memref<10000x16xf32, #tpu.memory_space<hbm>> -> memref<10000x16xf32, #tpu.memory_space<hbm>>
    tpu.enqueue_indirect_dma source(%dma_start3A_28 : memref<10000x16xf32, #tpu.memory_space<hbm>>) target(%arg12 : memref<128x16xf32, #tpu.memory_space<vmem>>) offsets(%dma_start3A_25 : memref<128xi32, #tpu.memory_space<vmem>>) semaphore(%arg20 : memref<!tpu.dma_semaphore, #tpu.memory_space<semaphore_mem>>)
    %dma_start3A_29 = arith.constant 4 : i32
    %dma_start3A_30 = arith.constant 0 : i32
    %dma_start3A_31 = tpu.memref_slice %arg7[%dma_start3A_29, %dma_start3A_30] : memref<80x128xi32, #tpu.memory_space<vmem>> -> memref<1x128xi32, #tpu.memory_space<vmem>>
    %dma_start3A_32 = tpu.memref_squeeze %dma_start3A_31 : memref<1x128xi32, #tpu.memory_space<vmem>> -> memref<128xi32, #tpu.memory_space<vmem>>
    %dma_start3A_33 = arith.constant 0 : i32
    %dma_start3A_34 = arith.constant 0 : i32
    %dma_start3A_35 = tpu.memref_slice %arg2[%dma_start3A_33, %dma_start3A_34] : memref<10000x16xf32, #tpu.memory_space<hbm>> -> memref<10000x16xf32, #tpu.memory_space<hbm>>
    tpu.enqueue_indirect_dma source(%dma_start3A_35 : memref<10000x16xf32, #tpu.memory_space<hbm>>) target(%arg13 : memref<128x16xf32, #tpu.memory_space<vmem>>) offsets(%dma_start3A_32 : memref<128xi32, #tpu.memory_space<vmem>>) semaphore(%arg21 : memref<!tpu.dma_semaphore, #tpu.memory_space<semaphore_mem>>)
    %dma_start3A_36 = arith.constant 5 : i32
    %dma_start3A_37 = arith.constant 0 : i32
    %dma_start3A_38 = tpu.memref_slice %arg7[%dma_start3A_36, %dma_start3A_37] : memref<80x128xi32, #tpu.memory_space<vmem>> -> memref<1x128xi32, #tpu.memory_space<vmem>>
    %dma_start3A_39 = tpu.memref_squeeze %dma_start3A_38 : memref<1x128xi32, #tpu.memory_space<vmem>> -> memref<128xi32, #tpu.memory_space<vmem>>
    %dma_start3A_40 = arith.constant 0 : i32
    %dma_start3A_41 = arith.constant 0 : i32
    %dma_start3A_42 = tpu.memref_slice %arg2[%dma_start3A_40, %dma_start3A_41] : memref<10000x16xf32, #tpu.memory_space<hbm>> -> memref<10000x16xf32, #tpu.memory_space<hbm>>
    tpu.enqueue_indirect_dma source(%dma_start3A_42 : memref<10000x16xf32, #tpu.memory_space<hbm>>) target(%arg14 : memref<128x16xf32, #tpu.memory_space<vmem>>) offsets(%dma_start3A_39 : memref<128xi32, #tpu.memory_space<vmem>>) semaphore(%arg22 : memref<!tpu.dma_semaphore, #tpu.memory_space<semaphore_mem>>)
    %dma_start3A_43 = arith.constant 6 : i32
    %dma_start3A_44 = arith.constant 0 : i32
    %dma_start3A_45 = tpu.memref_slice %arg7[%dma_start3A_43, %dma_start3A_44] : memref<80x128xi32, #tpu.memory_space<vmem>> -> memref<1x128xi32, #tpu.memory_space<vmem>>
    %dma_start3A_46 = tpu.memref_squeeze %dma_start3A_45 : memref<1x128xi32, #tpu.memory_space<vmem>> -> memref<128xi32, #tpu.memory_space<vmem>>
    %dma_start3A_47 = arith.constant 0 : i32
    %dma_start3A_48 = arith.constant 0 : i32
    %dma_start3A_49 = tpu.memref_slice %arg2[%dma_start3A_47, %dma_start3A_48] : memref<10000x16xf32, #tpu.memory_space<hbm>> -> memref<10000x16xf32, #tpu.memory_space<hbm>>
    tpu.enqueue_indirect_dma source(%dma_start3A_49 : memref<10000x16xf32, #tpu.memory_space<hbm>>) target(%arg15 : memref<128x16xf32, #tpu.memory_space<vmem>>) offsets(%dma_start3A_46 : memref<128xi32, #tpu.memory_space<vmem>>) semaphore(%arg23 : memref<!tpu.dma_semaphore, #tpu.memory_space<semaphore_mem>>)
    %dma_start3A_50 = arith.constant 7 : i32
    %dma_start3A_51 = arith.constant 0 : i32
    %dma_start3A_52 = tpu.memref_slice %arg7[%dma_start3A_50, %dma_start3A_51] : memref<80x128xi32, #tpu.memory_space<vmem>> -> memref<1x128xi32, #tpu.memory_space<vmem>>
    %dma_start3A_53 = tpu.memref_squeeze %dma_start3A_52 : memref<1x128xi32, #tpu.memory_space<vmem>> -> memref<128xi32, #tpu.memory_space<vmem>>
    %dma_start3A_54 = arith.constant 0 : i32
    %dma_start3A_55 = arith.constant 0 : i32
    %dma_start3A_56 = tpu.memref_slice %arg2[%dma_start3A_54, %dma_start3A_55] : memref<10000x16xf32, #tpu.memory_space<hbm>> -> memref<10000x16xf32, #tpu.memory_space<hbm>>
    tpu.enqueue_indirect_dma source(%dma_start3A_56 : memref<10000x16xf32, #tpu.memory_space<hbm>>) target(%arg16 : memref<128x16xf32, #tpu.memory_space<vmem>>) offsets(%dma_start3A_53 : memref<128xi32, #tpu.memory_space<vmem>>) semaphore(%arg24 : memref<!tpu.dma_semaphore, #tpu.memory_space<semaphore_mem>>)
    %scan3A = arith.constant 0 : i32
    %scan3A_57 = arith.constant 10 : i32
    %scan3A_58 = arith.addi %scan3A, %scan3A_57 : i32
    %scan3A_59 = arith.constant 1 : i32
    scf.for %scan3A_123 = %scan3A to %scan3A_58 step %scan3A_59  : i32 {
      %mul3A_124 = arith.constant 1 : i32
      %mul3A_125 = arith.muli %scan3A_123, %mul3A_124 : i32
      %add3A = arith.constant 0 : i32
      %add3A_126 = arith.addi %add3A, %mul3A_125 : i32
      %mul3A_127 = arith.constant 8 : i32
      %mul3A_128 = arith.muli %add3A_126, %mul3A_127 : i32
      %add3A_129 = arith.constant 0 : i32
      %add3A_130 = arith.addi %mul3A_128, %add3A_129 : i32
      %dma_wait3A_131 = arith.constant 0 : i32
      %dma_wait3A_132 = tpu.memref_slice %arg7[%add3A_130, %dma_wait3A_131] : memref<80x128xi32, #tpu.memory_space<vmem>> -> memref<1x128xi32, #tpu.memory_space<vmem>>
      %dma_wait3A_133 = tpu.memref_squeeze %dma_wait3A_132 : memref<1x128xi32, #tpu.memory_space<vmem>> -> memref<128xi32, #tpu.memory_space<vmem>>
      %dma_wait3A_134 = arith.constant 0 : i32
      %dma_wait3A_135 = arith.constant 0 : i32
      %dma_wait3A_136 = tpu.memref_slice %arg2[%dma_wait3A_134, %dma_wait3A_135] : memref<10000x16xf32, #tpu.memory_space<hbm>> -> memref<10000x16xf32, #tpu.memory_space<hbm>>
      tpu.wait_indirect_dma semaphore(%arg17 : memref<!tpu.dma_semaphore, #tpu.memory_space<semaphore_mem>>) src(%dma_wait3A_136 : memref<10000x16xf32, #tpu.memory_space<hbm>>) dst(%arg9 : memref<128x16xf32, #tpu.memory_space<vmem>>)
      %add3A_137 = arith.constant 0 : i32
      %add3A_138 = arith.addi %mul3A_128, %add3A_137 : i32
      %dma_start3A_139 = arith.constant 0 : i32
      %dma_start3A_140 = tpu.memref_slice %arg8[%add3A_138, %dma_start3A_139] : memref<80x128xi32, #tpu.memory_space<vmem>> -> memref<1x128xi32, #tpu.memory_space<vmem>>
      %dma_start3A_141 = tpu.memref_squeeze %dma_start3A_140 : memref<1x128xi32, #tpu.memory_space<vmem>> -> memref<128xi32, #tpu.memory_space<vmem>>
      %dma_start3A_142 = arith.constant 0 : i32
      %dma_start3A_143 = arith.constant 0 : i32
      %dma_start3A_144 = tpu.memref_slice %arg33[%dma_start3A_142, %dma_start3A_143] : memref<10008x16xf32, #tpu.memory_space<vmem_shared>> -> memref<10008x16xf32, #tpu.memory_space<vmem_shared>>
      tpu.enqueue_indirect_dma source(%arg9 : memref<128x16xf32, #tpu.memory_space<vmem>>) target(%dma_start3A_144 : memref<10008x16xf32, #tpu.memory_space<vmem_shared>>) offsets(%dma_start3A_141 : memref<128xi32, #tpu.memory_space<vmem>>) semaphore(%arg25 : memref<!tpu.dma_semaphore, #tpu.memory_space<semaphore_mem>>) {add = true}
      %add3A_145 = arith.constant 1 : i32
      %add3A_146 = arith.addi %mul3A_128, %add3A_145 : i32
      %dma_wait3A_147 = arith.constant 0 : i32
      %dma_wait3A_148 = tpu.memref_slice %arg7[%add3A_146, %dma_wait3A_147] : memref<80x128xi32, #tpu.memory_space<vmem>> -> memref<1x128xi32, #tpu.memory_space<vmem>>
      %dma_wait3A_149 = tpu.memref_squeeze %dma_wait3A_148 : memref<1x128xi32, #tpu.memory_space<vmem>> -> memref<128xi32, #tpu.memory_space<vmem>>
      %dma_wait3A_150 = arith.constant 0 : i32
      %dma_wait3A_151 = arith.constant 0 : i32
      %dma_wait3A_152 = tpu.memref_slice %arg2[%dma_wait3A_150, %dma_wait3A_151] : memref<10000x16xf32, #tpu.memory_space<hbm>> -> memref<10000x16xf32, #tpu.memory_space<hbm>>
      tpu.wait_indirect_dma semaphore(%arg18 : memref<!tpu.dma_semaphore, #tpu.memory_space<semaphore_mem>>) src(%dma_wait3A_152 : memref<10000x16xf32, #tpu.memory_space<hbm>>) dst(%arg10 : memref<128x16xf32, #tpu.memory_space<vmem>>)
      %add3A_153 = arith.constant 1 : i32
      %add3A_154 = arith.addi %mul3A_128, %add3A_153 : i32
      %dma_start3A_155 = arith.constant 0 : i32
      %dma_start3A_156 = tpu.memref_slice %arg8[%add3A_154, %dma_start3A_155] : memref<80x128xi32, #tpu.memory_space<vmem>> -> memref<1x128xi32, #tpu.memory_space<vmem>>
      %dma_start3A_157 = tpu.memref_squeeze %dma_start3A_156 : memref<1x128xi32, #tpu.memory_space<vmem>> -> memref<128xi32, #tpu.memory_space<vmem>>
      %dma_start3A_158 = arith.constant 0 : i32
      %dma_start3A_159 = arith.constant 0 : i32
      %dma_start3A_160 = tpu.memref_slice %arg33[%dma_start3A_158, %dma_start3A_159] : memref<10008x16xf32, #tpu.memory_space<vmem_shared>> -> memref<10008x16xf32, #tpu.memory_space<vmem_shared>>
      tpu.enqueue_indirect_dma source(%arg10 : memref<128x16xf32, #tpu.memory_space<vmem>>) target(%dma_start3A_160 : memref<10008x16xf32, #tpu.memory_space<vmem_shared>>) offsets(%dma_start3A_157 : memref<128xi32, #tpu.memory_space<vmem>>) semaphore(%arg26 : memref<!tpu.dma_semaphore, #tpu.memory_space<semaphore_mem>>) {add = true}
      %add3A_161 = arith.constant 2 : i32
      %add3A_162 = arith.addi %mul3A_128, %add3A_161 : i32
      %dma_wait3A_163 = arith.constant 0 : i32
      %dma_wait3A_164 = tpu.memref_slice %arg7[%add3A_162, %dma_wait3A_163] : memref<80x128xi32, #tpu.memory_space<vmem>> -> memref<1x128xi32, #tpu.memory_space<vmem>>
      %dma_wait3A_165 = tpu.memref_squeeze %dma_wait3A_164 : memref<1x128xi32, #tpu.memory_space<vmem>> -> memref<128xi32, #tpu.memory_space<vmem>>
      %dma_wait3A_166 = arith.constant 0 : i32
      %dma_wait3A_167 = arith.constant 0 : i32
      %dma_wait3A_168 = tpu.memref_slice %arg2[%dma_wait3A_166, %dma_wait3A_167] : memref<10000x16xf32, #tpu.memory_space<hbm>> -> memref<10000x16xf32, #tpu.memory_space<hbm>>
      tpu.wait_indirect_dma semaphore(%arg19 : memref<!tpu.dma_semaphore, #tpu.memory_space<semaphore_mem>>) src(%dma_wait3A_168 : memref<10000x16xf32, #tpu.memory_space<hbm>>) dst(%arg11 : memref<128x16xf32, #tpu.memory_space<vmem>>)
      %add3A_169 = arith.constant 2 : i32
      %add3A_170 = arith.addi %mul3A_128, %add3A_169 : i32
      %dma_start3A_171 = arith.constant 0 : i32
      %dma_start3A_172 = tpu.memref_slice %arg8[%add3A_170, %dma_start3A_171] : memref<80x128xi32, #tpu.memory_space<vmem>> -> memref<1x128xi32, #tpu.memory_space<vmem>>
      %dma_start3A_173 = tpu.memref_squeeze %dma_start3A_172 : memref<1x128xi32, #tpu.memory_space<vmem>> -> memref<128xi32, #tpu.memory_space<vmem>>
      %dma_start3A_174 = arith.constant 0 : i32
      %dma_start3A_175 = arith.constant 0 : i32
      %dma_start3A_176 = tpu.memref_slice %arg33[%dma_start3A_174, %dma_start3A_175] : memref<10008x16xf32, #tpu.memory_space<vmem_shared>> -> memref<10008x16xf32, #tpu.memory_space<vmem_shared>>
      tpu.enqueue_indirect_dma source(%arg11 : memref<128x16xf32, #tpu.memory_space<vmem>>) target(%dma_start3A_176 : memref<10008x16xf32, #tpu.memory_space<vmem_shared>>) offsets(%dma_start3A_173 : memref<128xi32, #tpu.memory_space<vmem>>) semaphore(%arg27 : memref<!tpu.dma_semaphore, #tpu.memory_space<semaphore_mem>>) {add = true}
      %add3A_177 = arith.constant 3 : i32
      %add3A_178 = arith.addi %mul3A_128, %add3A_177 : i32
      %dma_wait3A_179 = arith.constant 0 : i32
      %dma_wait3A_180 = tpu.memref_slice %arg7[%add3A_178, %dma_wait3A_179] : memref<80x128xi32, #tpu.memory_space<vmem>> -> memref<1x128xi32, #tpu.memory_space<vmem>>
      %dma_wait3A_181 = tpu.memref_squeeze %dma_wait3A_180 : memref<1x128xi32, #tpu.memory_space<vmem>> -> memref<128xi32, #tpu.memory_space<vmem>>
      %dma_wait3A_182 = arith.constant 0 : i32
      %dma_wait3A_183 = arith.constant 0 : i32
      %dma_wait3A_184 = tpu.memref_slice %arg2[%dma_wait3A_182, %dma_wait3A_183] : memref<10000x16xf32, #tpu.memory_space<hbm>> -> memref<10000x16xf32, #tpu.memory_space<hbm>>
      tpu.wait_indirect_dma semaphore(%arg20 : memref<!tpu.dma_semaphore, #tpu.memory_space<semaphore_mem>>) src(%dma_wait3A_184 : memref<10000x16xf32, #tpu.memory_space<hbm>>) dst(%arg12 : memref<128x16xf32, #tpu.memory_space<vmem>>)
      %add3A_185 = arith.constant 3 : i32
      %add3A_186 = arith.addi %mul3A_128, %add3A_185 : i32
      %dma_start3A_187 = arith.constant 0 : i32
      %dma_start3A_188 = tpu.memref_slice %arg8[%add3A_186, %dma_start3A_187] : memref<80x128xi32, #tpu.memory_space<vmem>> -> memref<1x128xi32, #tpu.memory_space<vmem>>
      %dma_start3A_189 = tpu.memref_squeeze %dma_start3A_188 : memref<1x128xi32, #tpu.memory_space<vmem>> -> memref<128xi32, #tpu.memory_space<vmem>>
      %dma_start3A_190 = arith.constant 0 : i32
      %dma_start3A_191 = arith.constant 0 : i32
      %dma_start3A_192 = tpu.memref_slice %arg33[%dma_start3A_190, %dma_start3A_191] : memref<10008x16xf32, #tpu.memory_space<vmem_shared>> -> memref<10008x16xf32, #tpu.memory_space<vmem_shared>>
      tpu.enqueue_indirect_dma source(%arg12 : memref<128x16xf32, #tpu.memory_space<vmem>>) target(%dma_start3A_192 : memref<10008x16xf32, #tpu.memory_space<vmem_shared>>) offsets(%dma_start3A_189 : memref<128xi32, #tpu.memory_space<vmem>>) semaphore(%arg28 : memref<!tpu.dma_semaphore, #tpu.memory_space<semaphore_mem>>) {add = true}
      %add3A_193 = arith.constant 4 : i32
      %add3A_194 = arith.addi %mul3A_128, %add3A_193 : i32
      %dma_wait3A_195 = arith.constant 0 : i32
      %dma_wait3A_196 = tpu.memref_slice %arg7[%add3A_194, %dma_wait3A_195] : memref<80x128xi32, #tpu.memory_space<vmem>> -> memref<1x128xi32, #tpu.memory_space<vmem>>
      %dma_wait3A_197 = tpu.memref_squeeze %dma_wait3A_196 : memref<1x128xi32, #tpu.memory_space<vmem>> -> memref<128xi32, #tpu.memory_space<vmem>>
      %dma_wait3A_198 = arith.constant 0 : i32
      %dma_wait3A_199 = arith.constant 0 : i32
      %dma_wait3A_200 = tpu.memref_slice %arg2[%dma_wait3A_198, %dma_wait3A_199] : memref<10000x16xf32, #tpu.memory_space<hbm>> -> memref<10000x16xf32, #tpu.memory_space<hbm>>
      tpu.wait_indirect_dma semaphore(%arg21 : memref<!tpu.dma_semaphore, #tpu.memory_space<semaphore_mem>>) src(%dma_wait3A_200 : memref<10000x16xf32, #tpu.memory_space<hbm>>) dst(%arg13 : memref<128x16xf32, #tpu.memory_space<vmem>>)
      %add3A_201 = arith.constant 4 : i32
      %add3A_202 = arith.addi %mul3A_128, %add3A_201 : i32
      %dma_start3A_203 = arith.constant 0 : i32
      %dma_start3A_204 = tpu.memref_slice %arg8[%add3A_202, %dma_start3A_203] : memref<80x128xi32, #tpu.memory_space<vmem>> -> memref<1x128xi32, #tpu.memory_space<vmem>>
      %dma_start3A_205 = tpu.memref_squeeze %dma_start3A_204 : memref<1x128xi32, #tpu.memory_space<vmem>> -> memref<128xi32, #tpu.memory_space<vmem>>
      %dma_start3A_206 = arith.constant 0 : i32
      %dma_start3A_207 = arith.constant 0 : i32
      %dma_start3A_208 = tpu.memref_slice %arg33[%dma_start3A_206, %dma_start3A_207] : memref<10008x16xf32, #tpu.memory_space<vmem_shared>> -> memref<10008x16xf32, #tpu.memory_space<vmem_shared>>
      tpu.enqueue_indirect_dma source(%arg13 : memref<128x16xf32, #tpu.memory_space<vmem>>) target(%dma_start3A_208 : memref<10008x16xf32, #tpu.memory_space<vmem_shared>>) offsets(%dma_start3A_205 : memref<128xi32, #tpu.memory_space<vmem>>) semaphore(%arg29 : memref<!tpu.dma_semaphore, #tpu.memory_space<semaphore_mem>>) {add = true}
      %add3A_209 = arith.constant 5 : i32
      %add3A_210 = arith.addi %mul3A_128, %add3A_209 : i32
      %dma_wait3A_211 = arith.constant 0 : i32
      %dma_wait3A_212 = tpu.memref_slice %arg7[%add3A_210, %dma_wait3A_211] : memref<80x128xi32, #tpu.memory_space<vmem>> -> memref<1x128xi32, #tpu.memory_space<vmem>>
      %dma_wait3A_213 = tpu.memref_squeeze %dma_wait3A_212 : memref<1x128xi32, #tpu.memory_space<vmem>> -> memref<128xi32, #tpu.memory_space<vmem>>
      %dma_wait3A_214 = arith.constant 0 : i32
      %dma_wait3A_215 = arith.constant 0 : i32
      %dma_wait3A_216 = tpu.memref_slice %arg2[%dma_wait3A_214, %dma_wait3A_215] : memref<10000x16xf32, #tpu.memory_space<hbm>> -> memref<10000x16xf32, #tpu.memory_space<hbm>>
      tpu.wait_indirect_dma semaphore(%arg22 : memref<!tpu.dma_semaphore, #tpu.memory_space<semaphore_mem>>) src(%dma_wait3A_216 : memref<10000x16xf32, #tpu.memory_space<hbm>>) dst(%arg14 : memref<128x16xf32, #tpu.memory_space<vmem>>)
      %add3A_217 = arith.constant 5 : i32
      %add3A_218 = arith.addi %mul3A_128, %add3A_217 : i32
      %dma_start3A_219 = arith.constant 0 : i32
      %dma_start3A_220 = tpu.memref_slice %arg8[%add3A_218, %dma_start3A_219] : memref<80x128xi32, #tpu.memory_space<vmem>> -> memref<1x128xi32, #tpu.memory_space<vmem>>
      %dma_start3A_221 = tpu.memref_squeeze %dma_start3A_220 : memref<1x128xi32, #tpu.memory_space<vmem>> -> memref<128xi32, #tpu.memory_space<vmem>>
      %dma_start3A_222 = arith.constant 0 : i32
      %dma_start3A_223 = arith.constant 0 : i32
      %dma_start3A_224 = tpu.memref_slice %arg33[%dma_start3A_222, %dma_start3A_223] : memref<10008x16xf32, #tpu.memory_space<vmem_shared>> -> memref<10008x16xf32, #tpu.memory_space<vmem_shared>>
      tpu.enqueue_indirect_dma source(%arg14 : memref<128x16xf32, #tpu.memory_space<vmem>>) target(%dma_start3A_224 : memref<10008x16xf32, #tpu.memory_space<vmem_shared>>) offsets(%dma_start3A_221 : memref<128xi32, #tpu.memory_space<vmem>>) semaphore(%arg30 : memref<!tpu.dma_semaphore, #tpu.memory_space<semaphore_mem>>) {add = true}
      %add3A_225 = arith.constant 6 : i32
      %add3A_226 = arith.addi %mul3A_128, %add3A_225 : i32
      %dma_wait3A_227 = arith.constant 0 : i32
      %dma_wait3A_228 = tpu.memref_slice %arg7[%add3A_226, %dma_wait3A_227] : memref<80x128xi32, #tpu.memory_space<vmem>> -> memref<1x128xi32, #tpu.memory_space<vmem>>
      %dma_wait3A_229 = tpu.memref_squeeze %dma_wait3A_228 : memref<1x128xi32, #tpu.memory_space<vmem>> -> memref<128xi32, #tpu.memory_space<vmem>>
      %dma_wait3A_230 = arith.constant 0 : i32
      %dma_wait3A_231 = arith.constant 0 : i32
      %dma_wait3A_232 = tpu.memref_slice %arg2[%dma_wait3A_230, %dma_wait3A_231] : memref<10000x16xf32, #tpu.memory_space<hbm>> -> memref<10000x16xf32, #tpu.memory_space<hbm>>
      tpu.wait_indirect_dma semaphore(%arg23 : memref<!tpu.dma_semaphore, #tpu.memory_space<semaphore_mem>>) src(%dma_wait3A_232 : memref<10000x16xf32, #tpu.memory_space<hbm>>) dst(%arg15 : memref<128x16xf32, #tpu.memory_space<vmem>>)
      %add3A_233 = arith.constant 6 : i32
      %add3A_234 = arith.addi %mul3A_128, %add3A_233 : i32
      %dma_start3A_235 = arith.constant 0 : i32
      %dma_start3A_236 = tpu.memref_slice %arg8[%add3A_234, %dma_start3A_235] : memref<80x128xi32, #tpu.memory_space<vmem>> -> memref<1x128xi32, #tpu.memory_space<vmem>>
      %dma_start3A_237 = tpu.memref_squeeze %dma_start3A_236 : memref<1x128xi32, #tpu.memory_space<vmem>> -> memref<128xi32, #tpu.memory_space<vmem>>
      %dma_start3A_238 = arith.constant 0 : i32
      %dma_start3A_239 = arith.constant 0 : i32
      %dma_start3A_240 = tpu.memref_slice %arg33[%dma_start3A_238, %dma_start3A_239] : memref<10008x16xf32, #tpu.memory_space<vmem_shared>> -> memref<10008x16xf32, #tpu.memory_space<vmem_shared>>
      tpu.enqueue_indirect_dma source(%arg15 : memref<128x16xf32, #tpu.memory_space<vmem>>) target(%dma_start3A_240 : memref<10008x16xf32, #tpu.memory_space<vmem_shared>>) offsets(%dma_start3A_237 : memref<128xi32, #tpu.memory_space<vmem>>) semaphore(%arg31 : memref<!tpu.dma_semaphore, #tpu.memory_space<semaphore_mem>>) {add = true}
      %add3A_241 = arith.constant 7 : i32
      %add3A_242 = arith.addi %mul3A_128, %add3A_241 : i32
      %dma_wait3A_243 = arith.constant 0 : i32
      %dma_wait3A_244 = tpu.memref_slice %arg7[%add3A_242, %dma_wait3A_243] : memref<80x128xi32, #tpu.memory_space<vmem>> -> memref<1x128xi32, #tpu.memory_space<vmem>>
      %dma_wait3A_245 = tpu.memref_squeeze %dma_wait3A_244 : memref<1x128xi32, #tpu.memory_space<vmem>> -> memref<128xi32, #tpu.memory_space<vmem>>
      %dma_wait3A_246 = arith.constant 0 : i32
      %dma_wait3A_247 = arith.constant 0 : i32
      %dma_wait3A_248 = tpu.memref_slice %arg2[%dma_wait3A_246, %dma_wait3A_247] : memref<10000x16xf32, #tpu.memory_space<hbm>> -> memref<10000x16xf32, #tpu.memory_space<hbm>>
      tpu.wait_indirect_dma semaphore(%arg24 : memref<!tpu.dma_semaphore, #tpu.memory_space<semaphore_mem>>) src(%dma_wait3A_248 : memref<10000x16xf32, #tpu.memory_space<hbm>>) dst(%arg16 : memref<128x16xf32, #tpu.memory_space<vmem>>)
      %add3A_249 = arith.constant 7 : i32
      %add3A_250 = arith.addi %mul3A_128, %add3A_249 : i32
      %dma_start3A_251 = arith.constant 0 : i32
      %dma_start3A_252 = tpu.memref_slice %arg8[%add3A_250, %dma_start3A_251] : memref<80x128xi32, #tpu.memory_space<vmem>> -> memref<1x128xi32, #tpu.memory_space<vmem>>
      %dma_start3A_253 = tpu.memref_squeeze %dma_start3A_252 : memref<1x128xi32, #tpu.memory_space<vmem>> -> memref<128xi32, #tpu.memory_space<vmem>>
      %dma_start3A_254 = arith.constant 0 : i32
      %dma_start3A_255 = arith.constant 0 : i32
      %dma_start3A_256 = tpu.memref_slice %arg33[%dma_start3A_254, %dma_start3A_255] : memref<10008x16xf32, #tpu.memory_space<vmem_shared>> -> memref<10008x16xf32, #tpu.memory_space<vmem_shared>>
      tpu.enqueue_indirect_dma source(%arg16 : memref<128x16xf32, #tpu.memory_space<vmem>>) target(%dma_start3A_256 : memref<10008x16xf32, #tpu.memory_space<vmem_shared>>) offsets(%dma_start3A_253 : memref<128xi32, #tpu.memory_space<vmem>>) semaphore(%arg32 : memref<!tpu.dma_semaphore, #tpu.memory_space<semaphore_mem>>) {add = true}
      %lt3A = arith.constant 9 : i32
      %lt3A_257 = arith.cmpi slt, %add3A_126, %lt3A : i32
      %convert_element_type3A_258 = arith.extui %lt3A_257 : i1 to i32
      %cond3A_259 = arith.constant 0 : i32
      %cond3A_260 = arith.cmpi ne, %convert_element_type3A_258, %cond3A_259 : i32
      scf.if %cond3A_260 {
        %add3A_261 = arith.constant 0 : i32
        %add3A_262 = arith.addi %mul3A_128, %add3A_261 : i32
        %dma_wait3A_263 = arith.constant 0 : i32
        %dma_wait3A_264 = tpu.memref_slice %arg8[%add3A_262, %dma_wait3A_263] : memref<80x128xi32, #tpu.memory_space<vmem>> -> memref<1x128xi32, #tpu.memory_space<vmem>>
        %dma_wait3A_265 = tpu.memref_squeeze %dma_wait3A_264 : memref<1x128xi32, #tpu.memory_space<vmem>> -> memref<128xi32, #tpu.memory_space<vmem>>
        %dma_wait3A_266 = arith.constant 0 : i32
        %dma_wait3A_267 = arith.constant 0 : i32
        %dma_wait3A_268 = tpu.memref_slice %arg33[%dma_wait3A_266, %dma_wait3A_267] : memref<10008x16xf32, #tpu.memory_space<vmem_shared>> -> memref<10008x16xf32, #tpu.memory_space<vmem_shared>>
        tpu.wait_indirect_dma semaphore(%arg25 : memref<!tpu.dma_semaphore, #tpu.memory_space<semaphore_mem>>) src(%arg9 : memref<128x16xf32, #tpu.memory_space<vmem>>) dst(%dma_wait3A_268 : memref<10008x16xf32, #tpu.memory_space<vmem_shared>>)
        %add3A_269 = arith.constant 8 : i32
        %add3A_270 = arith.addi %mul3A_128, %add3A_269 : i32
        %add3A_271 = arith.constant 0 : i32
        %add3A_272 = arith.addi %add3A_270, %add3A_271 : i32
        %dma_start3A_273 = arith.constant 0 : i32
        %dma_start3A_274 = tpu.memref_slice %arg7[%add3A_272, %dma_start3A_273] : memref<80x128xi32, #tpu.memory_space<vmem>> -> memref<1x128xi32, #tpu.memory_space<vmem>>
        %dma_start3A_275 = tpu.memref_squeeze %dma_start3A_274 : memref<1x128xi32, #tpu.memory_space<vmem>> -> memref<128xi32, #tpu.memory_space<vmem>>
        %dma_start3A_276 = arith.constant 0 : i32
        %dma_start3A_277 = arith.constant 0 : i32
        %dma_start3A_278 = tpu.memref_slice %arg2[%dma_start3A_276, %dma_start3A_277] : memref<10000x16xf32, #tpu.memory_space<hbm>> -> memref<10000x16xf32, #tpu.memory_space<hbm>>
        tpu.enqueue_indirect_dma source(%dma_start3A_278 : memref<10000x16xf32, #tpu.memory_space<hbm>>) target(%arg9 : memref<128x16xf32, #tpu.memory_space<vmem>>) offsets(%dma_start3A_275 : memref<128xi32, #tpu.memory_space<vmem>>) semaphore(%arg17 : memref<!tpu.dma_semaphore, #tpu.memory_space<semaphore_mem>>)
        %add3A_279 = arith.constant 1 : i32
        %add3A_280 = arith.addi %mul3A_128, %add3A_279 : i32
        %dma_wait3A_281 = arith.constant 0 : i32
        %dma_wait3A_282 = tpu.memref_slice %arg8[%add3A_280, %dma_wait3A_281] : memref<80x128xi32, #tpu.memory_space<vmem>> -> memref<1x128xi32, #tpu.memory_space<vmem>>
        %dma_wait3A_283 = tpu.memref_squeeze %dma_wait3A_282 : memref<1x128xi32, #tpu.memory_space<vmem>> -> memref<128xi32, #tpu.memory_space<vmem>>
        %dma_wait3A_284 = arith.constant 0 : i32
        %dma_wait3A_285 = arith.constant 0 : i32
        %dma_wait3A_286 = tpu.memref_slice %arg33[%dma_wait3A_284, %dma_wait3A_285] : memref<10008x16xf32, #tpu.memory_space<vmem_shared>> -> memref<10008x16xf32, #tpu.memory_space<vmem_shared>>
        tpu.wait_indirect_dma semaphore(%arg26 : memref<!tpu.dma_semaphore, #tpu.memory_space<semaphore_mem>>) src(%arg10 : memref<128x16xf32, #tpu.memory_space<vmem>>) dst(%dma_wait3A_286 : memref<10008x16xf32, #tpu.memory_space<vmem_shared>>)
        %add3A_287 = arith.constant 8 : i32
        %add3A_288 = arith.addi %mul3A_128, %add3A_287 : i32
        %add3A_289 = arith.constant 1 : i32
        %add3A_290 = arith.addi %add3A_288, %add3A_289 : i32
        %dma_start3A_291 = arith.constant 0 : i32
        %dma_start3A_292 = tpu.memref_slice %arg7[%add3A_290, %dma_start3A_291] : memref<80x128xi32, #tpu.memory_space<vmem>> -> memref<1x128xi32, #tpu.memory_space<vmem>>
        %dma_start3A_293 = tpu.memref_squeeze %dma_start3A_292 : memref<1x128xi32, #tpu.memory_space<vmem>> -> memref<128xi32, #tpu.memory_space<vmem>>
        %dma_start3A_294 = arith.constant 0 : i32
        %dma_start3A_295 = arith.constant 0 : i32
        %dma_start3A_296 = tpu.memref_slice %arg2[%dma_start3A_294, %dma_start3A_295] : memref<10000x16xf32, #tpu.memory_space<hbm>> -> memref<10000x16xf32, #tpu.memory_space<hbm>>
        tpu.enqueue_indirect_dma source(%dma_start3A_296 : memref<10000x16xf32, #tpu.memory_space<hbm>>) target(%arg10 : memref<128x16xf32, #tpu.memory_space<vmem>>) offsets(%dma_start3A_293 : memref<128xi32, #tpu.memory_space<vmem>>) semaphore(%arg18 : memref<!tpu.dma_semaphore, #tpu.memory_space<semaphore_mem>>)
        %add3A_297 = arith.constant 2 : i32
        %add3A_298 = arith.addi %mul3A_128, %add3A_297 : i32
        %dma_wait3A_299 = arith.constant 0 : i32
        %dma_wait3A_300 = tpu.memref_slice %arg8[%add3A_298, %dma_wait3A_299] : memref<80x128xi32, #tpu.memory_space<vmem>> -> memref<1x128xi32, #tpu.memory_space<vmem>>
        %dma_wait3A_301 = tpu.memref_squeeze %dma_wait3A_300 : memref<1x128xi32, #tpu.memory_space<vmem>> -> memref<128xi32, #tpu.memory_space<vmem>>
        %dma_wait3A_302 = arith.constant 0 : i32
        %dma_wait3A_303 = arith.constant 0 : i32
        %dma_wait3A_304 = tpu.memref_slice %arg33[%dma_wait3A_302, %dma_wait3A_303] : memref<10008x16xf32, #tpu.memory_space<vmem_shared>> -> memref<10008x16xf32, #tpu.memory_space<vmem_shared>>
        tpu.wait_indirect_dma semaphore(%arg27 : memref<!tpu.dma_semaphore, #tpu.memory_space<semaphore_mem>>) src(%arg11 : memref<128x16xf32, #tpu.memory_space<vmem>>) dst(%dma_wait3A_304 : memref<10008x16xf32, #tpu.memory_space<vmem_shared>>)
        %add3A_305 = arith.constant 8 : i32
        %add3A_306 = arith.addi %mul3A_128, %add3A_305 : i32
        %add3A_307 = arith.constant 2 : i32
        %add3A_308 = arith.addi %add3A_306, %add3A_307 : i32
        %dma_start3A_309 = arith.constant 0 : i32
        %dma_start3A_310 = tpu.memref_slice %arg7[%add3A_308, %dma_start3A_309] : memref<80x128xi32, #tpu.memory_space<vmem>> -> memref<1x128xi32, #tpu.memory_space<vmem>>
        %dma_start3A_311 = tpu.memref_squeeze %dma_start3A_310 : memref<1x128xi32, #tpu.memory_space<vmem>> -> memref<128xi32, #tpu.memory_space<vmem>>
        %dma_start3A_312 = arith.constant 0 : i32
        %dma_start3A_313 = arith.constant 0 : i32
        %dma_start3A_314 = tpu.memref_slice %arg2[%dma_start3A_312, %dma_start3A_313] : memref<10000x16xf32, #tpu.memory_space<hbm>> -> memref<10000x16xf32, #tpu.memory_space<hbm>>
        tpu.enqueue_indirect_dma source(%dma_start3A_314 : memref<10000x16xf32, #tpu.memory_space<hbm>>) target(%arg11 : memref<128x16xf32, #tpu.memory_space<vmem>>) offsets(%dma_start3A_311 : memref<128xi32, #tpu.memory_space<vmem>>) semaphore(%arg19 : memref<!tpu.dma_semaphore, #tpu.memory_space<semaphore_mem>>)
        %add3A_315 = arith.constant 3 : i32
        %add3A_316 = arith.addi %mul3A_128, %add3A_315 : i32
        %dma_wait3A_317 = arith.constant 0 : i32
        %dma_wait3A_318 = tpu.memref_slice %arg8[%add3A_316, %dma_wait3A_317] : memref<80x128xi32, #tpu.memory_space<vmem>> -> memref<1x128xi32, #tpu.memory_space<vmem>>
        %dma_wait3A_319 = tpu.memref_squeeze %dma_wait3A_318 : memref<1x128xi32, #tpu.memory_space<vmem>> -> memref<128xi32, #tpu.memory_space<vmem>>
        %dma_wait3A_320 = arith.constant 0 : i32
        %dma_wait3A_321 = arith.constant 0 : i32
        %dma_wait3A_322 = tpu.memref_slice %arg33[%dma_wait3A_320, %dma_wait3A_321] : memref<10008x16xf32, #tpu.memory_space<vmem_shared>> -> memref<10008x16xf32, #tpu.memory_space<vmem_shared>>
        tpu.wait_indirect_dma semaphore(%arg28 : memref<!tpu.dma_semaphore, #tpu.memory_space<semaphore_mem>>) src(%arg12 : memref<128x16xf32, #tpu.memory_space<vmem>>) dst(%dma_wait3A_322 : memref<10008x16xf32, #tpu.memory_space<vmem_shared>>)
        %add3A_323 = arith.constant 8 : i32
        %add3A_324 = arith.addi %mul3A_128, %add3A_323 : i32
        %add3A_325 = arith.constant 3 : i32
        %add3A_326 = arith.addi %add3A_324, %add3A_325 : i32
        %dma_start3A_327 = arith.constant 0 : i32
        %dma_start3A_328 = tpu.memref_slice %arg7[%add3A_326, %dma_start3A_327] : memref<80x128xi32, #tpu.memory_space<vmem>> -> memref<1x128xi32, #tpu.memory_space<vmem>>
        %dma_start3A_329 = tpu.memref_squeeze %dma_start3A_328 : memref<1x128xi32, #tpu.memory_space<vmem>> -> memref<128xi32, #tpu.memory_space<vmem>>
        %dma_start3A_330 = arith.constant 0 : i32
        %dma_start3A_331 = arith.constant 0 : i32
        %dma_start3A_332 = tpu.memref_slice %arg2[%dma_start3A_330, %dma_start3A_331] : memref<10000x16xf32, #tpu.memory_space<hbm>> -> memref<10000x16xf32, #tpu.memory_space<hbm>>
        tpu.enqueue_indirect_dma source(%dma_start3A_332 : memref<10000x16xf32, #tpu.memory_space<hbm>>) target(%arg12 : memref<128x16xf32, #tpu.memory_space<vmem>>) offsets(%dma_start3A_329 : memref<128xi32, #tpu.memory_space<vmem>>) semaphore(%arg20 : memref<!tpu.dma_semaphore, #tpu.memory_space<semaphore_mem>>)
        %add3A_333 = arith.constant 4 : i32
        %add3A_334 = arith.addi %mul3A_128, %add3A_333 : i32
        %dma_wait3A_335 = arith.constant 0 : i32
        %dma_wait3A_336 = tpu.memref_slice %arg8[%add3A_334, %dma_wait3A_335] : memref<80x128xi32, #tpu.memory_space<vmem>> -> memref<1x128xi32, #tpu.memory_space<vmem>>
        %dma_wait3A_337 = tpu.memref_squeeze %dma_wait3A_336 : memref<1x128xi32, #tpu.memory_space<vmem>> -> memref<128xi32, #tpu.memory_space<vmem>>
        %dma_wait3A_338 = arith.constant 0 : i32
        %dma_wait3A_339 = arith.constant 0 : i32
        %dma_wait3A_340 = tpu.memref_slice %arg33[%dma_wait3A_338, %dma_wait3A_339] : memref<10008x16xf32, #tpu.memory_space<vmem_shared>> -> memref<10008x16xf32, #tpu.memory_space<vmem_shared>>
        tpu.wait_indirect_dma semaphore(%arg29 : memref<!tpu.dma_semaphore, #tpu.memory_space<semaphore_mem>>) src(%arg13 : memref<128x16xf32, #tpu.memory_space<vmem>>) dst(%dma_wait3A_340 : memref<10008x16xf32, #tpu.memory_space<vmem_shared>>)
        %add3A_341 = arith.constant 8 : i32
        %add3A_342 = arith.addi %mul3A_128, %add3A_341 : i32
        %add3A_343 = arith.constant 4 : i32
        %add3A_344 = arith.addi %add3A_342, %add3A_343 : i32
        %dma_start3A_345 = arith.constant 0 : i32
        %dma_start3A_346 = tpu.memref_slice %arg7[%add3A_344, %dma_start3A_345] : memref<80x128xi32, #tpu.memory_space<vmem>> -> memref<1x128xi32, #tpu.memory_space<vmem>>
        %dma_start3A_347 = tpu.memref_squeeze %dma_start3A_346 : memref<1x128xi32, #tpu.memory_space<vmem>> -> memref<128xi32, #tpu.memory_space<vmem>>
        %dma_start3A_348 = arith.constant 0 : i32
        %dma_start3A_349 = arith.constant 0 : i32
        %dma_start3A_350 = tpu.memref_slice %arg2[%dma_start3A_348, %dma_start3A_349] : memref<10000x16xf32, #tpu.memory_space<hbm>> -> memref<10000x16xf32, #tpu.memory_space<hbm>>
        tpu.enqueue_indirect_dma source(%dma_start3A_350 : memref<10000x16xf32, #tpu.memory_space<hbm>>) target(%arg13 : memref<128x16xf32, #tpu.memory_space<vmem>>) offsets(%dma_start3A_347 : memref<128xi32, #tpu.memory_space<vmem>>) semaphore(%arg21 : memref<!tpu.dma_semaphore, #tpu.memory_space<semaphore_mem>>)
        %add3A_351 = arith.constant 5 : i32
        %add3A_352 = arith.addi %mul3A_128, %add3A_351 : i32
        %dma_wait3A_353 = arith.constant 0 : i32
        %dma_wait3A_354 = tpu.memref_slice %arg8[%add3A_352, %dma_wait3A_353] : memref<80x128xi32, #tpu.memory_space<vmem>> -> memref<1x128xi32, #tpu.memory_space<vmem>>
        %dma_wait3A_355 = tpu.memref_squeeze %dma_wait3A_354 : memref<1x128xi32, #tpu.memory_space<vmem>> -> memref<128xi32, #tpu.memory_space<vmem>>
        %dma_wait3A_356 = arith.constant 0 : i32
        %dma_wait3A_357 = arith.constant 0 : i32
        %dma_wait3A_358 = tpu.memref_slice %arg33[%dma_wait3A_356, %dma_wait3A_357] : memref<10008x16xf32, #tpu.memory_space<vmem_shared>> -> memref<10008x16xf32, #tpu.memory_space<vmem_shared>>
        tpu.wait_indirect_dma semaphore(%arg30 : memref<!tpu.dma_semaphore, #tpu.memory_space<semaphore_mem>>) src(%arg14 : memref<128x16xf32, #tpu.memory_space<vmem>>) dst(%dma_wait3A_358 : memref<10008x16xf32, #tpu.memory_space<vmem_shared>>)
        %add3A_359 = arith.constant 8 : i32
        %add3A_360 = arith.addi %mul3A_128, %add3A_359 : i32
        %add3A_361 = arith.constant 5 : i32
        %add3A_362 = arith.addi %add3A_360, %add3A_361 : i32
        %dma_start3A_363 = arith.constant 0 : i32
        %dma_start3A_364 = tpu.memref_slice %arg7[%add3A_362, %dma_start3A_363] : memref<80x128xi32, #tpu.memory_space<vmem>> -> memref<1x128xi32, #tpu.memory_space<vmem>>
        %dma_start3A_365 = tpu.memref_squeeze %dma_start3A_364 : memref<1x128xi32, #tpu.memory_space<vmem>> -> memref<128xi32, #tpu.memory_space<vmem>>
        %dma_start3A_366 = arith.constant 0 : i32
        %dma_start3A_367 = arith.constant 0 : i32
        %dma_start3A_368 = tpu.memref_slice %arg2[%dma_start3A_366, %dma_start3A_367] : memref<10000x16xf32, #tpu.memory_space<hbm>> -> memref<10000x16xf32, #tpu.memory_space<hbm>>
        tpu.enqueue_indirect_dma source(%dma_start3A_368 : memref<10000x16xf32, #tpu.memory_space<hbm>>) target(%arg14 : memref<128x16xf32, #tpu.memory_space<vmem>>) offsets(%dma_start3A_365 : memref<128xi32, #tpu.memory_space<vmem>>) semaphore(%arg22 : memref<!tpu.dma_semaphore, #tpu.memory_space<semaphore_mem>>)
        %add3A_369 = arith.constant 6 : i32
        %add3A_370 = arith.addi %mul3A_128, %add3A_369 : i32
        %dma_wait3A_371 = arith.constant 0 : i32
        %dma_wait3A_372 = tpu.memref_slice %arg8[%add3A_370, %dma_wait3A_371] : memref<80x128xi32, #tpu.memory_space<vmem>> -> memref<1x128xi32, #tpu.memory_space<vmem>>
        %dma_wait3A_373 = tpu.memref_squeeze %dma_wait3A_372 : memref<1x128xi32, #tpu.memory_space<vmem>> -> memref<128xi32, #tpu.memory_space<vmem>>
        %dma_wait3A_374 = arith.constant 0 : i32
        %dma_wait3A_375 = arith.constant 0 : i32
        %dma_wait3A_376 = tpu.memref_slice %arg33[%dma_wait3A_374, %dma_wait3A_375] : memref<10008x16xf32, #tpu.memory_space<vmem_shared>> -> memref<10008x16xf32, #tpu.memory_space<vmem_shared>>
        tpu.wait_indirect_dma semaphore(%arg31 : memref<!tpu.dma_semaphore, #tpu.memory_space<semaphore_mem>>) src(%arg15 : memref<128x16xf32, #tpu.memory_space<vmem>>) dst(%dma_wait3A_376 : memref<10008x16xf32, #tpu.memory_space<vmem_shared>>)
        %add3A_377 = arith.constant 8 : i32
        %add3A_378 = arith.addi %mul3A_128, %add3A_377 : i32
        %add3A_379 = arith.constant 6 : i32
        %add3A_380 = arith.addi %add3A_378, %add3A_379 : i32
        %dma_start3A_381 = arith.constant 0 : i32
        %dma_start3A_382 = tpu.memref_slice %arg7[%add3A_380, %dma_start3A_381] : memref<80x128xi32, #tpu.memory_space<vmem>> -> memref<1x128xi32, #tpu.memory_space<vmem>>
        %dma_start3A_383 = tpu.memref_squeeze %dma_start3A_382 : memref<1x128xi32, #tpu.memory_space<vmem>> -> memref<128xi32, #tpu.memory_space<vmem>>
        %dma_start3A_384 = arith.constant 0 : i32
        %dma_start3A_385 = arith.constant 0 : i32
        %dma_start3A_386 = tpu.memref_slice %arg2[%dma_start3A_384, %dma_start3A_385] : memref<10000x16xf32, #tpu.memory_space<hbm>> -> memref<10000x16xf32, #tpu.memory_space<hbm>>
        tpu.enqueue_indirect_dma source(%dma_start3A_386 : memref<10000x16xf32, #tpu.memory_space<hbm>>) target(%arg15 : memref<128x16xf32, #tpu.memory_space<vmem>>) offsets(%dma_start3A_383 : memref<128xi32, #tpu.memory_space<vmem>>) semaphore(%arg23 : memref<!tpu.dma_semaphore, #tpu.memory_space<semaphore_mem>>)
        %add3A_387 = arith.constant 7 : i32
        %add3A_388 = arith.addi %mul3A_128, %add3A_387 : i32
        %dma_wait3A_389 = arith.constant 0 : i32
        %dma_wait3A_390 = tpu.memref_slice %arg8[%add3A_388, %dma_wait3A_389] : memref<80x128xi32, #tpu.memory_space<vmem>> -> memref<1x128xi32, #tpu.memory_space<vmem>>
        %dma_wait3A_391 = tpu.memref_squeeze %dma_wait3A_390 : memref<1x128xi32, #tpu.memory_space<vmem>> -> memref<128xi32, #tpu.memory_space<vmem>>
        %dma_wait3A_392 = arith.constant 0 : i32
        %dma_wait3A_393 = arith.constant 0 : i32
        %dma_wait3A_394 = tpu.memref_slice %arg33[%dma_wait3A_392, %dma_wait3A_393] : memref<10008x16xf32, #tpu.memory_space<vmem_shared>> -> memref<10008x16xf32, #tpu.memory_space<vmem_shared>>
        tpu.wait_indirect_dma semaphore(%arg32 : memref<!tpu.dma_semaphore, #tpu.memory_space<semaphore_mem>>) src(%arg16 : memref<128x16xf32, #tpu.memory_space<vmem>>) dst(%dma_wait3A_394 : memref<10008x16xf32, #tpu.memory_space<vmem_shared>>)
        %add3A_395 = arith.constant 8 : i32
        %add3A_396 = arith.addi %mul3A_128, %add3A_395 : i32
        %add3A_397 = arith.constant 7 : i32
        %add3A_398 = arith.addi %add3A_396, %add3A_397 : i32
        %dma_start3A_399 = arith.constant 0 : i32
        %dma_start3A_400 = tpu.memref_slice %arg7[%add3A_398, %dma_start3A_399] : memref<80x128xi32, #tpu.memory_space<vmem>> -> memref<1x128xi32, #tpu.memory_space<vmem>>
        %dma_start3A_401 = tpu.memref_squeeze %dma_start3A_400 : memref<1x128xi32, #tpu.memory_space<vmem>> -> memref<128xi32, #tpu.memory_space<vmem>>
        %dma_start3A_402 = arith.constant 0 : i32
        %dma_start3A_403 = arith.constant 0 : i32
        %dma_start3A_404 = tpu.memref_slice %arg2[%dma_start3A_402, %dma_start3A_403] : memref<10000x16xf32, #tpu.memory_space<hbm>> -> memref<10000x16xf32, #tpu.memory_space<hbm>>
        tpu.enqueue_indirect_dma source(%dma_start3A_404 : memref<10000x16xf32, #tpu.memory_space<hbm>>) target(%arg16 : memref<128x16xf32, #tpu.memory_space<vmem>>) offsets(%dma_start3A_401 : memref<128xi32, #tpu.memory_space<vmem>>) semaphore(%arg24 : memref<!tpu.dma_semaphore, #tpu.memory_space<semaphore_mem>>)
      } else {
      }
    }
    %scan3A_60 = arith.constant 10 : i32
    %dma_wait3A = arith.constant 72 : i32
    %dma_wait3A_61 = arith.constant 0 : i32
    %dma_wait3A_62 = tpu.memref_slice %arg8[%dma_wait3A, %dma_wait3A_61] : memref<80x128xi32, #tpu.memory_space<vmem>> -> memref<1x128xi32, #tpu.memory_space<vmem>>
    %dma_wait3A_63 = tpu.memref_squeeze %dma_wait3A_62 : memref<1x128xi32, #tpu.memory_space<vmem>> -> memref<128xi32, #tpu.memory_space<vmem>>
    %dma_wait3A_64 = arith.constant 0 : i32
    %dma_wait3A_65 = arith.constant 0 : i32
    %dma_wait3A_66 = tpu.memref_slice %arg33[%dma_wait3A_64, %dma_wait3A_65] : memref<10008x16xf32, #tpu.memory_space<vmem_shared>> -> memref<10008x16xf32, #tpu.memory_space<vmem_shared>>
    tpu.wait_indirect_dma semaphore(%arg25 : memref<!tpu.dma_semaphore, #tpu.memory_space<semaphore_mem>>) src(%arg9 : memref<128x16xf32, #tpu.memory_space<vmem>>) dst(%dma_wait3A_66 : memref<10008x16xf32, #tpu.memory_space<vmem_shared>>)
    %dma_wait3A_67 = arith.constant 73 : i32
    %dma_wait3A_68 = arith.constant 0 : i32
    %dma_wait3A_69 = tpu.memref_slice %arg8[%dma_wait3A_67, %dma_wait3A_68] : memref<80x128xi32, #tpu.memory_space<vmem>> -> memref<1x128xi32, #tpu.memory_space<vmem>>
    %dma_wait3A_70 = tpu.memref_squeeze %dma_wait3A_69 : memref<1x128xi32, #tpu.memory_space<vmem>> -> memref<128xi32, #tpu.memory_space<vmem>>
    %dma_wait3A_71 = arith.constant 0 : i32
    %dma_wait3A_72 = arith.constant 0 : i32
    %dma_wait3A_73 = tpu.memref_slice %arg33[%dma_wait3A_71, %dma_wait3A_72] : memref<10008x16xf32, #tpu.memory_space<vmem_shared>> -> memref<10008x16xf32, #tpu.memory_space<vmem_shared>>
    tpu.wait_indirect_dma semaphore(%arg26 : memref<!tpu.dma_semaphore, #tpu.memory_space<semaphore_mem>>) src(%arg10 : memref<128x16xf32, #tpu.memory_space<vmem>>) dst(%dma_wait3A_73 : memref<10008x16xf32, #tpu.memory_space<vmem_shared>>)
    %dma_wait3A_74 = arith.constant 74 : i32
    %dma_wait3A_75 = arith.constant 0 : i32
    %dma_wait3A_76 = tpu.memref_slice %arg8[%dma_wait3A_74, %dma_wait3A_75] : memref<80x128xi32, #tpu.memory_space<vmem>> -> memref<1x128xi32, #tpu.memory_space<vmem>>
    %dma_wait3A_77 = tpu.memref_squeeze %dma_wait3A_76 : memref<1x128xi32, #tpu.memory_space<vmem>> -> memref<128xi32, #tpu.memory_space<vmem>>
    %dma_wait3A_78 = arith.constant 0 : i32
    %dma_wait3A_79 = arith.constant 0 : i32
    %dma_wait3A_80 = tpu.memref_slice %arg33[%dma_wait3A_78, %dma_wait3A_79] : memref<10008x16xf32, #tpu.memory_space<vmem_shared>> -> memref<10008x16xf32, #tpu.memory_space<vmem_shared>>
    tpu.wait_indirect_dma semaphore(%arg27 : memref<!tpu.dma_semaphore, #tpu.memory_space<semaphore_mem>>) src(%arg11 : memref<128x16xf32, #tpu.memory_space<vmem>>) dst(%dma_wait3A_80 : memref<10008x16xf32, #tpu.memory_space<vmem_shared>>)
    %dma_wait3A_81 = arith.constant 75 : i32
    %dma_wait3A_82 = arith.constant 0 : i32
    %dma_wait3A_83 = tpu.memref_slice %arg8[%dma_wait3A_81, %dma_wait3A_82] : memref<80x128xi32, #tpu.memory_space<vmem>> -> memref<1x128xi32, #tpu.memory_space<vmem>>
    %dma_wait3A_84 = tpu.memref_squeeze %dma_wait3A_83 : memref<1x128xi32, #tpu.memory_space<vmem>> -> memref<128xi32, #tpu.memory_space<vmem>>
    %dma_wait3A_85 = arith.constant 0 : i32
    %dma_wait3A_86 = arith.constant 0 : i32
    %dma_wait3A_87 = tpu.memref_slice %arg33[%dma_wait3A_85, %dma_wait3A_86] : memref<10008x16xf32, #tpu.memory_space<vmem_shared>> -> memref<10008x16xf32, #tpu.memory_space<vmem_shared>>
    tpu.wait_indirect_dma semaphore(%arg28 : memref<!tpu.dma_semaphore, #tpu.memory_space<semaphore_mem>>) src(%arg12 : memref<128x16xf32, #tpu.memory_space<vmem>>) dst(%dma_wait3A_87 : memref<10008x16xf32, #tpu.memory_space<vmem_shared>>)
    %dma_wait3A_88 = arith.constant 76 : i32
    %dma_wait3A_89 = arith.constant 0 : i32
    %dma_wait3A_90 = tpu.memref_slice %arg8[%dma_wait3A_88, %dma_wait3A_89] : memref<80x128xi32, #tpu.memory_space<vmem>> -> memref<1x128xi32, #tpu.memory_space<vmem>>
    %dma_wait3A_91 = tpu.memref_squeeze %dma_wait3A_90 : memref<1x128xi32, #tpu.memory_space<vmem>> -> memref<128xi32, #tpu.memory_space<vmem>>
    %dma_wait3A_92 = arith.constant 0 : i32
    %dma_wait3A_93 = arith.constant 0 : i32
    %dma_wait3A_94 = tpu.memref_slice %arg33[%dma_wait3A_92, %dma_wait3A_93] : memref<10008x16xf32, #tpu.memory_space<vmem_shared>> -> memref<10008x16xf32, #tpu.memory_space<vmem_shared>>
    tpu.wait_indirect_dma semaphore(%arg29 : memref<!tpu.dma_semaphore, #tpu.memory_space<semaphore_mem>>) src(%arg13 : memref<128x16xf32, #tpu.memory_space<vmem>>) dst(%dma_wait3A_94 : memref<10008x16xf32, #tpu.memory_space<vmem_shared>>)
    %dma_wait3A_95 = arith.constant 77 : i32
    %dma_wait3A_96 = arith.constant 0 : i32
    %dma_wait3A_97 = tpu.memref_slice %arg8[%dma_wait3A_95, %dma_wait3A_96] : memref<80x128xi32, #tpu.memory_space<vmem>> -> memref<1x128xi32, #tpu.memory_space<vmem>>
    %dma_wait3A_98 = tpu.memref_squeeze %dma_wait3A_97 : memref<1x128xi32, #tpu.memory_space<vmem>> -> memref<128xi32, #tpu.memory_space<vmem>>
    %dma_wait3A_99 = arith.constant 0 : i32
    %dma_wait3A_100 = arith.constant 0 : i32
    %dma_wait3A_101 = tpu.memref_slice %arg33[%dma_wait3A_99, %dma_wait3A_100] : memref<10008x16xf32, #tpu.memory_space<vmem_shared>> -> memref<10008x16xf32, #tpu.memory_space<vmem_shared>>
    tpu.wait_indirect_dma semaphore(%arg30 : memref<!tpu.dma_semaphore, #tpu.memory_space<semaphore_mem>>) src(%arg14 : memref<128x16xf32, #tpu.memory_space<vmem>>) dst(%dma_wait3A_101 : memref<10008x16xf32, #tpu.memory_space<vmem_shared>>)
    %dma_wait3A_102 = arith.constant 78 : i32
    %dma_wait3A_103 = arith.constant 0 : i32
    %dma_wait3A_104 = tpu.memref_slice %arg8[%dma_wait3A_102, %dma_wait3A_103] : memref<80x128xi32, #tpu.memory_space<vmem>> -> memref<1x128xi32, #tpu.memory_space<vmem>>
    %dma_wait3A_105 = tpu.memref_squeeze %dma_wait3A_104 : memref<1x128xi32, #tpu.memory_space<vmem>> -> memref<128xi32, #tpu.memory_space<vmem>>
    %dma_wait3A_106 = arith.constant 0 : i32
    %dma_wait3A_107 = arith.constant 0 : i32
    %dma_wait3A_108 = tpu.memref_slice %arg33[%dma_wait3A_106, %dma_wait3A_107] : memref<10008x16xf32, #tpu.memory_space<vmem_shared>> -> memref<10008x16xf32, #tpu.memory_space<vmem_shared>>
    tpu.wait_indirect_dma semaphore(%arg31 : memref<!tpu.dma_semaphore, #tpu.memory_space<semaphore_mem>>) src(%arg15 : memref<128x16xf32, #tpu.memory_space<vmem>>) dst(%dma_wait3A_108 : memref<10008x16xf32, #tpu.memory_space<vmem_shared>>)
    %dma_wait3A_109 = arith.constant 79 : i32
    %dma_wait3A_110 = arith.constant 0 : i32
    %dma_wait3A_111 = tpu.memref_slice %arg8[%dma_wait3A_109, %dma_wait3A_110] : memref<80x128xi32, #tpu.memory_space<vmem>> -> memref<1x128xi32, #tpu.memory_space<vmem>>
    %dma_wait3A_112 = tpu.memref_squeeze %dma_wait3A_111 : memref<1x128xi32, #tpu.memory_space<vmem>> -> memref<128xi32, #tpu.memory_space<vmem>>
    %dma_wait3A_113 = arith.constant 0 : i32
    %dma_wait3A_114 = arith.constant 0 : i32
    %dma_wait3A_115 = tpu.memref_slice %arg33[%dma_wait3A_113, %dma_wait3A_114] : memref<10008x16xf32, #tpu.memory_space<vmem_shared>> -> memref<10008x16xf32, #tpu.memory_space<vmem_shared>>
    tpu.wait_indirect_dma semaphore(%arg32 : memref<!tpu.dma_semaphore, #tpu.memory_space<semaphore_mem>>) src(%arg16 : memref<128x16xf32, #tpu.memory_space<vmem>>) dst(%dma_wait3A_115 : memref<10008x16xf32, #tpu.memory_space<vmem_shared>>)
    %barrier3A_116 = arith.constant 0 : index
    tpu.barrier barrier_id(%barrier3A_116)
    %mul3A = arith.constant 624 : i32
    %mul3A_117 = arith.muli %arg1, %mul3A : i32
    "tpu.region"() ({
      %run_scoped3A = tpu.sem_alloc : memref<!tpu.dma_semaphore, #tpu.memory_space<semaphore_mem>>
      %dma_start3A_123 = arith.constant 0 : i32
      %dma_start3A_124 = tpu.memref_slice %arg6[%arg0, %mul3A_117, %dma_start3A_123] : memref<2x10008x16xf32, #tpu.memory_space<hbm>> -> memref<1x624x16xf32, #tpu.memory_space<hbm>>
      %dma_start3A_125 = tpu.memref_squeeze %dma_start3A_124 : memref<1x624x16xf32, #tpu.memory_space<hbm>> -> memref<624x16xf32, #tpu.memory_space<hbm>>
      %dma_start3A_126 = arith.constant 0 : i32
      %dma_start3A_127 = tpu.memref_slice %arg33[%mul3A_117, %dma_start3A_126] : memref<10008x16xf32, #tpu.memory_space<vmem_shared>> -> memref<624x16xf32, #tpu.memory_space<vmem_shared>>
      tpu.enqueue_dma source(%dma_start3A_127 : memref<624x16xf32, #tpu.memory_space<vmem_shared>>) target(%dma_start3A_125 : memref<624x16xf32, #tpu.memory_space<hbm>>) target_semaphore(%run_scoped3A : memref<!tpu.dma_semaphore, #tpu.memory_space<semaphore_mem>>)
      %dma_wait3A_128 = arith.constant 0 : i32
      %dma_wait3A_129 = tpu.memref_slice %arg6[%arg0, %mul3A_117, %dma_wait3A_128] : memref<2x10008x16xf32, #tpu.memory_space<hbm>> -> memref<1x624x16xf32, #tpu.memory_space<hbm>>
      %dma_wait3A_130 = tpu.memref_squeeze %dma_wait3A_129 : memref<1x624x16xf32, #tpu.memory_space<hbm>> -> memref<624x16xf32, #tpu.memory_space<hbm>>
      %dma_wait3A_131 = arith.constant 0 : i32
      %dma_wait3A_132 = tpu.memref_slice %arg33[%mul3A_117, %dma_wait3A_131] : memref<10008x16xf32, #tpu.memory_space<vmem_shared>> -> memref<624x16xf32, #tpu.memory_space<vmem_shared>>
      tpu.wait_dma2 semaphore(%run_scoped3A : memref<!tpu.dma_semaphore, #tpu.memory_space<semaphore_mem>>) src(%dma_wait3A_132 : memref<624x16xf32, #tpu.memory_space<vmem_shared>>) dst(%dma_wait3A_130 : memref<624x16xf32, #tpu.memory_space<hbm>>)
      tpu.yield
    }) : () -> ()
    %eq3A_118 = arith.constant 0 : i32
    %eq3A_119 = arith.cmpi eq, %arg1, %eq3A_118 : i32
    %convert_element_type3A_120 = arith.extui %eq3A_119 : i1 to i32
    %cond3A_121 = arith.constant 0 : i32
    %cond3A_122 = arith.cmpi ne, %convert_element_type3A_120, %cond3A_121 : i32
    scf.if %cond3A_122 {
      "tpu.region"() ({
        %run_scoped3A = tpu.sem_alloc : memref<!tpu.dma_semaphore, #tpu.memory_space<semaphore_mem>>
        %dma_start3A_123 = arith.constant 9984 : i32
        %dma_start3A_124 = arith.constant 0 : i32
        %dma_start3A_125 = tpu.memref_slice %arg6[%arg0, %dma_start3A_123, %dma_start3A_124] : memref<2x10008x16xf32, #tpu.memory_space<hbm>> -> memref<1x24x16xf32, #tpu.memory_space<hbm>>
        %dma_start3A_126 = tpu.memref_squeeze %dma_start3A_125 : memref<1x24x16xf32, #tpu.memory_space<hbm>> -> memref<24x16xf32, #tpu.memory_space<hbm>>
        %dma_start3A_127 = arith.constant 9984 : i32
        %dma_start3A_128 = arith.constant 0 : i32
        %dma_start3A_129 = tpu.memref_slice %arg33[%dma_start3A_127, %dma_start3A_128] : memref<10008x16xf32, #tpu.memory_space<vmem_shared>> -> memref<24x16xf32, #tpu.memory_space<vmem_shared>>
        tpu.enqueue_dma source(%dma_start3A_129 : memref<24x16xf32, #tpu.memory_space<vmem_shared>>) target(%dma_start3A_126 : memref<24x16xf32, #tpu.memory_space<hbm>>) target_semaphore(%run_scoped3A : memref<!tpu.dma_semaphore, #tpu.memory_space<semaphore_mem>>)
        %dma_wait3A_130 = arith.constant 9984 : i32
        %dma_wait3A_131 = arith.constant 0 : i32
        %dma_wait3A_132 = tpu.memref_slice %arg6[%arg0, %dma_wait3A_130, %dma_wait3A_131] : memref<2x10008x16xf32, #tpu.memory_space<hbm>> -> memref<1x24x16xf32, #tpu.memory_space<hbm>>
        %dma_wait3A_133 = tpu.memref_squeeze %dma_wait3A_132 : memref<1x24x16xf32, #tpu.memory_space<hbm>> -> memref<24x16xf32, #tpu.memory_space<hbm>>
        %dma_wait3A_134 = arith.constant 9984 : i32
        %dma_wait3A_135 = arith.constant 0 : i32
        %dma_wait3A_136 = tpu.memref_slice %arg33[%dma_wait3A_134, %dma_wait3A_135] : memref<10008x16xf32, #tpu.memory_space<vmem_shared>> -> memref<24x16xf32, #tpu.memory_space<vmem_shared>>
        tpu.wait_dma2 semaphore(%run_scoped3A : memref<!tpu.dma_semaphore, #tpu.memory_space<semaphore_mem>>) src(%dma_wait3A_136 : memref<24x16xf32, #tpu.memory_space<vmem_shared>>) dst(%dma_wait3A_133 : memref<24x16xf32, #tpu.memory_space<hbm>>)
        tpu.yield
      }) : () -> ()
    } else {
    }
    return
  }
}

module attributes {stable_mosaic.version = 14 : i64} {
  func.func @body(%arg0: i32, %arg1: memref<2x2000x128xf32, #tpu.memory_space<vmem>>, %arg2: memref<2x2000x16xf32, #tpu.memory_space<vmem>>, %arg3: memref<2000x128xf32, #tpu.memory_space<vmem>>, %arg4: memref<128x256xf32, #tpu.memory_space<vmem>>, %arg5: memref<128x256xf32, #tpu.memory_space<vmem>>, %arg6: memref<1x256xf32, #tpu.memory_space<vmem>>, %arg7: memref<2000x256xf32, #tpu.memory_space<vmem>>, %arg8: memref<2000x1xf32, #tpu.memory_space<vmem>>, %arg9: memref<2x256xf32, #tpu.memory_space<vmem>>) attributes {dimension_semantics = [#tpu.dimension_semantics<arbitrary>], iteration_bounds = array<i64: 5>, scalar_prefetch = 0 : i64, scratch_operands = 0 : i64, tpu.core_type = #tpu.core_type<tc>, window_params = [{transform_indices = @transform_0, window_bounds = array<i64: 2, 2000, 128>}, {transform_indices = @transform_1, window_bounds = array<i64: 2, 2000, 16>}, {transform_indices = @transform_2, window_bounds = array<i64: 2000, 128>}, {pipeline_mode = #tpu.pipeline_mode<synchronous>, transform_indices = @transform_3, window_bounds = array<i64: 128, 256>}, {pipeline_mode = #tpu.pipeline_mode<synchronous>, transform_indices = @transform_4, window_bounds = array<i64: 128, 256>}, {pipeline_mode = #tpu.pipeline_mode<synchronous>, transform_indices = @transform_5, window_bounds = array<i64: 1, 256>}, {transform_indices = @transform_6, window_bounds = array<i64: 2000, 256>}, {transform_indices = @transform_7, window_bounds = array<i64: 2000, 1>}, {pipeline_mode = #tpu.pipeline_mode<synchronous>, transform_indices = @transform_8, window_bounds = array<i64: 2, 256>}]} {
    %get3A = arith.constant 0 : index
    %get3A_0 = arith.constant 0 : index
    %get3A_1 = arith.constant 0 : index
    %get3A_2 = vector.load %arg1[%get3A, %get3A_0, %get3A_1] : memref<2x2000x128xf32, #tpu.memory_space<vmem>>, vector<1x2000x128xf32>
    %get3A_3 = vector.shape_cast %get3A_2 : vector<1x2000x128xf32> to vector<2000x128xf32>
    %get3A_4 = arith.constant 1 : index
    %get3A_5 = arith.constant 0 : index
    %get3A_6 = arith.constant 0 : index
    %get3A_7 = vector.load %arg1[%get3A_4, %get3A_5, %get3A_6] : memref<2x2000x128xf32, #tpu.memory_space<vmem>>, vector<1x2000x128xf32>
    %get3A_8 = vector.shape_cast %get3A_7 : vector<1x2000x128xf32> to vector<2000x128xf32>
    %add3A = arith.addf %get3A_3, %get3A_8 : vector<2000x128xf32>
    %get3A_9 = arith.constant 0 : index
    %get3A_10 = arith.constant 0 : index
    %get3A_11 = arith.constant 0 : index
    %get3A_12 = vector.load %arg2[%get3A_9, %get3A_10, %get3A_11] : memref<2x2000x16xf32, #tpu.memory_space<vmem>>, vector<1x2000x1xf32>
    %get3A_13 = vector.shape_cast %get3A_12 : vector<1x2000x1xf32> to vector<2000x1xf32>
    %get3A_14 = arith.constant 1 : index
    %get3A_15 = arith.constant 0 : index
    %get3A_16 = arith.constant 0 : index
    %get3A_17 = vector.load %arg2[%get3A_14, %get3A_15, %get3A_16] : memref<2x2000x16xf32, #tpu.memory_space<vmem>>, vector<1x2000x1xf32>
    %get3A_18 = vector.shape_cast %get3A_17 : vector<1x2000x1xf32> to vector<2000x1xf32>
    %add3A_19 = arith.addf %get3A_13, %get3A_18 : vector<2000x1xf32>
    %max3A = arith.constant 1.000000e+00 : f32
    %max3A_20 = vector.broadcast %max3A : f32 to vector<2000x1xf32>
    %max3A_21 = arith.maximumf %add3A_19, %max3A_20 : vector<2000x1xf32>
    %div3A = arith.constant 1.000000e+00 : f32
    %div3A_22 = vector.broadcast %div3A : f32 to vector<2000x1xf32>
    %div3A_23 = arith.divf %div3A_22, %max3A_21 : vector<2000x1xf32>
    %mul3A = vector.broadcast %div3A_23 : vector<2000x1xf32> to vector<2000x128xf32>
    %mul3A_24 = arith.mulf %add3A, %mul3A : vector<2000x128xf32>
    %get3A_25 = arith.constant 0 : index
    %get3A_26 = arith.constant 0 : index
    %get3A_27 = vector.load %arg4[%get3A_25, %get3A_26] : memref<128x256xf32, #tpu.memory_space<vmem>>, vector<128x256xf32>
    %dot_general3A = arith.constant dense<0.000000e+00> : vector<2000x256xf32>
    %dot_general3A_28 = tpu.matmul %mul3A_24, %get3A_27, %dot_general3A {dimension_numbers = #tpu.dot_dimension_numbers<[1], [0], [0], [1], [0, 0, 1, 1], [], []>, transpose_lhs_hint = false} : vector<2000x128xf32>, vector<128x256xf32>, vector<2000x256xf32> -> vector<2000x256xf32>
    %get3A_29 = arith.constant 0 : index
    %get3A_30 = arith.constant 0 : index
    %get3A_31 = vector.load %arg3[%get3A_29, %get3A_30] : memref<2000x128xf32, #tpu.memory_space<vmem>>, vector<2000x128xf32>
    %get3A_32 = arith.constant 0 : index
    %get3A_33 = arith.constant 0 : index
    %get3A_34 = vector.load %arg5[%get3A_32, %get3A_33] : memref<128x256xf32, #tpu.memory_space<vmem>>, vector<128x256xf32>
    %dot_general3A_35 = arith.constant dense<0.000000e+00> : vector<2000x256xf32>
    %dot_general3A_36 = tpu.matmul %get3A_31, %get3A_34, %dot_general3A_35 {dimension_numbers = #tpu.dot_dimension_numbers<[1], [0], [0], [1], [0, 0, 1, 1], [], []>, transpose_lhs_hint = false} : vector<2000x128xf32>, vector<128x256xf32>, vector<2000x256xf32> -> vector<2000x256xf32>
    %add3A_37 = arith.addf %dot_general3A_28, %dot_general3A_36 : vector<2000x256xf32>
    %get3A_38 = arith.constant 0 : index
    %get3A_39 = arith.constant 0 : index
    %get3A_40 = vector.load %arg6[%get3A_38, %get3A_39] : memref<1x256xf32, #tpu.memory_space<vmem>>, vector<1x256xf32>
    %add3A_41 = vector.broadcast %get3A_40 : vector<1x256xf32> to vector<2000x256xf32>
    %add3A_42 = arith.addf %add3A_37, %add3A_41 : vector<2000x256xf32>
    %swap3A = arith.constant 0 : index
    %swap3A_43 = arith.constant 0 : index
    %swap3A_44 = vector.load %arg7[%swap3A, %swap3A_43] : memref<2000x256xf32, #tpu.memory_space<vmem>>, vector<2000x256xf32>
    tpu.vector_store %arg7[%swap3A, %swap3A_43], %add3A_42 {strides = array<i32>} : memref<2000x256xf32, #tpu.memory_space<vmem>>, vector<2000x256xf32>,
    %swap3A_45 = arith.constant 0 : index
    %swap3A_46 = arith.constant 0 : index
    %swap3A_47 = vector.load %arg8[%swap3A_45, %swap3A_46] : memref<2000x1xf32, #tpu.memory_space<vmem>>, vector<2000x1xf32>
    tpu.vector_store %arg8[%swap3A_45, %swap3A_46], %div3A_23 {strides = array<i32>} : memref<2000x1xf32, #tpu.memory_space<vmem>>, vector<2000x1xf32>,
    %eq3A = arith.constant 0 : i32
    %eq3A_48 = arith.cmpi eq, %arg0, %eq3A : i32
    %convert_element_type3A = arith.extui %eq3A_48 : i1 to i32
    %cond3A = arith.constant 0 : i32
    %cond3A_49 = arith.cmpi ne, %convert_element_type3A, %cond3A : i32
    scf.if %cond3A_49 {
      %broadcast_in_dim3A_69 = arith.constant 0.000000e+00 : f32
      %broadcast_in_dim3A_70 = vector.broadcast %broadcast_in_dim3A_69 : f32 to vector<2x256xf32>
      %swap3A_71 = arith.constant 0 : index
      %swap3A_72 = arith.constant 0 : index
      %swap3A_73 = vector.load %arg9[%swap3A_71, %swap3A_72] : memref<2x256xf32, #tpu.memory_space<vmem>>, vector<2x256xf32>
      tpu.vector_store %arg9[%swap3A_71, %swap3A_72], %broadcast_in_dim3A_70 {strides = array<i32>} : memref<2x256xf32, #tpu.memory_space<vmem>>, vector<2x256xf32>,
    } else {
    }
    %get3A_50 = arith.constant 0 : index
    %get3A_51 = arith.constant 0 : index
    %get3A_52 = vector.load %arg9[%get3A_50, %get3A_51] : memref<2x256xf32, #tpu.memory_space<vmem>>, vector<1x256xf32>
    %reduce_sum3A = arith.constant dense<0.000000e+00> : vector<256xf32>
    %reduce_sum3A_53 = vector.multi_reduction <add>, %add3A_42, %reduce_sum3A [0] : vector<2000x256xf32> to vector<256xf32>
    %broadcast_in_dim3A = vector.shape_cast %reduce_sum3A_53 : vector<256xf32> to vector<1x256xf32>
    %add3A_54 = arith.addf %get3A_52, %broadcast_in_dim3A : vector<1x256xf32>
    %swap3A_55 = arith.constant 0 : index
    %swap3A_56 = arith.constant 0 : index
    %swap3A_57 = vector.load %arg9[%swap3A_55, %swap3A_56] : memref<2x256xf32, #tpu.memory_space<vmem>>, vector<1x256xf32>
    tpu.vector_store %arg9[%swap3A_55, %swap3A_56], %add3A_54 {strides = array<i32>} : memref<2x256xf32, #tpu.memory_space<vmem>>, vector<1x256xf32>,
    %get3A_58 = arith.constant 1 : index
    %get3A_59 = arith.constant 0 : index
    %get3A_60 = vector.load %arg9[%get3A_58, %get3A_59] : memref<2x256xf32, #tpu.memory_space<vmem>>, vector<1x256xf32>
    %mul3A_61 = arith.mulf %add3A_42, %add3A_42 : vector<2000x256xf32>
    %reduce_sum3A_62 = arith.constant dense<0.000000e+00> : vector<256xf32>
    %reduce_sum3A_63 = vector.multi_reduction <add>, %mul3A_61, %reduce_sum3A_62 [0] : vector<2000x256xf32> to vector<256xf32>
    %broadcast_in_dim3A_64 = vector.shape_cast %reduce_sum3A_63 : vector<256xf32> to vector<1x256xf32>
    %add3A_65 = arith.addf %get3A_60, %broadcast_in_dim3A_64 : vector<1x256xf32>
    %swap3A_66 = arith.constant 1 : index
    %swap3A_67 = arith.constant 0 : index
    %swap3A_68 = vector.load %arg9[%swap3A_66, %swap3A_67] : memref<2x256xf32, #tpu.memory_space<vmem>>, vector<1x256xf32>
    tpu.vector_store %arg9[%swap3A_66, %swap3A_67], %add3A_65 {strides = array<i32>} : memref<2x256xf32, #tpu.memory_space<vmem>>, vector<1x256xf32>,
    return
  }
  func.func @transform_0(%arg0: i32) -> (i32, i32, i32) {
    %c0_i32 = arith.constant 0 : i32
    %c0_i32_0 = arith.constant 0 : i32
    %c0_i32_1 = arith.constant 0 : i32
    return %c0_i32, %arg0, %c0_i32_0 : i32, i32, i32
  }
  func.func @transform_1(%arg0: i32) -> (i32, i32, i32) {
    %c0_i32 = arith.constant 0 : i32
    %c0_i32_0 = arith.constant 0 : i32
    %c0_i32_1 = arith.constant 0 : i32
    return %c0_i32, %arg0, %c0_i32_0 : i32, i32, i32
  }
  func.func @transform_2(%arg0: i32) -> (i32, i32) {
    %c0_i32 = arith.constant 0 : i32
    %c0_i32_0 = arith.constant 0 : i32
    return %arg0, %c0_i32 : i32, i32
  }
  func.func @transform_3(%arg0: i32) -> (i32, i32) {
    %c0_i32 = arith.constant 0 : i32
    %c0_i32_0 = arith.constant 0 : i32
    %c0_i32_1 = arith.constant 0 : i32
    return %c0_i32, %c0_i32_0 : i32, i32
  }
  func.func @transform_4(%arg0: i32) -> (i32, i32) {
    %c0_i32 = arith.constant 0 : i32
    %c0_i32_0 = arith.constant 0 : i32
    %c0_i32_1 = arith.constant 0 : i32
    return %c0_i32, %c0_i32_0 : i32, i32
  }
  func.func @transform_5(%arg0: i32) -> (i32, i32) {
    %c0_i32 = arith.constant 0 : i32
    %c0_i32_0 = arith.constant 0 : i32
    %c0_i32_1 = arith.constant 0 : i32
    return %c0_i32, %c0_i32_0 : i32, i32
  }
  func.func @transform_6(%arg0: i32) -> (i32, i32) {
    %c0_i32 = arith.constant 0 : i32
    %c0_i32_0 = arith.constant 0 : i32
    return %arg0, %c0_i32 : i32, i32
  }
  func.func @transform_7(%arg0: i32) -> (i32, i32) {
    %c0_i32 = arith.constant 0 : i32
    %c0_i32_0 = arith.constant 0 : i32
    return %arg0, %c0_i32 : i32, i32
  }
  func.func @transform_8(%arg0: i32) -> (i32, i32) {
    %c0_i32 = arith.constant 0 : i32
    %c0_i32_0 = arith.constant 0 : i32
    %c0_i32_1 = arith.constant 0 : i32
    return %c0_i32, %c0_i32_0 : i32, i32
  }
}

module attributes {stable_mosaic.version = 14 : i64} {
  func.func @body(%arg0: i32, %arg1: memref<2000x256xf32, #tpu.memory_space<vmem>>, %arg2: memref<2000x1xf32, #tpu.memory_space<vmem>>, %arg3: memref<2x256xf32, #tpu.memory_space<vmem>>, %arg4: memref<1x256xf32, #tpu.memory_space<vmem>>, %arg5: memref<1x256xf32, #tpu.memory_space<vmem>>, %arg6: memref<256x16xf32, #tpu.memory_space<vmem>>, %arg7: memref<2000x16xf32, #tpu.memory_space<vmem>>) attributes {dimension_semantics = [#tpu.dimension_semantics<arbitrary>], iteration_bounds = array<i64: 5>, scalar_prefetch = 0 : i64, scratch_operands = 0 : i64, tpu.core_type = #tpu.core_type<tc>, window_params = [{transform_indices = @transform_0, window_bounds = array<i64: 2000, 256>}, {transform_indices = @transform_1, window_bounds = array<i64: 2000, 1>}, {pipeline_mode = #tpu.pipeline_mode<synchronous>, transform_indices = @transform_2, window_bounds = array<i64: 2, 256>}, {pipeline_mode = #tpu.pipeline_mode<synchronous>, transform_indices = @transform_3, window_bounds = array<i64: 1, 256>}, {pipeline_mode = #tpu.pipeline_mode<synchronous>, transform_indices = @transform_4, window_bounds = array<i64: 1, 256>}, {pipeline_mode = #tpu.pipeline_mode<synchronous>, transform_indices = @transform_5, window_bounds = array<i64: 256, 16>}, {transform_indices = @transform_6, window_bounds = array<i64: 2000, 16>}]} {
    %get3A = arith.constant 0 : index
    %get3A_0 = arith.constant 0 : index
    %get3A_1 = vector.load %arg3[%get3A, %get3A_0] : memref<2x256xf32, #tpu.memory_space<vmem>>, vector<1x256xf32>
    %mul3A = arith.constant 9.99999974E-5 : f32
    %mul3A_2 = vector.broadcast %mul3A : f32 to vector<1x256xf32>
    %mul3A_3 = arith.mulf %get3A_1, %mul3A_2 : vector<1x256xf32>
    %get3A_4 = arith.constant 1 : index
    %get3A_5 = arith.constant 0 : index
    %get3A_6 = vector.load %arg3[%get3A_4, %get3A_5] : memref<2x256xf32, #tpu.memory_space<vmem>>, vector<1x256xf32>
    %mul3A_7 = arith.constant 9.99999974E-5 : f32
    %mul3A_8 = vector.broadcast %mul3A_7 : f32 to vector<1x256xf32>
    %mul3A_9 = arith.mulf %get3A_6, %mul3A_8 : vector<1x256xf32>
    %mul3A_10 = arith.mulf %mul3A_3, %mul3A_3 : vector<1x256xf32>
    %sub3A = arith.subf %mul3A_9, %mul3A_10 : vector<1x256xf32>
    %get3A_11 = arith.constant 0 : index
    %get3A_12 = arith.constant 0 : index
    %get3A_13 = vector.load %arg1[%get3A_11, %get3A_12] : memref<2000x256xf32, #tpu.memory_space<vmem>>, vector<2000x256xf32>
    %sub3A_14 = vector.broadcast %mul3A_3 : vector<1x256xf32> to vector<2000x256xf32>
    %sub3A_15 = arith.subf %get3A_13, %sub3A_14 : vector<2000x256xf32>
    %add3A = arith.constant 9.99999974E-6 : f32
    %add3A_16 = vector.broadcast %add3A : f32 to vector<1x256xf32>
    %add3A_17 = arith.addf %sub3A, %add3A_16 : vector<1x256xf32>
    %rsqrt3A = math.rsqrt %add3A_17 : vector<1x256xf32>
    %mul3A_18 = vector.broadcast %rsqrt3A : vector<1x256xf32> to vector<2000x256xf32>
    %mul3A_19 = arith.mulf %sub3A_15, %mul3A_18 : vector<2000x256xf32>
    %get3A_20 = arith.constant 0 : index
    %get3A_21 = arith.constant 0 : index
    %get3A_22 = vector.load %arg4[%get3A_20, %get3A_21] : memref<1x256xf32, #tpu.memory_space<vmem>>, vector<1x256xf32>
    %mul3A_23 = vector.broadcast %get3A_22 : vector<1x256xf32> to vector<2000x256xf32>
    %mul3A_24 = arith.mulf %mul3A_19, %mul3A_23 : vector<2000x256xf32>
    %get3A_25 = arith.constant 0 : index
    %get3A_26 = arith.constant 0 : index
    %get3A_27 = vector.load %arg5[%get3A_25, %get3A_26] : memref<1x256xf32, #tpu.memory_space<vmem>>, vector<1x256xf32>
    %add3A_28 = vector.broadcast %get3A_27 : vector<1x256xf32> to vector<2000x256xf32>
    %add3A_29 = arith.addf %mul3A_24, %add3A_28 : vector<2000x256xf32>
    %max3A = arith.constant 0.000000e+00 : f32
    %max3A_30 = vector.broadcast %max3A : f32 to vector<2000x256xf32>
    %max3A_31 = arith.maximumf %add3A_29, %max3A_30 : vector<2000x256xf32>
    %get3A_32 = arith.constant 0 : index
    %get3A_33 = arith.constant 0 : index
    %get3A_34 = vector.load %arg6[%get3A_32, %get3A_33] : memref<256x16xf32, #tpu.memory_space<vmem>>, vector<256x16xf32>
    %dot_general3A = arith.constant dense<0.000000e+00> : vector<2000x16xf32>
    %dot_general3A_35 = tpu.matmul %max3A_31, %get3A_34, %dot_general3A {dimension_numbers = #tpu.dot_dimension_numbers<[1], [0], [0], [1], [0, 0, 1, 1], [], []>, transpose_lhs_hint = false} : vector<2000x256xf32>, vector<256x16xf32>, vector<2000x16xf32> -> vector<2000x16xf32>
    %slice3A = vector.extract_strided_slice %dot_general3A_35 {offsets = [0, 0], sizes = [2000, 4], strides = [1, 1]} : vector<2000x16xf32> to vector<2000x4xf32>
    %get3A_36 = arith.constant 0 : index
    %get3A_37 = arith.constant 0 : index
    %get3A_38 = vector.load %arg2[%get3A_36, %get3A_37] : memref<2000x1xf32, #tpu.memory_space<vmem>>, vector<2000x1xf32>
    %slice3A_39 = vector.extract_strided_slice %dot_general3A_35 {offsets = [0, 5], sizes = [2000, 11], strides = [1, 1]} : vector<2000x16xf32> to vector<2000x11xf32>
    %concatenate3A = tpu.concatenate %slice3A, %get3A_38, %slice3A_39 in 1 : vector<2000x4xf32>, vector<2000x1xf32>, vector<2000x11xf32> -> vector<2000x16xf32>
    %swap3A = arith.constant 0 : index
    %swap3A_40 = arith.constant 0 : index
    %swap3A_41 = vector.load %arg7[%swap3A, %swap3A_40] : memref<2000x16xf32, #tpu.memory_space<vmem>>, vector<2000x16xf32>
    tpu.vector_store %arg7[%swap3A, %swap3A_40], %concatenate3A {strides = array<i32>} : memref<2000x16xf32, #tpu.memory_space<vmem>>, vector<2000x16xf32>,
    return
  }
  func.func @transform_0(%arg0: i32) -> (i32, i32) {
    %c0_i32 = arith.constant 0 : i32
    %c0_i32_0 = arith.constant 0 : i32
    return %arg0, %c0_i32 : i32, i32
  }
  func.func @transform_1(%arg0: i32) -> (i32, i32) {
    %c0_i32 = arith.constant 0 : i32
    %c0_i32_0 = arith.constant 0 : i32
    return %arg0, %c0_i32 : i32, i32
  }
  func.func @transform_2(%arg0: i32) -> (i32, i32) {
    %c0_i32 = arith.constant 0 : i32
    %c0_i32_0 = arith.constant 0 : i32
    %c0_i32_1 = arith.constant 0 : i32
    return %c0_i32, %c0_i32_0 : i32, i32
  }
  func.func @transform_3(%arg0: i32) -> (i32, i32) {
    %c0_i32 = arith.constant 0 : i32
    %c0_i32_0 = arith.constant 0 : i32
    %c0_i32_1 = arith.constant 0 : i32
    return %c0_i32, %c0_i32_0 : i32, i32
  }
  func.func @transform_4(%arg0: i32) -> (i32, i32) {
    %c0_i32 = arith.constant 0 : i32
    %c0_i32_0 = arith.constant 0 : i32
    %c0_i32_1 = arith.constant 0 : i32
    return %c0_i32, %c0_i32_0 : i32, i32
  }
  func.func @transform_5(%arg0: i32) -> (i32, i32) {
    %c0_i32 = arith.constant 0 : i32
    %c0_i32_0 = arith.constant 0 : i32
    %c0_i32_1 = arith.constant 0 : i32
    return %c0_i32, %c0_i32_0 : i32, i32
  }
  func.func @transform_6(%arg0: i32) -> (i32, i32) {
    %c0_i32 = arith.constant 0 : i32
    %c0_i32_0 = arith.constant 0 : i32
    return %arg0, %c0_i32 : i32, i32
  }
}

module attributes {stable_mosaic.version = 14 : i64} {
  func.func @body(%arg0: i32, %arg1: memref<2x2000x16xf32, #tpu.memory_space<vmem>>, %arg2: memref<2000x16xf32, #tpu.memory_space<vmem>>, %arg3: memref<1x2xf32, #tpu.memory_space<vmem>>, %arg4: memref<2000x2xf32, #tpu.memory_space<vmem>>) attributes {dimension_semantics = [#tpu.dimension_semantics<arbitrary>], iteration_bounds = array<i64: 5>, scalar_prefetch = 0 : i64, scratch_operands = 0 : i64, tpu.core_type = #tpu.core_type<tc>, window_params = [{transform_indices = @transform_0, window_bounds = array<i64: 2, 2000, 16>}, {transform_indices = @transform_1, window_bounds = array<i64: 2000, 16>}, {pipeline_mode = #tpu.pipeline_mode<synchronous>, transform_indices = @transform_2, window_bounds = array<i64: 1, 2>}, {transform_indices = @transform_3, window_bounds = array<i64: 2000, 2>}]} {
    %get3A = arith.constant 0 : index
    %get3A_0 = arith.constant 0 : index
    %get3A_1 = arith.constant 0 : index
    %get3A_2 = vector.load %arg1[%get3A, %get3A_0, %get3A_1] : memref<2x2000x16xf32, #tpu.memory_space<vmem>>, vector<1x2000x16xf32>
    %get3A_3 = vector.shape_cast %get3A_2 : vector<1x2000x16xf32> to vector<2000x16xf32>
    %get3A_4 = arith.constant 1 : index
    %get3A_5 = arith.constant 0 : index
    %get3A_6 = arith.constant 0 : index
    %get3A_7 = vector.load %arg1[%get3A_4, %get3A_5, %get3A_6] : memref<2x2000x16xf32, #tpu.memory_space<vmem>>, vector<1x2000x16xf32>
    %get3A_8 = vector.shape_cast %get3A_7 : vector<1x2000x16xf32> to vector<2000x16xf32>
    %add3A = arith.addf %get3A_3, %get3A_8 : vector<2000x16xf32>
    %slice3A = vector.extract_strided_slice %add3A {offsets = [0, 0], sizes = [2000, 2], strides = [1, 1]} : vector<2000x16xf32> to vector<2000x2xf32>
    %get3A_9 = arith.constant 0 : index
    %get3A_10 = arith.constant 4 : index
    %get3A_11 = vector.load %arg2[%get3A_9, %get3A_10] : memref<2000x16xf32, #tpu.memory_space<vmem>>, vector<2000x1xf32>
    %mul3A = vector.broadcast %get3A_11 : vector<2000x1xf32> to vector<2000x2xf32>
    %mul3A_12 = arith.mulf %slice3A, %mul3A : vector<2000x2xf32>
    %get3A_13 = arith.constant 0 : index
    %get3A_14 = arith.constant 2 : index
    %get3A_15 = vector.load %arg2[%get3A_13, %get3A_14] : memref<2000x16xf32, #tpu.memory_space<vmem>>, vector<2000x2xf32>
    %add3A_16 = arith.addf %mul3A_12, %get3A_15 : vector<2000x2xf32>
    %get3A_17 = arith.constant 0 : index
    %get3A_18 = arith.constant 0 : index
    %get3A_19 = vector.load %arg3[%get3A_17, %get3A_18] : memref<1x2xf32, #tpu.memory_space<vmem>>, vector<1x2xf32>
    %add3A_20 = vector.broadcast %get3A_19 : vector<1x2xf32> to vector<2000x2xf32>
    %add3A_21 = arith.addf %add3A_16, %add3A_20 : vector<2000x2xf32>
    %swap3A = arith.constant 0 : index
    %swap3A_22 = arith.constant 0 : index
    %swap3A_23 = vector.load %arg4[%swap3A, %swap3A_22] : memref<2000x2xf32, #tpu.memory_space<vmem>>, vector<2000x2xf32>
    tpu.vector_store %arg4[%swap3A, %swap3A_22], %add3A_21 {strides = array<i32>} : memref<2000x2xf32, #tpu.memory_space<vmem>>, vector<2000x2xf32>,
    return
  }
  func.func @transform_0(%arg0: i32) -> (i32, i32, i32) {
    %c0_i32 = arith.constant 0 : i32
    %c0_i32_0 = arith.constant 0 : i32
    %c0_i32_1 = arith.constant 0 : i32
    return %c0_i32, %arg0, %c0_i32_0 : i32, i32, i32
  }
  func.func @transform_1(%arg0: i32) -> (i32, i32) {
    %c0_i32 = arith.constant 0 : i32
    %c0_i32_0 = arith.constant 0 : i32
    return %arg0, %c0_i32 : i32, i32
  }
  func.func @transform_2(%arg0: i32) -> (i32, i32) {
    %c0_i32 = arith.constant 0 : i32
    %c0_i32_0 = arith.constant 0 : i32
    %c0_i32_1 = arith.constant 0 : i32
    return %c0_i32, %c0_i32_0 : i32, i32
  }
  func.func @transform_3(%arg0: i32) -> (i32, i32) {
    %c0_i32 = arith.constant 0 : i32
    %c0_i32_0 = arith.constant 0 : i32
    return %arg0, %c0_i32 : i32, i32
  }
}

</mosaic_0001>

<sc_bundles>
// kernel: kernel.10.cloned.1.call-start
scs
__scs_entry_jumppad:
0x0: {  	(pc) =	sbr.rel $0x88, $3  }
0x1: {  	(tag) =	ssettag $0x0;
	lr =	simm.s32 $0x1  }
0x2: {  	[smem:$0x3F97] =	sst lr;
	_ =	strace $0xD0000000  }
0x3: {  	_ = 	snop  }
0x4: {  	_ = 	snop  }
0x5: {  	_ = 	snop  }
0x6: {  	_ = 	snop  }
0x7: {  	_ = 	snop  }
__scs_overlays_trampoline_lowered:
0x8: {  	[smem:$0x3FA6] =	sst s0  }
0x9: {  	[smem:$0x3FA7] =	sst s1  }
0xa: {  	[smem:$0x3FA8] =	sst s2  }
0xb: {  	[smem:$0x3FA9] =	sst s3  }
0xc: {  	[smem:$0x3FAA] =	sst s4  }
0xd: {  	[smem:$0x3FAB] =	sst s5  }
0xe: {  	[smem:$0x3FAC] =	sst s6  }
0xf: {  	[smem:$0x3FAD] =	sst s7  }
0x10: {  	[smem:$0x3FAE] =	sst s8  }
0x11: {  	[smem:$0x3FAF] =	sst s9;
	s0 =	simm.s32 @!p0 $0x0  }
0x12: {  	s1 =	sld [smem:$0x3F95];
	s0 =	simm.s32 @p0 $0x1  }
0x13: {  	[smem:$0x3FB0] =	sst s0;
	s0 =	simm.s32 @!p1 $0x0  }
0x14: {  	s2 =	sld [smem:$0x3F94];
	s0 =	simm.s32 @p1 $0x1  }
0x15: {  	[smem:$0x3FB1] =	sst s0;
	s0 =	simm.s32 @!p2 $0x0  }
0x16: {  	s3 =	sld [smem:$0x3FDB];
	s0 =	simm.s32 @p2 $0x1  }
0x17: {  	s4 =	simm.s32 $0x1BF5;
	[smem:$0x3FB3] =	sst s0  }
0x18: {  	s0 =	sld [smem:$0x3F96];
	_ =	swait.ge [sflag:s4], $0x0  }
0x19: {  	s7 =	sld [smem:$0x3F97]  }
0x1a: {  	s8 =	sadd.s32 $0xFFFFE003, lr  }
0x1b: {  	s9 =	sadd.s32 $0xFFFFFEF7, lr;
	s5 =	simm.s32 $0xFFFFFFFF;
	p2 =	slt.u32 s8, $0xFFFFF086  }
0x1c: {  	p1 =	slt.u32 s9, $0xF7A;
	s5 =	simm.s32 @!p2 $0x0  }
0x1d: {  	s5 =	simm.s32 @p1 $0x1;
	p0 =	seq.s32 s7, s2  }
0x1e: {  	s7 =	smul.u32 @!p0 $0xF7A, s2;
	p2 =	seq.s32 @!p0 s5, $0x0  }
0x1f: {  	s9 =	smul.u32 $0xF7A, s1;
	s8 =	simm.s32 @!p0 $0x1BF5;
	p2 =	por !p2, p0  }
0x20: {  	[sflag:s8] =	ssyncset.s32 @!p0 $0xFFFFF086;
	s6 =	sadd.s32 @!p0 s3, s7;
	s7 =	simm.s32 @!p0 $0x108  }
0x21: {  	s3 =	sadd.s32 s3, s9;
	s6 =	sadd.s32 @!p0 $0x88, s6;
	s7 =	simm.s32 @p2 $0x1082  }
0x22: {  	[simem:s7], [sflag:s8] =	dma.local @!p0 [hbm:s6], $0xF7A  }
0x23: {  	s9 =	sor.u32 $0xD0000000, s2;
	s6 =	simm.s32 $0x108;
	_ =	swait.ge @!p0 [sflag:s8], $0x0  }
0x24: {  	s3 =	sadd.s32 $0x88, s3;
	s6 =	simm.s32 @!p1 $0x1082;
	[sflag:s4] =	ssyncset.s32 $0xFFFFF086  }
0x25: {  	[simem:s6], [sflag:s4] =	dma.local [hbm:s3], $0xF7A  }
0x26: {  	[smem:$0x3F97] =	sst s1;
	(tag) =	ssettag s2;
	_ =	strace s9  }
0x27: {  	s1 =	sld [smem:$0x3FA7]  }
0x28: {  	s2 =	sld [smem:$0x3FA8]  }
0x29: {  	s4 =	sld [smem:$0x3FAA]  }
0x2a: {  	p0 =	seq.s32 s5, $0x0;
	s5 =	sld [smem:$0x3FAB]  }
0x2b: {  	s6 =	sld [smem:$0x3FAC]  }
0x2c: {  	s7 =	sld [smem:$0x3FAD]  }
0x2d: {  	s3 =	simm.s32 $0x108;
	s8 =	sld [smem:$0x3FAE]  }
0x2e: {  	s3 =	simm.s32 @!p0 $0x1082;
	s9 =	sld [smem:$0x3FAF]  }
0x2f: {  	lr =	sadd.s32 s0, s3;
	s0 =	sld [smem:$0x3FA6]  }
0x30: {  	s3 =	sld [smem:$0x3FA9]  }
0x31: {  	[smem:$0x3FB2] =	sst s10  }
0x32: {  	s10 =	sld [smem:$0x3FB0];
	_ =	sdelay $0x3  }
0x33: {  	p0 =	seq.s32 s10, $0x1;
	s10 =	sld [smem:$0x3FB2];
	_ =	sdelay $0x3  }
0x34: {  	[smem:$0x3FB2] =	sst s10  }
0x35: {  	s10 =	sld [smem:$0x3FB1];
	_ =	sdelay $0x3  }
0x36: {  	p1 =	seq.s32 s10, $0x1;
	s10 =	sld [smem:$0x3FB2];
	_ =	sdelay $0x3  }
0x37: {  	[smem:$0x3FB2] =	sst s10  }
0x38: {  	s10 =	sld [smem:$0x3FB3]  }
0x39: {  	_ = 	snop;
	(pc) =	sbr.ind lr, $3  }
0x3a: {  	_ = 	snop  }
0x3b: {  	_ = 	snop  }
0x3c: {  	p2 =	seq.s32 s10, $0x1;
	s10 =	sld [smem:$0x3FB2]  }
0x3d: {  	_ =	shalt  }
0x3e: {  	_ =	shalt  }
0x3f: {  	_ =	shalt  }
0x40: {  	_ =	shalt  }
0x41: {  	_ =	shalt  }
0x42: {  	_ =	shalt  }
0x43: {  	_ =	shalt  }
0x44: {  	_ =	shalt  }
0x45: {  	_ =	shalt  }
0x46: {  	_ =	shalt  }
0x47: {  	_ =	shalt  }
0x48: {  	_ =	shalt  }
0x49: {  	_ =	shalt  }
0x4a: {  	_ =	shalt  }
0x4b: {  	_ =	shalt  }
0x4c: {  	_ =	shalt  }
0x4d: {  	_ =	shalt  }
0x4e: {  	_ =	shalt  }
0x4f: {  	_ =	shalt  }
0x50: {  	_ =	shalt  }
0x51: {  	_ =	shalt  }
0x52: {  	_ =	shalt  }
0x53: {  	_ =	shalt  }
0x54: {  	_ =	shalt  }
0x55: {  	_ =	shalt  }
0x56: {  	_ =	shalt  }
0x57: {  	_ =	shalt  }
0x58: {  	_ =	shalt  }
0x59: {  	_ =	shalt  }
0x5a: {  	_ =	shalt  }
0x5b: {  	_ =	shalt  }
0x5c: {  	_ =	shalt  }
0x5d: {  	_ =	shalt  }
0x5e: {  	_ =	shalt  }
0x5f: {  	_ =	shalt  }
0x60: {  	_ =	shalt  }
0x61: {  	_ =	shalt  }
0x62: {  	_ =	shalt  }
0x63: {  	_ =	shalt  }
0x64: {  	_ =	shalt  }
0x65: {  	_ =	shalt  }
0x66: {  	_ =	shalt  }
0x67: {  	_ =	shalt  }
0x68: {  	_ =	shalt  }
0x69: {  	_ =	shalt  }
0x6a: {  	_ =	shalt  }
0x6b: {  	_ =	shalt  }
0x6c: {  	_ =	shalt  }
0x6d: {  	_ =	shalt  }
0x6e: {  	_ =	shalt  }
0x6f: {  	_ =	shalt  }
0x70: {  	_ =	shalt  }
0x71: {  	_ =	shalt  }
0x72: {  	_ =	shalt  }
0x73: {  	_ =	shalt  }
0x74: {  	_ =	shalt  }
0x75: {  	_ =	shalt  }
0x76: {  	_ =	shalt  }
0x77: {  	_ =	shalt  }
0x78: {  	_ =	shalt  }
0x79: {  	_ =	shalt  }
0x7a: {  	_ =	shalt  }
0x7b: {  	_ =	shalt  }
0x7c: {  	_ =	shalt  }
0x7d: {  	_ =	shalt  }
0x7e: {  	_ =	shalt  }
0x7f: {  	_ =	shalt  }
0x80: {  	_ =	shalt  }
0x81: {  	_ =	shalt  }
0x82: {  	_ =	shalt  }
0x83: {  	_ =	shalt  }
0x84: {  	_ =	shalt  }
0x85: {  	_ =	shalt  }
0x86: {  	_ =	shalt  }
0x87: {  	_ =	shalt  }
.Lfunc_end0:
.L_simem_size_0:
called_computation.1_lowered:
.L_overlay_start_0:
0x88: {  	s2 =	sld [smem:$0x3FD9]  }
0x89: {  	s3 =	sld [smem:$0x3FFE];
	_ =	sdelay $0x1  }
0x8a: {  	s1 =	srdreg.scid  }
0x8b: {  	s0 =	sand.u32 $0x1, s1  }
0x8c: {  	s16 =	sshll.u32 s0, $0xA;
	s2 =	sadd.s32 s3, s2  }
0x8d: {  	s2 =	sadd.s32 s2, s16  }
0x8e: {  	[smem:$0x3FBE] =	sst s2  }
0x8f: {  	_ = 	snop  }
0x90: {  	(tm) =	ssettm $0x1  }
0x91: {  	s17 =	sld [smem:$0x3FFB];
	_ =	sdelay $0x3  }
0x92: {  	_ =	strace s17  }
0x93: {  	s2 =	sld [smem:$0x3FFC];
	_ =	sdelay $0x3  }
0x94: {  	_ =	strace s2  }
0x95: {  	s2 =	sld [smem:$0x3FFD];
	_ =	sdelay $0x3  }
0x96: {  	_ =	strace s2  }
0x97: {  	_ =	strace $0x8FFFFFFF  }
0x98: {  	s18 =	sld [smem:$0x3FDB];
	_ =	sdelay $0x1  }
0x99: {  	s19 =	simm.s32 $_scs_section_size  }
0x9a: {  	s4 =	simm.s32 $_size__tile_overlayer_lowered;
	s5 =	simm.s32 $_tile_overlayer_lowered  }
0x9b: {  	s22 =	simm.s32 $0x1BFF;
	s21 =	sshll.u32 s5, $0x1;
	s2 =	sadd.s32 s19, s18  }
0x9c: {  	s6 =	simm.s32 $0x0;
	s20 =	sshll.u32 s4, $0x1;
	s4 =	sadd.s32 s21, s2  }
0x9d: {  	[timem:s6], [sflag:s22] =	dma.local [hbm:s4], s20  }
0x9e: {  	_ =	swait.ge [sflag:s22], s20  }
0x9f: {  	s3 =	ssub.s32 $0x0, s20;
	[sflag:s22] =	ssyncset.done $0x0  }
0xa0: {  	[sflag:s22] =	ssyncadd.s32 s3;
	_ =	sdelay $0x1  }
0xa1: {  	s23 =	simm.s32 $0x1B8B  }
0xa2: {  	_ =	swait.ge [sflag:s23], $0x1  }
0xa3: {  	[sflag:s23] =	ssyncset.done $0x0  }
0xa4: {  	s25 =	simm.s32 $0x1B8E;
	s24 =	sld [smem:$0x3FFE];
	[sflag:s23] =	ssyncadd.s32 $0xFFFFFFFF  }
0xa5: {  	s26 =	simm.s32 $execute0_lowered;
	[smem:$0x3FD2] =	sst s25  }
0xa6: {  	s4 =	sshll.u32 s26, $0x1;
	_ =	strace $0x80000049;
	[dreg:$0x1] =	wrdreg $0xFFFFFFFF  }
0xa7: {  	s28 =	simm.s32 $_size_execute0_lowered;
	s2 =	sadd.s32 s2, s4;
	[dreg:$0x0] =	wrdreg $0x0  }
0xa8: {  	s4 =	sshll.u32 s28, $0x1;
	[dreg:$0x2] =	wrdreg s2  }
0xa9: {  	[dreg:$0x3] =	wrdreg s4  }
0xaa: {  	[dreg:$0x4] =	wrdreg $0xC0  }
0xab: {  	_ =	task [dreg:s6], $0x5FFFF  }
0xac: {  	[dreg:$0x1] =	wrdreg $0xFFFFFFFF  }
0xad: {  	[dreg:$0x0] =	wrdreg $0x60  }
0xae: {  	[dreg:$0x2] =	wrdreg s24  }
0xaf: {  	[dreg:$0x3] =	wrdreg $0x90000  }
0xb0: {  	[dreg:$0x4] =	wrdreg $0x9  }
0xb1: {  	_ =	task.clear_ibuf [dreg:s6], $0x5FFFF;
	_ =	strace $0x90000049  }
0xb2: {  	s29 =	simm.s32 $0x9;
	_ =	strace $0x8000004B  }
0xb3: {  	_ =	swait.ge [sflag:s29], $0x1  }
0xb4: {  	[sflag:s29] =	ssyncadd.s32 $0xFFFFFFFF  }
0xb5: {  	_ =	strace $0x9000004B  }
0xb6: {  	_ =	sfence  }
0xb7: {  	s30 =	sld [smem:$0x0];
	_ =	sdelay $0x2  }
0xb8: {  	s31 =	sshll.u32 s1, $0xD;
	s1 =	sshrl.u32 s1, $0x2  }
0xb9: {  	s3 =	sand.u32 $0x4000, s31;
	s1 =	sadd.s32 s1, s30  }
0xba: {  	s0 =	sor.u32 s3, s0;
	s1 =	sshll.u32 s1, $0x11  }
0xbb: {  	s0 =	sor.u32 s1, s0  }
0xbc: {  	s0 =	sadd.s32 $0x8F2B, s0  }
0xbd: {  	[sflag:s0] =	ssyncadd.remote.s32 $0x1  }
0xbe: {  	_ =	sfence.sel $0xFFFF  }
0xbf: {  	[dreg:$0x0] =	wrdreg $0xFFFFFFFF;
	(pc) =	sbr.abs _section_cstart, $3  }
0xc0: {  	[dreg:$0x1] =	wrdreg $0xFFFFFFFF  }
0xc1: {  	_ =	task.clear_ibuf [dreg:s6], $0x2FFFF;
	_ =	strace $0x9FFFFFFF  }
0xc2: {  	(tm) =	ssettm $0x7FFFFFFF  }
0xc3: {  	_ =	shalt  }
tec
execute0_lowered:
.L_overlay_start_1:
0x0: {  	(tag) =	ssettag $0x1  }
0x1: {  	s0 =	rddreg [dreg:$0x0];
	s2 =	srdreg.scid  }
0x2: {  	s1 =	rddreg [dreg:$0x1];
	s8 =	stileid.u32;
	s4 =	simm.s32 $0x0  }
0x3: {  	s14 =	simm.s32 $0x80;
	s15 =	simm.s32 $0x5000;
	s16 =	simm.s32 $0x5800  }
0x4: {  	s18 =	simm.s32 $0x6000;
	s20 =	simm.s32 $0x6800;
	s29 =	simm.s32 $0x8000  }
0x5: {  	s31 =	simm.s32 $0x8800;
	s13 =	simm.s32 $0x2;
	s17 =	simm.s32 $0x4  }
0x6: {  	s19 =	simm.s32 $0x5;
	s28 =	simm.s32 $0x8;
	s30 =	simm.s32 $0x9  }
0x7: {  	s10 =	simm.s32 $0xF;
	s11 =	simm.s32 $0x10;
	s2 =	sand.u32 $0x1, s2  }
0x8: {  	s5 =	smul.u32 $0x2800, s8;
	[smem:$0x7FF] =	sst s4;
	s4 =	sadd.s32 $0x2400, s0  }
0x9: {  	s7 =	smul.u32 $0x2700, s8;
	s9 =	sadd.s32 $0x7400, s0;
	p0 =	sne.s32 s8, $0x0  }
0xa: {  	s8 =	simm.s32 $0xD;
	s3 =	smul.u32 $0x28000, s2;
	_ =	strace $0x8000004A  }
0xb: {  	s21 =	ssub.s32 $0x2, s2;
	s2 =	smul.u32 $0x27180, s2;
	[dreg:$0x3] =	wrdreg s9  }
0xc: {  	s9 =	simm.s32 $0xE;
	s6 =	sshrl.u32 s21, $0x1;
	s25 =	sadd.s32 s7, s1  }
0xd: {  	s3 =	sadd.s32 s5, s3;
	s5 =	ssub.s32 s21, s6;
	s23 =	sadd.s32 s7, s2  }
0xe: {  	s2 =	sshrl.u32 s2, $0x3;
	s21 =	simm.s32 $0x6;
	s6 =	simm.s32 $0xB  }
0xf: {  	s7 =	simm.s32 $0xC;
	s3 =	sshrl.u32 s3, $0x3;
	s24 =	sshrl.u32 s23, $0x3  }
0x10: {  	s26 =	smax.u32 s5, $0x1;
	s23 =	simm.s32 $0x7;
	s3 =	sadd.s32 s3, s0  }
0x11: {  	s5 =	simm.s32 $0xA;
	[dreg:$0x8] =	wrdreg s26;
	s22 =	sadd.s32 $0xA4000, s3  }
0x12: {  	s0 =	sadd.s32 $0xC400, s0;
	s3 =	sadd.s32 $0x9A000, s3;
	[dreg:$0x4] =	wrdreg s22  }
0x13: {  	s2 =	sadd.s32 s0, s2;
	s0 =	sadd.s32 s0, s24;
	[dreg:$0x5] =	wrdreg s3  }
0x14: {  	s26 =	simm.s32 $0x7800;
	[dreg:$0x6] =	wrdreg s0;
	s2 =	sadd.s32 $0x4E00, s2  }
0x15: {  	s24 =	simm.s32 $0x0;
	s3 =	sshrl.u32 @!p0 s1, $0x3;
	[dreg:$0x7] =	wrdreg s2  }
0x16: {  	s0 =	sshrl.u32 s25, $0x3;
	s2 =	sadd.s32 $0x27000, s1;
	[dreg:$0x9] =	wrdreg s3  }
0x17: {  	s22 =	simm.s32 $0x7000;
	[dreg:$0xa] =	wrdreg s0;
	s0 =	sshrl.u32 @!p0 s2, $0x3  }
0x18: {  	s2 =	simm.s32 $0x3;
	[dreg:$0xb] =	wrdreg s0;
	s0 =	simm.s32 $0x1  }
.LBB2_1:
0x19: {  	[dreg:$0xc] =	wrdreg s24  }
0x1a: {  	s12 =	rddreg [dreg:$0x3]  }
0x1b: {  	s3 =	simm.s32 @!p0 $0x1C11;
	s25 =	rddreg [dreg:$0x9]  }
0x1c: {  	[spmem:s25], [sflag:s3] =	dma.local @!p0 [hbm:s12], $0x4E30  }
0x1d: {  	s3 =	simm.s32 @!p0 $0x11  }
0x1e: {  	_ =	swait.ge @!p0 [sflag:s3], $0x4E30  }
0x1f: {  	s24 =	simm.s32 $0x11;
	[sflag:s3] =	ssyncset.done @!p0 $0x0  }
0x20: {  	s25 =	rddreg [dreg:$0x4];
	[sflag:s3] =	ssyncadd.s32 @!p0 $0xFFFFB1D0;
	s3 =	simm.s32 $0x0  }
0x21: {  	[tilespmem:s3], [sflag:$0x11] =	stream.linear.gather [hbm4b:s25+s3], $0x2800, $0x38;
	[tilespmem:$0xB718] =	vst v63  }
0x22: {  	_ =	swait.ge [sflag:s24], $0x2800  }
0x23: {  	[sflag:s24] =	ssyncset.done $0x0  }
0x24: {  	s25 =	simm.s32 $0x2800;
	s12 =	rddreg [dreg:$0x5];
	[sflag:s24] =	ssyncadd.s32 $0xFFFFD800  }
0x25: {  	[tilespmem:s25], [sflag:$0x11] =	stream.linear.gather [hbm4b:s12+s3], $0x2800, $0x38;
	[tilespmem:$0xB718] =	vst v63  }
0x26: {  	_ =	swait.ge [sflag:s24], $0x2800  }
0x27: {  	[sflag:s24] =	ssyncset.done $0x0  }
0x28: {  	[sflag:s24] =	ssyncadd.s32 $0xFFFFD800  }
0x29: {  	[bflag:$0x0] =	sbarrier.arrive $0xFFFF  }
0x2a: {  	[tilespmem:s15], [sflag:$0x1] =	stream.indirect.gather [hbm4b:s4+s14], $0x10, s3, s14, $0xb8;
	[tilespmem:$0xB718] =	vst v63  }
0x2b: {  	_ = 	snop  }
0x2c: {  	[tilespmem:s16], [sflag:$0x2] =	stream.indirect.gather [hbm4b:s4+s14], $0x10, s14, s14, $0xb8;
	[tilespmem:$0xB718] =	vst v63  }
0x2d: {  	s12 =	simm.s32 $0x100  }
0x2e: {  	[tilespmem:s18], [sflag:$0x3] =	stream.indirect.gather [hbm4b:s4+s14], $0x10, s12, s14, $0xb8;
	[tilespmem:$0xB718] =	vst v63  }
0x2f: {  	s24 =	simm.s32 $0x180  }
0x30: {  	[tilespmem:s20], [sflag:$0x4] =	stream.indirect.gather [hbm4b:s4+s14], $0x10, s24, s14, $0xb8;
	[tilespmem:$0xB718] =	vst v63  }
0x31: {  	s25 =	simm.s32 $0x200  }
0x32: {  	[tilespmem:s22], [sflag:$0x5] =	stream.indirect.gather [hbm4b:s4+s14], $0x10, s25, s14, $0xb8;
	[tilespmem:$0xB718] =	vst v63  }
0x33: {  	s12 =	simm.s32 $0x280  }
0x34: {  	[tilespmem:s26], [sflag:$0x6] =	stream.indirect.gather [hbm4b:s4+s14], $0x10, s12, s14, $0xb8;
	[tilespmem:$0xB718] =	vst v63  }
0x35: {  	s24 =	simm.s32 $0x300  }
0x36: {  	[tilespmem:s29], [sflag:$0x7] =	stream.indirect.gather [hbm4b:s4+s14], $0x10, s24, s14, $0xb8;
	[tilespmem:$0xB718] =	vst v63  }
0x37: {  	s25 =	simm.s32 $0x380  }
0x38: {  	[tilespmem:s31], [sflag:$0x8] =	stream.indirect.gather [hbm4b:s4+s14], $0x10, s25, s14, $0xb8;
	[tilespmem:$0xB718] =	vst v63  }
0x39: {  	_ =	swait.ge [sflag:s0], $0x800  }
0x3a: {  	[sflag:s0] =	ssyncset.done $0x0  }
0x3b: {  	s12 =	simm.s32 $0x2800;
	[sflag:s0] =	ssyncadd.s32 $0xFFFFF800  }
0x3c: {  	[spmem:s1] =	stream.indirect.scatter.add.f32 [tilespmem:s15], [sflag:$0x9], $0x10, s12, s14, $0xb8;
	[tilespmem:$0xB718] =	vst v63  }
0x3d: {  	_ =	swait.ge [sflag:s13], $0x800  }
0x3e: {  	[sflag:s13] =	ssyncset.done $0x0  }
0x3f: {  	s24 =	simm.s32 $0x2880;
	[sflag:s13] =	ssyncadd.s32 $0xFFFFF800  }
0x40: {  	[spmem:s1] =	stream.indirect.scatter.add.f32 [tilespmem:s16], [sflag:$0xA], $0x10, s24, s14, $0xb8;
	[tilespmem:$0xB718] =	vst v63  }
0x41: {  	_ =	swait.ge [sflag:s2], $0x800  }
0x42: {  	[sflag:s2] =	ssyncset.done $0x0  }
0x43: {  	s25 =	simm.s32 $0x2900;
	[sflag:s2] =	ssyncadd.s32 $0xFFFFF800  }
0x44: {  	[spmem:s1] =	stream.indirect.scatter.add.f32 [tilespmem:s18], [sflag:$0xB], $0x10, s25, s14, $0xb8;
	[tilespmem:$0xB718] =	vst v63  }
0x45: {  	_ =	swait.ge [sflag:s17], $0x800  }
0x46: {  	[sflag:s17] =	ssyncset.done $0x0  }
0x47: {  	s12 =	simm.s32 $0x2980;
	[sflag:s17] =	ssyncadd.s32 $0xFFFFF800  }
0x48: {  	[spmem:s1] =	stream.indirect.scatter.add.f32 [tilespmem:s20], [sflag:$0xC], $0x10, s12, s14, $0xb8;
	[tilespmem:$0xB718] =	vst v63  }
0x49: {  	_ =	swait.ge [sflag:s19], $0x800  }
0x4a: {  	[sflag:s19] =	ssyncset.done $0x0  }
0x4b: {  	s24 =	simm.s32 $0x2A00;
	[sflag:s19] =	ssyncadd.s32 $0xFFFFF800  }
0x4c: {  	[spmem:s1] =	stream.indirect.scatter.add.f32 [tilespmem:s22], [sflag:$0xD], $0x10, s24, s14, $0xb8;
	[tilespmem:$0xB718] =	vst v63  }
0x4d: {  	_ =	swait.ge [sflag:s21], $0x800  }
0x4e: {  	[sflag:s21] =	ssyncset.done $0x0  }
0x4f: {  	s25 =	simm.s32 $0x2A80;
	[sflag:s21] =	ssyncadd.s32 $0xFFFFF800  }
0x50: {  	[spmem:s1] =	stream.indirect.scatter.add.f32 [tilespmem:s26], [sflag:$0xE], $0x10, s25, s14, $0xb8;
	[tilespmem:$0xB718] =	vst v63  }
0x51: {  	_ =	swait.ge [sflag:s23], $0x800  }
0x52: {  	[sflag:s23] =	ssyncset.done $0x0  }
0x53: {  	s12 =	simm.s32 $0x2B00;
	[sflag:s23] =	ssyncadd.s32 $0xFFFFF800  }
0x54: {  	[spmem:s1] =	stream.indirect.scatter.add.f32 [tilespmem:s29], [sflag:$0xF], $0x10, s12, s14, $0xb8;
	[tilespmem:$0xB718] =	vst v63  }
0x55: {  	_ =	swait.ge [sflag:s28], $0x800  }
0x56: {  	[sflag:s28] =	ssyncset.done $0x0  }
0x57: {  	s24 =	simm.s32 $0x2B80;
	[sflag:s28] =	ssyncadd.s32 $0xFFFFF800  }
0x58: {  	[spmem:s1] =	stream.indirect.scatter.add.f32 [tilespmem:s31], [sflag:$0x10], $0x10, s24, s14, $0xb8;
	[tilespmem:$0xB718] =	vst v63  }
0x59: {  	_ =	swait.ge [sflag:s30], $0x800  }
0x5a: {  	[sflag:s30] =	ssyncset.done $0x0  }
0x5b: {  	s25 =	simm.s32 $0x400;
	[sflag:s30] =	ssyncadd.s32 $0xFFFFF800  }
0x5c: {  	[tilespmem:s15], [sflag:$0x1] =	stream.indirect.gather [hbm4b:s4+s14], $0x10, s25, s14, $0xb8;
	[tilespmem:$0xB718] =	vst v63  }
0x5d: {  	_ =	swait.ge [sflag:s5], $0x800  }
0x5e: {  	[sflag:s5] =	ssyncset.done $0x0  }
0x5f: {  	s12 =	simm.s32 $0x480;
	[sflag:s5] =	ssyncadd.s32 $0xFFFFF800  }
0x60: {  	[tilespmem:s16], [sflag:$0x2] =	stream.indirect.gather [hbm4b:s4+s14], $0x10, s12, s14, $0xb8;
	[tilespmem:$0xB718] =	vst v63  }
0x61: {  	_ =	swait.ge [sflag:s6], $0x800  }
0x62: {  	[sflag:s6] =	ssyncset.done $0x0  }
0x63: {  	s24 =	simm.s32 $0x500;
	[sflag:s6] =	ssyncadd.s32 $0xFFFFF800  }
0x64: {  	[tilespmem:s18], [sflag:$0x3] =	stream.indirect.gather [hbm4b:s4+s14], $0x10, s24, s14, $0xb8;
	[tilespmem:$0xB718] =	vst v63  }
0x65: {  	_ =	swait.ge [sflag:s7], $0x800  }
0x66: {  	[sflag:s7] =	ssyncset.done $0x0  }
0x67: {  	s25 =	simm.s32 $0x580;
	[sflag:s7] =	ssyncadd.s32 $0xFFFFF800  }
0x68: {  	[tilespmem:s20], [sflag:$0x4] =	stream.indirect.gather [hbm4b:s4+s14], $0x10, s25, s14, $0xb8;
	[tilespmem:$0xB718] =	vst v63  }
0x69: {  	_ =	swait.ge [sflag:s8], $0x800  }
0x6a: {  	[sflag:s8] =	ssyncset.done $0x0  }
0x6b: {  	s12 =	simm.s32 $0x600;
	[sflag:s8] =	ssyncadd.s32 $0xFFFFF800  }
0x6c: {  	[tilespmem:s22], [sflag:$0x5] =	stream.indirect.gather [hbm4b:s4+s14], $0x10, s12, s14, $0xb8;
	[tilespmem:$0xB718] =	vst v63  }
0x6d: {  	_ =	swait.ge [sflag:s9], $0x800  }
0x6e: {  	[sflag:s9] =	ssyncset.done $0x0  }
0x6f: {  	s24 =	simm.s32 $0x680;
	[sflag:s9] =	ssyncadd.s32 $0xFFFFF800  }
0x70: {  	[tilespmem:s26], [sflag:$0x6] =	stream.indirect.gather [hbm4b:s4+s14], $0x10, s24, s14, $0xb8;
	[tilespmem:$0xB718] =	vst v63  }
0x71: {  	_ =	swait.ge [sflag:s10], $0x800  }
0x72: {  	[sflag:s10] =	ssyncset.done $0x0  }
0x73: {  	s25 =	simm.s32 $0x700;
	[sflag:s10] =	ssyncadd.s32 $0xFFFFF800  }
0x74: {  	[tilespmem:s29], [sflag:$0x7] =	stream.indirect.gather [hbm4b:s4+s14], $0x10, s25, s14, $0xb8;
	[tilespmem:$0xB718] =	vst v63  }
0x75: {  	_ =	swait.ge [sflag:s11], $0x800  }
0x76: {  	[sflag:s11] =	ssyncset.done $0x0  }
0x77: {  	s3 =	simm.s32 $0x780;
	s25 =	simm.s32 $0x1000;
	[sflag:s11] =	ssyncadd.s32 $0xFFFFF800  }
.LBB2_2:
0x78: {  	[tilespmem:s31], [sflag:$0x8] =	stream.indirect.gather [hbm4b:s4+s14], $0x10, s3, s14, $0xb8;
	[tilespmem:$0xB718] =	vst v63  }
0x79: {  	s3 =	smov.u32 s25  }
0x7a: {  	p1 =	sne.s32 s25, $0x8000;
	s25 =	sadd.s32 $0x1000, s25;
	_ =	swait.ge [sflag:s0], $0x800  }
0x7b: {  	s3 =	sshra.s32 s3, $0x2;
	[sflag:s0] =	ssyncset.done $0x0  }
0x7c: {  	s12 =	sadd.s32 $0x2800, s3;
	[sflag:s0] =	ssyncadd.s32 $0xFFFFF800  }
0x7d: {  	[spmem:s1] =	stream.indirect.scatter.add.f32 [tilespmem:s15], [sflag:$0x9], $0x10, s12, s14, $0xb8;
	[tilespmem:$0xB718] =	vst v63  }
0x7e: {  	_ =	swait.ge [sflag:s13], $0x800  }
0x7f: {  	[sflag:s13] =	ssyncset.done $0x0  }
0x80: {  	s12 =	sadd.s32 $0x2880, s3;
	[sflag:s13] =	ssyncadd.s32 $0xFFFFF800  }
0x81: {  	[spmem:s1] =	stream.indirect.scatter.add.f32 [tilespmem:s16], [sflag:$0xA], $0x10, s12, s14, $0xb8;
	[tilespmem:$0xB718] =	vst v63  }
0x82: {  	_ =	swait.ge [sflag:s2], $0x800  }
0x83: {  	[sflag:s2] =	ssyncset.done $0x0  }
0x84: {  	s12 =	sadd.s32 $0x2900, s3;
	[sflag:s2] =	ssyncadd.s32 $0xFFFFF800  }
0x85: {  	[spmem:s1] =	stream.indirect.scatter.add.f32 [tilespmem:s18], [sflag:$0xB], $0x10, s12, s14, $0xb8;
	[tilespmem:$0xB718] =	vst v63  }
0x86: {  	_ =	swait.ge [sflag:s17], $0x800  }
0x87: {  	[sflag:s17] =	ssyncset.done $0x0  }
0x88: {  	s12 =	sadd.s32 $0x2980, s3;
	[sflag:s17] =	ssyncadd.s32 $0xFFFFF800  }
0x89: {  	[spmem:s1] =	stream.indirect.scatter.add.f32 [tilespmem:s20], [sflag:$0xC], $0x10, s12, s14, $0xb8;
	[tilespmem:$0xB718] =	vst v63  }
0x8a: {  	_ =	swait.ge [sflag:s19], $0x800  }
0x8b: {  	[sflag:s19] =	ssyncset.done $0x0  }
0x8c: {  	s12 =	sadd.s32 $0x2A00, s3;
	[sflag:s19] =	ssyncadd.s32 $0xFFFFF800  }
0x8d: {  	[spmem:s1] =	stream.indirect.scatter.add.f32 [tilespmem:s22], [sflag:$0xD], $0x10, s12, s14, $0xb8;
	[tilespmem:$0xB718] =	vst v63  }
0x8e: {  	_ =	swait.ge [sflag:s21], $0x800  }
0x8f: {  	[sflag:s21] =	ssyncset.done $0x0  }
0x90: {  	s12 =	sadd.s32 $0x2A80, s3;
	[sflag:s21] =	ssyncadd.s32 $0xFFFFF800  }
0x91: {  	[spmem:s1] =	stream.indirect.scatter.add.f32 [tilespmem:s26], [sflag:$0xE], $0x10, s12, s14, $0xb8;
	[tilespmem:$0xB718] =	vst v63  }
0x92: {  	_ =	swait.ge [sflag:s23], $0x800  }
0x93: {  	[sflag:s23] =	ssyncset.done $0x0  }
0x94: {  	s12 =	sadd.s32 $0x2B00, s3;
	[sflag:s23] =	ssyncadd.s32 $0xFFFFF800  }
0x95: {  	[spmem:s1] =	stream.indirect.scatter.add.f32 [tilespmem:s29], [sflag:$0xF], $0x10, s12, s14, $0xb8;
	[tilespmem:$0xB718] =	vst v63  }
0x96: {  	_ =	swait.ge [sflag:s28], $0x800  }
0x97: {  	[sflag:s28] =	ssyncset.done $0x0  }
0x98: {  	s12 =	sadd.s32 $0x2B80, s3;
	[sflag:s28] =	ssyncadd.s32 $0xFFFFF800  }
0x99: {  	[spmem:s1] =	stream.indirect.scatter.add.f32 [tilespmem:s31], [sflag:$0x10], $0x10, s12, s14, $0xb8;
	[tilespmem:$0xB718] =	vst v63  }
0x9a: {  	_ =	swait.ge [sflag:s30], $0x800  }
0x9b: {  	[sflag:s30] =	ssyncset.done $0x0  }
0x9c: {  	s12 =	sadd.s32 $0x400, s3;
	[sflag:s30] =	ssyncadd.s32 $0xFFFFF800  }
0x9d: {  	[tilespmem:s15], [sflag:$0x1] =	stream.indirect.gather [hbm4b:s4+s14], $0x10, s12, s14, $0xb8;
	[tilespmem:$0xB718] =	vst v63  }
0x9e: {  	_ =	swait.ge [sflag:s5], $0x800  }
0x9f: {  	[sflag:s5] =	ssyncset.done $0x0  }
0xa0: {  	s12 =	sadd.s32 $0x480, s3;
	[sflag:s5] =	ssyncadd.s32 $0xFFFFF800  }
0xa1: {  	[tilespmem:s16], [sflag:$0x2] =	stream.indirect.gather [hbm4b:s4+s14], $0x10, s12, s14, $0xb8;
	[tilespmem:$0xB718] =	vst v63  }
0xa2: {  	_ =	swait.ge [sflag:s6], $0x800  }
0xa3: {  	[sflag:s6] =	ssyncset.done $0x0  }
0xa4: {  	s12 =	sadd.s32 $0x500, s3;
	[sflag:s6] =	ssyncadd.s32 $0xFFFFF800  }
0xa5: {  	[tilespmem:s18], [sflag:$0x3] =	stream.indirect.gather [hbm4b:s4+s14], $0x10, s12, s14, $0xb8;
	[tilespmem:$0xB718] =	vst v63  }
0xa6: {  	_ =	swait.ge [sflag:s7], $0x800  }
0xa7: {  	[sflag:s7] =	ssyncset.done $0x0  }
0xa8: {  	s12 =	sadd.s32 $0x580, s3;
	[sflag:s7] =	ssyncadd.s32 $0xFFFFF800  }
0xa9: {  	[tilespmem:s20], [sflag:$0x4] =	stream.indirect.gather [hbm4b:s4+s14], $0x10, s12, s14, $0xb8;
	[tilespmem:$0xB718] =	vst v63  }
0xaa: {  	_ =	swait.ge [sflag:s8], $0x800  }
0xab: {  	[sflag:s8] =	ssyncset.done $0x0  }
0xac: {  	s12 =	sadd.s32 $0x600, s3;
	[sflag:s8] =	ssyncadd.s32 $0xFFFFF800  }
0xad: {  	[tilespmem:s22], [sflag:$0x5] =	stream.indirect.gather [hbm4b:s4+s14], $0x10, s12, s14, $0xb8;
	[tilespmem:$0xB718] =	vst v63  }
0xae: {  	_ =	swait.ge [sflag:s9], $0x800  }
0xaf: {  	[sflag:s9] =	ssyncset.done $0x0  }
0xb0: {  	s12 =	sadd.s32 $0x680, s3;
	[sflag:s9] =	ssyncadd.s32 $0xFFFFF800  }
0xb1: {  	[tilespmem:s26], [sflag:$0x6] =	stream.indirect.gather [hbm4b:s4+s14], $0x10, s12, s14, $0xb8;
	[tilespmem:$0xB718] =	vst v63  }
0xb2: {  	_ =	swait.ge [sflag:s10], $0x800  }
0xb3: {  	[sflag:s10] =	ssyncset.done $0x0  }
.Ltmp0:
0xb4: {  	s12 =	sadd.s32 $0x700, s3;
	[sflag:s10] =	ssyncadd.s32 $0xFFFFF800;
	(pc) =	sbr.rel @p1 .LBB2_2-.Ltmp0, $4  }
0xb5: {  	[tilespmem:s29], [sflag:$0x7] =	stream.indirect.gather [hbm4b:s4+s14], $0x10, s12, s14, $0xb8;
	[tilespmem:$0xB718] =	vst v63  }
0xb6: {  	_ =	swait.ge [sflag:s11], $0x800  }
0xb7: {  	[sflag:s11] =	ssyncset.done $0x0  }
0xb8: {  	s3 =	sadd.s32 $0x780, s3;
	[sflag:s11] =	ssyncadd.s32 $0xFFFFF800  }
0xb9: {  	[tilespmem:s31], [sflag:$0x8] =	stream.indirect.gather [hbm4b:s4+s14], $0x10, s3, s14, $0xb8;
	[tilespmem:$0xB718] =	vst v63  }
0xba: {  	_ =	swait.ge [sflag:s0], $0x800  }
0xbb: {  	[sflag:s0] =	ssyncset.done $0x0  }
0xbc: {  	s25 =	simm.s32 $0x4C00;
	[sflag:s0] =	ssyncadd.s32 $0xFFFFF800  }
0xbd: {  	[spmem:s1] =	stream.indirect.scatter.add.f32 [tilespmem:s15], [sflag:$0x9], $0x10, s25, s14, $0xb8;
	[tilespmem:$0xB718] =	vst v63  }
0xbe: {  	_ =	swait.ge [sflag:s13], $0x800  }
0xbf: {  	[sflag:s13] =	ssyncset.done $0x0  }
0xc0: {  	s12 =	simm.s32 $0x4C80;
	[sflag:s13] =	ssyncadd.s32 $0xFFFFF800  }
0xc1: {  	[spmem:s1] =	stream.indirect.scatter.add.f32 [tilespmem:s16], [sflag:$0xA], $0x10, s12, s14, $0xb8;
	[tilespmem:$0xB718] =	vst v63  }
0xc2: {  	_ =	swait.ge [sflag:s2], $0x800  }
0xc3: {  	[sflag:s2] =	ssyncset.done $0x0  }
0xc4: {  	s24 =	simm.s32 $0x4D00;
	[sflag:s2] =	ssyncadd.s32 $0xFFFFF800  }
0xc5: {  	[spmem:s1] =	stream.indirect.scatter.add.f32 [tilespmem:s18], [sflag:$0xB], $0x10, s24, s14, $0xb8;
	[tilespmem:$0xB718] =	vst v63  }
0xc6: {  	_ =	swait.ge [sflag:s17], $0x800  }
0xc7: {  	[sflag:s17] =	ssyncset.done $0x0  }
0xc8: {  	s25 =	simm.s32 $0x4D80;
	[sflag:s17] =	ssyncadd.s32 $0xFFFFF800  }
0xc9: {  	[spmem:s1] =	stream.indirect.scatter.add.f32 [tilespmem:s20], [sflag:$0xC], $0x10, s25, s14, $0xb8;
	[tilespmem:$0xB718] =	vst v63  }
0xca: {  	_ =	swait.ge [sflag:s19], $0x800  }
0xcb: {  	[sflag:s19] =	ssyncset.done $0x0  }
0xcc: {  	s12 =	simm.s32 $0x4E00;
	[sflag:s19] =	ssyncadd.s32 $0xFFFFF800  }
0xcd: {  	[spmem:s1] =	stream.indirect.scatter.add.f32 [tilespmem:s22], [sflag:$0xD], $0x10, s12, s14, $0xb8;
	[tilespmem:$0xB718] =	vst v63  }
0xce: {  	_ =	swait.ge [sflag:s21], $0x800  }
0xcf: {  	[sflag:s21] =	ssyncset.done $0x0  }
0xd0: {  	s24 =	simm.s32 $0x4E80;
	[sflag:s21] =	ssyncadd.s32 $0xFFFFF800  }
0xd1: {  	[spmem:s1] =	stream.indirect.scatter.add.f32 [tilespmem:s26], [sflag:$0xE], $0x10, s24, s14, $0xb8;
	[tilespmem:$0xB718] =	vst v63  }
0xd2: {  	_ =	swait.ge [sflag:s23], $0x800  }
0xd3: {  	[sflag:s23] =	ssyncset.done $0x0  }
0xd4: {  	s25 =	simm.s32 $0x4F00;
	[sflag:s23] =	ssyncadd.s32 $0xFFFFF800  }
0xd5: {  	[spmem:s1] =	stream.indirect.scatter.add.f32 [tilespmem:s29], [sflag:$0xF], $0x10, s25, s14, $0xb8;
	[tilespmem:$0xB718] =	vst v63  }
0xd6: {  	_ =	swait.ge [sflag:s28], $0x800  }
0xd7: {  	[sflag:s28] =	ssyncset.done $0x0  }
0xd8: {  	s12 =	simm.s32 $0x4F80;
	[sflag:s28] =	ssyncadd.s32 $0xFFFFF800  }
0xd9: {  	[spmem:s1] =	stream.indirect.scatter.add.f32 [tilespmem:s31], [sflag:$0x10], $0x10, s12, s14, $0xb8;
	[tilespmem:$0xB718] =	vst v63  }
0xda: {  	_ =	swait.ge [sflag:s30], $0x800  }
0xdb: {  	[sflag:s30] =	ssyncset.done $0x0  }
0xdc: {  	[sflag:s30] =	ssyncadd.s32 $0xFFFFF800  }
0xdd: {  	_ =	swait.ge [sflag:s5], $0x800  }
0xde: {  	[sflag:s5] =	ssyncset.done $0x0  }
0xdf: {  	[sflag:s5] =	ssyncadd.s32 $0xFFFFF800  }
0xe0: {  	_ =	swait.ge [sflag:s6], $0x800  }
0xe1: {  	[sflag:s6] =	ssyncset.done $0x0  }
0xe2: {  	[sflag:s6] =	ssyncadd.s32 $0xFFFFF800  }
0xe3: {  	_ =	swait.ge [sflag:s7], $0x800  }
0xe4: {  	[sflag:s7] =	ssyncset.done $0x0  }
0xe5: {  	[sflag:s7] =	ssyncadd.s32 $0xFFFFF800  }
0xe6: {  	_ =	swait.ge [sflag:s8], $0x800  }
0xe7: {  	[sflag:s8] =	ssyncset.done $0x0  }
0xe8: {  	[sflag:s8] =	ssyncadd.s32 $0xFFFFF800  }
0xe9: {  	_ =	swait.ge [sflag:s9], $0x800  }
0xea: {  	[sflag:s9] =	ssyncset.done $0x0  }
0xeb: {  	[sflag:s9] =	ssyncadd.s32 $0xFFFFF800  }
0xec: {  	_ =	swait.ge [sflag:s10], $0x800  }
0xed: {  	[sflag:s10] =	ssyncset.done $0x0  }
0xee: {  	[sflag:s10] =	ssyncadd.s32 $0xFFFFF800  }
0xef: {  	_ =	swait.ge [sflag:s11], $0x800  }
0xf0: {  	[sflag:s11] =	ssyncset.done $0x0  }
0xf1: {  	[sflag:s11] =	ssyncadd.s32 $0xFFFFF800  }
0xf2: {  	s24 =	stileid.u32;
	[bflag:$0x0] =	sbarrier.arrive $0xFFFF  }
0xf3: {  	s3 =	sshll.u32 s24, $0x6;
	s12 =	rddreg [dreg:$0x6]  }
0xf4: {  	s3 =	sor.u32 $0x1C11, s3;
	s25 =	simm.s32 $0x11;
	s24 =	rddreg [dreg:$0xa]  }
0xf5: {  	[hbm:s12], [sflag:s3] =	dma.local [spmem:s24], $0x4E0  }
0xf6: {  	_ =	swait.ge [sflag:s25], $0x4E0  }
0xf7: {  	[sflag:s25] =	ssyncset.done $0x0;
	s12 =	rddreg [dreg:$0x7]  }
0xf8: {  	s24 =	rddreg [dreg:$0xb];
	[sflag:s25] =	ssyncadd.s32 $0xFFFFFB20  }
0xf9: {  	[hbm:s12], [sflag:s3] =	dma.local @!p0 [spmem:s24], $0x30  }
0xfa: {  	s3 =	simm.s32 @!p0 $0x11  }
0xfb: {  	_ =	swait.ge @!p0 [sflag:s3], $0x30  }
0xfc: {  	s12 =	rddreg [dreg:$0xc]  }
0xfd: {  	s25 =	rddreg [dreg:$0x8];
	s24 =	sadd.s32 $0x1, s12  }
0xfe: {  	p1 =	sne.s32 s24, s25  }
.Ltmp1:
0xff: {  	_ = 	snop;
	(pc) =	sbr.rel @p1 .LBB2_1-.Ltmp1, $3  }
0x100: {  	_ =	sdelay $0x1  }
0x101: {  	[sflag:s3] =	ssyncset.done @!p0 $0x0  }
0x102: {  	[sflag:s3] =	ssyncadd.s32 @!p0 $0xFFFFFFD0  }
0x103: {  	_ =	sfence.sel $0x180000  }
0x104: {  	[bflag:$0x0] =	sbarrier.arrive $0xFFFF  }
0x105: {  	_ =	strace $0x9000004A  }
0x106: {  	[bflag:$0x2] =	sbarrier.arrive $0xFFFF  }
0x107: {  	s0 =	rddreg [dreg:$0x2]  }
0x108: {  	s0 =	sadd.s32 @!p0 $0x100000, s0  }
0x109: {  	[sflag:s0] =	ssyncadd.tile.s32 @!p0 $0x1;
	_ =	shalt  }
.Lfunc_end2:
_tile_overlayer_lowered:
.L_overlay_start_2:
0x10a: {  	(tag) =	ssettag $0x2  }
0x10b: {  	s0 =	rddreg [dreg:$0x0];
	s2 =	stileid.u32  }
0x10c: {  	s1 =	rddreg [dreg:$0x1];
	p0 =	sne.s32 s2, $0x0  }
0x10d: {  	s3 =	rddreg [dreg:$0x2];
	[bflag:$0x3] =	sbarrier.arrive $0xFFFF;
	s2 =	simm.s32 @!p0 $0x1C11  }
0x10e: {  	[timem:s3], [sflag:s2] =	dma.local @!p0 [hbm:s0], s1  }
0x10f: {  	s0 =	simm.s32 @!p0 $0x11  }
0x110: {  	_ =	swait.ge @!p0 [sflag:s0], s1  }
0x111: {  	s1 =	ssub.s32 @!p0 $0x0, s1;
	[sflag:s0] =	ssyncset.done @!p0 $0x0  }
0x112: {  	[sflag:s0] =	ssyncadd.s32 @!p0 s1  }
0x113: {  	[bflag:$0x3] =	sbarrier.arrive $0xFFFF  }
0x114: {  	_ =	shalt  }

// kernel: kernel.7.cloned.1.call-start
scs
__scs_entry_jumppad:
0x0: {  	(pc) =	sbr.rel $0x88, $3  }
0x1: {  	(tag) =	ssettag $0x0;
	lr =	simm.s32 $0x1  }
0x2: {  	[smem:$0x3F97] =	sst lr;
	_ =	strace $0xD0000000  }
0x3: {  	_ = 	snop  }
0x4: {  	_ = 	snop  }
0x5: {  	_ = 	snop  }
0x6: {  	_ = 	snop  }
0x7: {  	_ = 	snop  }
__scs_overlays_trampoline_lowered:
0x8: {  	[smem:$0x3FA6] =	sst s0  }
0x9: {  	[smem:$0x3FA7] =	sst s1  }
0xa: {  	[smem:$0x3FA8] =	sst s2  }
0xb: {  	[smem:$0x3FA9] =	sst s3  }
0xc: {  	[smem:$0x3FAA] =	sst s4  }
0xd: {  	[smem:$0x3FAB] =	sst s5  }
0xe: {  	[smem:$0x3FAC] =	sst s6  }
0xf: {  	[smem:$0x3FAD] =	sst s7  }
0x10: {  	[smem:$0x3FAE] =	sst s8  }
0x11: {  	[smem:$0x3FAF] =	sst s9;
	s0 =	simm.s32 @!p0 $0x0  }
0x12: {  	s1 =	sld [smem:$0x3F95];
	s0 =	simm.s32 @p0 $0x1  }
0x13: {  	[smem:$0x3FB0] =	sst s0;
	s0 =	simm.s32 @!p1 $0x0  }
0x14: {  	s2 =	sld [smem:$0x3F94];
	s0 =	simm.s32 @p1 $0x1  }
0x15: {  	[smem:$0x3FB1] =	sst s0;
	s0 =	simm.s32 @!p2 $0x0  }
0x16: {  	s3 =	sld [smem:$0x3FDB];
	s0 =	simm.s32 @p2 $0x1  }
0x17: {  	s4 =	simm.s32 $0x1BF5;
	[smem:$0x3FB3] =	sst s0  }
0x18: {  	s0 =	sld [smem:$0x3F96];
	_ =	swait.ge [sflag:s4], $0x0  }
0x19: {  	s7 =	sld [smem:$0x3F97]  }
0x1a: {  	s8 =	sadd.s32 $0xFFFFE003, lr  }
0x1b: {  	s9 =	sadd.s32 $0xFFFFFEF7, lr;
	s5 =	simm.s32 $0xFFFFFFFF;
	p2 =	slt.u32 s8, $0xFFFFF086  }
0x1c: {  	p1 =	slt.u32 s9, $0xF7A;
	s5 =	simm.s32 @!p2 $0x0  }
0x1d: {  	s5 =	simm.s32 @p1 $0x1;
	p0 =	seq.s32 s7, s2  }
0x1e: {  	s7 =	smul.u32 @!p0 $0xF7A, s2;
	p2 =	seq.s32 @!p0 s5, $0x0  }
0x1f: {  	s9 =	smul.u32 $0xF7A, s1;
	s8 =	simm.s32 @!p0 $0x1BF5;
	p2 =	por !p2, p0  }
0x20: {  	[sflag:s8] =	ssyncset.s32 @!p0 $0xFFFFF086;
	s6 =	sadd.s32 @!p0 s3, s7;
	s7 =	simm.s32 @!p0 $0x108  }
0x21: {  	s3 =	sadd.s32 s3, s9;
	s6 =	sadd.s32 @!p0 $0x88, s6;
	s7 =	simm.s32 @p2 $0x1082  }
0x22: {  	[simem:s7], [sflag:s8] =	dma.local @!p0 [hbm:s6], $0xF7A  }
0x23: {  	s9 =	sor.u32 $0xD0000000, s2;
	s6 =	simm.s32 $0x108;
	_ =	swait.ge @!p0 [sflag:s8], $0x0  }
0x24: {  	s3 =	sadd.s32 $0x88, s3;
	s6 =	simm.s32 @!p1 $0x1082;
	[sflag:s4] =	ssyncset.s32 $0xFFFFF086  }
0x25: {  	[simem:s6], [sflag:s4] =	dma.local [hbm:s3], $0xF7A  }
0x26: {  	[smem:$0x3F97] =	sst s1;
	(tag) =	ssettag s2;
	_ =	strace s9  }
0x27: {  	s1 =	sld [smem:$0x3FA7]  }
0x28: {  	s2 =	sld [smem:$0x3FA8]  }
0x29: {  	s4 =	sld [smem:$0x3FAA]  }
0x2a: {  	p0 =	seq.s32 s5, $0x0;
	s5 =	sld [smem:$0x3FAB]  }
0x2b: {  	s6 =	sld [smem:$0x3FAC]  }
0x2c: {  	s7 =	sld [smem:$0x3FAD]  }
0x2d: {  	s3 =	simm.s32 $0x108;
	s8 =	sld [smem:$0x3FAE]  }
0x2e: {  	s3 =	simm.s32 @!p0 $0x1082;
	s9 =	sld [smem:$0x3FAF]  }
0x2f: {  	lr =	sadd.s32 s0, s3;
	s0 =	sld [smem:$0x3FA6]  }
0x30: {  	s3 =	sld [smem:$0x3FA9]  }
0x31: {  	[smem:$0x3FB2] =	sst s10  }
0x32: {  	s10 =	sld [smem:$0x3FB0];
	_ =	sdelay $0x3  }
0x33: {  	p0 =	seq.s32 s10, $0x1;
	s10 =	sld [smem:$0x3FB2];
	_ =	sdelay $0x3  }
0x34: {  	[smem:$0x3FB2] =	sst s10  }
0x35: {  	s10 =	sld [smem:$0x3FB1];
	_ =	sdelay $0x3  }
0x36: {  	p1 =	seq.s32 s10, $0x1;
	s10 =	sld [smem:$0x3FB2];
	_ =	sdelay $0x3  }
0x37: {  	[smem:$0x3FB2] =	sst s10  }
0x38: {  	s10 =	sld [smem:$0x3FB3]  }
0x39: {  	_ = 	snop;
	(pc) =	sbr.ind lr, $3  }
0x3a: {  	_ = 	snop  }
0x3b: {  	_ = 	snop  }
0x3c: {  	p2 =	seq.s32 s10, $0x1;
	s10 =	sld [smem:$0x3FB2]  }
0x3d: {  	_ =	shalt  }
0x3e: {  	_ =	shalt  }
0x3f: {  	_ =	shalt  }
0x40: {  	_ =	shalt  }
0x41: {  	_ =	shalt  }
0x42: {  	_ =	shalt  }
0x43: {  	_ =	shalt  }
0x44: {  	_ =	shalt  }
0x45: {  	_ =	shalt  }
0x46: {  	_ =	shalt  }
0x47: {  	_ =	shalt  }
0x48: {  	_ =	shalt  }
0x49: {  	_ =	shalt  }
0x4a: {  	_ =	shalt  }
0x4b: {  	_ =	shalt  }
0x4c: {  	_ =	shalt  }
0x4d: {  	_ =	shalt  }
0x4e: {  	_ =	shalt  }
0x4f: {  	_ =	shalt  }
0x50: {  	_ =	shalt  }
0x51: {  	_ =	shalt  }
0x52: {  	_ =	shalt  }
0x53: {  	_ =	shalt  }
0x54: {  	_ =	shalt  }
0x55: {  	_ =	shalt  }
0x56: {  	_ =	shalt  }
0x57: {  	_ =	shalt  }
0x58: {  	_ =	shalt  }
0x59: {  	_ =	shalt  }
0x5a: {  	_ =	shalt  }
0x5b: {  	_ =	shalt  }
0x5c: {  	_ =	shalt  }
0x5d: {  	_ =	shalt  }
0x5e: {  	_ =	shalt  }
0x5f: {  	_ =	shalt  }
0x60: {  	_ =	shalt  }
0x61: {  	_ =	shalt  }
0x62: {  	_ =	shalt  }
0x63: {  	_ =	shalt  }
0x64: {  	_ =	shalt  }
0x65: {  	_ =	shalt  }
0x66: {  	_ =	shalt  }
0x67: {  	_ =	shalt  }
0x68: {  	_ =	shalt  }
0x69: {  	_ =	shalt  }
0x6a: {  	_ =	shalt  }
0x6b: {  	_ =	shalt  }
0x6c: {  	_ =	shalt  }
0x6d: {  	_ =	shalt  }
0x6e: {  	_ =	shalt  }
0x6f: {  	_ =	shalt  }
0x70: {  	_ =	shalt  }
0x71: {  	_ =	shalt  }
0x72: {  	_ =	shalt  }
0x73: {  	_ =	shalt  }
0x74: {  	_ =	shalt  }
0x75: {  	_ =	shalt  }
0x76: {  	_ =	shalt  }
0x77: {  	_ =	shalt  }
0x78: {  	_ =	shalt  }
0x79: {  	_ =	shalt  }
0x7a: {  	_ =	shalt  }
0x7b: {  	_ =	shalt  }
0x7c: {  	_ =	shalt  }
0x7d: {  	_ =	shalt  }
0x7e: {  	_ =	shalt  }
0x7f: {  	_ =	shalt  }
0x80: {  	_ =	shalt  }
0x81: {  	_ =	shalt  }
0x82: {  	_ =	shalt  }
0x83: {  	_ =	shalt  }
0x84: {  	_ =	shalt  }
0x85: {  	_ =	shalt  }
0x86: {  	_ =	shalt  }
0x87: {  	_ =	shalt  }
.Lfunc_end0:
.L_simem_size_0:
called_computation_lowered:
.L_overlay_start_0:
0x88: {  	s2 =	sld [smem:$0x3FD9]  }
0x89: {  	s3 =	sld [smem:$0x3FFE];
	_ =	sdelay $0x1  }
0x8a: {  	s1 =	srdreg.scid  }
0x8b: {  	s0 =	sand.u32 $0x1, s1  }
0x8c: {  	s17 =	sshll.u32 s0, $0xA;
	s2 =	sadd.s32 s3, s2  }
0x8d: {  	s2 =	sadd.s32 s2, s17  }
0x8e: {  	[smem:$0x3FBE] =	sst s2  }
0x8f: {  	_ = 	snop  }
0x90: {  	s2 =	sld [smem:$0x3FC9]  }
0x91: {  	s18 =	sld [smem:$0x3FD0];
	(tm) =	ssettm $0x1  }
0x92: {  	s4 =	sld [smem:$0x3FFB];
	_ =	sdelay $0x3  }
0x93: {  	_ =	strace s4  }
0x94: {  	s4 =	sld [smem:$0x3FFC];
	_ =	sdelay $0x3  }
0x95: {  	_ =	strace s4  }
0x96: {  	s4 =	sld [smem:$0x3FFD];
	_ =	sdelay $0x3  }
0x97: {  	_ =	strace s4  }
0x98: {  	_ =	strace $0x8FFFFFFF  }
0x99: {  	s19 =	sld [smem:$0x3FDB];
	_ =	sdelay $0x1  }
0x9a: {  	s5 =	simm.s32 $_scs_section_size  }
0x9b: {  	s6 =	simm.s32 $_size__tile_overlayer_lowered;
	s7 =	simm.s32 $_tile_overlayer_lowered  }
0x9c: {  	s22 =	simm.s32 $0x1BFF;
	s21 =	sshll.u32 s7, $0x1;
	s4 =	sadd.s32 s5, s19  }
0x9d: {  	s8 =	simm.s32 $0x0;
	s20 =	sshll.u32 s6, $0x1;
	s6 =	sadd.s32 s21, s4  }
0x9e: {  	[timem:s8], [sflag:s22] =	dma.local [hbm:s6], s20  }
0x9f: {  	_ =	swait.ge [sflag:s22], s20  }
0xa0: {  	s5 =	ssub.s32 $0x0, s20;
	[sflag:s22] =	ssyncset.done $0x0  }
0xa1: {  	[sflag:s22] =	ssyncadd.s32 s5;
	_ =	sdelay $0x1  }
0xa2: {  	s23 =	simm.s32 $0x1B8B  }
0xa3: {  	_ =	swait.ge [sflag:s23], $0x1  }
0xa4: {  	[sflag:s23] =	ssyncset.done $0x0  }
0xa5: {  	s25 =	simm.s32 $0x1B8E;
	s24 =	sld [smem:$0x3FFE];
	[sflag:s23] =	ssyncadd.s32 $0xFFFFFFFF  }
0xa6: {  	s26 =	simm.s32 $execute0_lowered;
	[smem:$0x3FD2] =	sst s25  }
0xa7: {  	s6 =	sshll.u32 s26, $0x1;
	_ =	strace $0x80000046;
	[dreg:$0x1] =	wrdreg $0xFFFFFFFF  }
0xa8: {  	s28 =	simm.s32 $_size_execute0_lowered;
	s4 =	sadd.s32 s4, s6;
	[dreg:$0x0] =	wrdreg $0x0  }
0xa9: {  	s6 =	sshll.u32 s28, $0x1;
	[dreg:$0x2] =	wrdreg s4  }
0xaa: {  	[dreg:$0x3] =	wrdreg s6  }
0xab: {  	[dreg:$0x4] =	wrdreg $0xC0  }
0xac: {  	_ =	task [dreg:s8], $0x5FFFF  }
0xad: {  	[dreg:$0x1] =	wrdreg $0xFFFFFFFF  }
0xae: {  	[dreg:$0x0] =	wrdreg $0x60  }
0xaf: {  	[dreg:$0x2] =	wrdreg s2  }
0xb0: {  	[dreg:$0x3] =	wrdreg s24  }
0xb1: {  	[dreg:$0x4] =	wrdreg s18  }
0xb2: {  	[dreg:$0x5] =	wrdreg $0x76200  }
0xb3: {  	[dreg:$0x6] =	wrdreg $0x1AEA00  }
0xb4: {  	[dreg:$0x7] =	wrdreg $0x9  }
0xb5: {  	_ =	task.clear_ibuf [dreg:s8], $0x8FFFF;
	_ =	strace $0x90000046  }
0xb6: {  	s29 =	simm.s32 $0x9;
	_ =	strace $0x80000048  }
0xb7: {  	_ =	swait.ge [sflag:s29], $0x1  }
0xb8: {  	[sflag:s29] =	ssyncadd.s32 $0xFFFFFFFF  }
0xb9: {  	_ =	strace $0x90000048  }
0xba: {  	_ =	sfence  }
0xbb: {  	s30 =	sld [smem:$0x0];
	_ =	sdelay $0x2  }
0xbc: {  	s31 =	sshll.u32 s1, $0xD;
	s1 =	sshrl.u32 s1, $0x2  }
0xbd: {  	s3 =	sand.u32 $0x4000, s31;
	s1 =	sadd.s32 s1, s30  }
0xbe: {  	s0 =	sor.u32 s3, s0;
	s1 =	sshll.u32 s1, $0x11  }
0xbf: {  	s0 =	sor.u32 s1, s0  }
0xc0: {  	s0 =	sadd.s32 $0x8F2B, s0  }
0xc1: {  	[sflag:s0] =	ssyncadd.remote.s32 $0x1  }
0xc2: {  	_ =	sfence.sel $0xFFFF  }
0xc3: {  	[dreg:$0x0] =	wrdreg $0xFFFFFFFF;
	(pc) =	sbr.abs _section_cstart, $3  }
0xc4: {  	[dreg:$0x1] =	wrdreg $0xFFFFFFFF  }
0xc5: {  	_ =	task.clear_ibuf [dreg:s8], $0x2FFFF;
	_ =	strace $0x9FFFFFFF  }
0xc6: {  	(tm) =	ssettm $0x7FFFFFFF  }
0xc7: {  	_ =	shalt  }
tec
execute0_lowered:
.L_overlay_start_1:
0x0: {  	(tag) =	ssettag $0x1  }
0x1: {  	s1 =	rddreg [dreg:$0x0]  }
0x2: {  	s0 =	rddreg [dreg:$0x1]  }
0x3: {  	s3 =	rddreg [dreg:$0x3]  }
0x4: {  	s4 =	rddreg [dreg:$0x4]  }
0x5: {  	s5 =	simm.s32 $0x0;
	s2 =	srdreg.scid;
	s14 =	stileid.u32  }
0x6: {  	s28 =	simm.s32 $0x23A0;
	s30 =	simm.s32 $0x37A0;
	s15 =	simm.s32 $0x8  }
0x7: {  	s16 =	simm.s32 $0x9;
	s17 =	simm.s32 $0xA;
	s29 =	simm.s32 $0xB  }
0x8: {  	[smem:$0x7FF] =	sst s5;
	s2 =	sand.u32 $0x1, s2;
	s18 =	sadd.s32 $0x2400, s0  }
0x9: {  	s6 =	sadd.s32 $0x15E00, s0;
	s7 =	sadd.s32 $0x3D000, s0;
	s8 =	smul.u32 $0x13800, s14  }
0xa: {  	s21 =	sadd.s32 $0x4BE00, s0;
	s0 =	sadd.s32 $0x42000, s0;
	s9 =	smul.u32 $0x2700, s14  }
0xb: {  	s11 =	smul.u32 $0x2710, s14;
	p0 =	sne.s32 s14, $0x0;
	s14 =	simm.s32 $0x7  }
0xc: {  	_ =	strace $0x80000047;
	[dreg:$0x6] =	wrdreg s18;
	s19 =	smul.u32 $0x27100, s2  }
0xd: {  	[dreg:$0x7] =	wrdreg s6;
	s20 =	smul.u32 $0x138800, s2;
	s2 =	ssub.s32 $0x2, s2  }
0xe: {  	[dreg:$0x8] =	wrdreg s7;
	s18 =	simm.s32 $0x73A0;
	s10 =	sshrl.u32 s2, $0x1  }
0xf: {  	s7 =	simm.s32 $0x2;
	s12 =	sadd.s32 s8, s20;
	s2 =	ssub.s32 s2, s10  }
0x10: {  	s13 =	sadd.s32 s9, s19;
	s22 =	sadd.s32 s11, s19;
	s8 =	sadd.s32 s8, s3  }
0x11: {  	s6 =	sshrl.u32 s20, $0x3;
	s9 =	sadd.s32 s9, s4;
	s5 =	sshrl.u32 s19, $0x3  }
0x12: {  	s19 =	simm.s32 $0xC;
	s11 =	simm.s32 $0x4;
	s20 =	simm.s32 $0xF78  }
0x13: {  	s10 =	simm.s32 $0x0;
	s12 =	sshrl.u32 s12, $0x3;
	[dreg:$0x9] =	wrdreg s22  }
0x14: {  	s24 =	sshrl.u32 s13, $0x3;
	s6 =	sadd.s32 s21, s6;
	s2 =	smax.u32 s2, $0x1  }
0x15: {  	s26 =	sshrl.u32 s8, $0x3;
	s31 =	sshrl.u32 s9, $0x3;
	s8 =	simm.s32 $0x1  }
0x16: {  	s9 =	simm.s32 $0x3;
	s13 =	simm.s32 $0x6;
	[dreg:$0xe] =	wrdreg s2  }
0x17: {  	s22 =	simm.s32 $0xED8;
	s23 =	sadd.s32 s21, s12;
	[dreg:$0x11] =	wrdreg s26  }
0x18: {  	s25 =	sadd.s32 s0, s24;
	s6 =	sadd.s32 $0x27000, s6;
	[dreg:$0x12] =	wrdreg s31  }
0x19: {  	s0 =	sadd.s32 s0, s5;
	s2 =	sshrl.u32 @!p0 s3, $0x3;
	[dreg:$0xa] =	wrdreg s23  }
0x1a: {  	s21 =	simm.s32 $0x28;
	s26 =	simm.s32 $0xFA0;
	[dreg:$0xb] =	wrdreg s25  }
0x1b: {  	s5 =	simm.s32 $0x5FA0;
	s12 =	simm.s32 $0x5;
	[dreg:$0xc] =	wrdreg s6  }
0x1c: {  	s24 =	simm.s32 $0xF28;
	s0 =	sadd.s32 $0x4E00, s0;
	[dreg:$0xf] =	wrdreg s2  }
0x1d: {  	s6 =	sadd.s32 $0x138000, s3;
	s2 =	sshrl.u32 @!p0 s4, $0x3;
	[dreg:$0xd] =	wrdreg s0  }
0x1e: {  	s0 =	sadd.s32 $0x27000, s4;
	[dreg:$0x10] =	wrdreg s2;
	s2 =	sshrl.u32 @!p0 s6, $0x3  }
0x1f: {  	s23 =	simm.s32 $0xF00;
	[dreg:$0x13] =	wrdreg s2;
	s0 =	sshrl.u32 @!p0 s0, $0x3  }
0x20: {  	s25 =	simm.s32 $0xF50;
	[dreg:$0x14] =	wrdreg s0;
	s0 =	simm.s32 $0x4BA0  }
.LBB2_1:
0x21: {  	[dreg:$0x15] =	wrdreg s10  }
0x22: {  	s6 =	rddreg [dreg:$0x7]  }
0x23: {  	s2 =	simm.s32 @!p0 $0x1C0C;
	s10 =	rddreg [dreg:$0xf]  }
0x24: {  	[spmem:s10], [sflag:s2] =	dma.local @!p0 [hbm:s6], $0x27100  }
0x25: {  	s6 =	simm.s32 @!p0 $0xC  }
0x26: {  	_ =	swait.ge @!p0 [sflag:s6], $0x27100  }
0x27: {  	[sflag:s6] =	ssyncset.done @!p0 $0x0;
	s10 =	rddreg [dreg:$0x8]  }
0x28: {  	s31 =	rddreg [dreg:$0x10];
	[sflag:s6] =	ssyncadd.s32 @!p0 $0xFFFD8F00  }
0x29: {  	[spmem:s31], [sflag:s2] =	dma.local @!p0 [hbm:s10], $0x4E20  }
0x2a: {  	_ =	swait.ge @!p0 [sflag:s6], $0x4E20  }
0x2b: {  	[sflag:s6] =	ssyncset.done @!p0 $0x0  }
0x2c: {  	[sflag:s6] =	ssyncadd.s32 @!p0 $0xFFFFB1E0  }
0x2d: {  	s10 =	simm.s32 $0x0;
	s6 =	rddreg [dreg:$0x2]  }
0x2e: {  	[tilespmem:s18], [sflag:$0xC] =	stream.linear.gather [hbm4b:s6+s10], $0x280, $0x38;
	[tilespmem:$0x1D5B0] =	vst v63  }
0x2f: {  	_ =	swait.ge [sflag:s19], $0x280  }
0x30: {  	[sflag:s19] =	ssyncset.done $0x0  }
0x31: {  	[sflag:s19] =	ssyncadd.s32 $0xFFFFFD80  }
0x32: {  	s31 =	simm.s32 $0x0;
	[bflag:$0x0] =	sbarrier.arrive $0xFFFF  }
.LBB2_2:
0x33: {  	s2 =	smul.u32 $0x7D0, s31  }
0x34: {  	s6 =	rddreg [dreg:$0x9]  }
0x35: {  	s2 =	sadd.s32 s2, s6  }
0x36: {  	s10 =	rddreg [dreg:$0x6];
	s2 =	sshrl.u32 s2, $0x3  }
0x37: {  	s6 =	simm.s32 $0x0;
	s2 =	sadd.s32 s10, s2  }
0x38: {  	[tilespmem:s6], [sflag:$0xC] =	stream.linear.gather [hbm4b:s2+s6], $0x7D0, $0x38;
	[tilespmem:$0x1D5B0] =	vst v63  }
0x39: {  	_ =	swait.ge [sflag:s19], $0x7D0  }
0x3a: {  	[sflag:s19] =	ssyncset.done $0x0  }
0x3b: {  	s10 =	simm.s32 $0x7D0;
	s2 =	sadd.s32 $0x9C40, s2;
	[sflag:s19] =	ssyncadd.s32 $0xFFFFF830  }
0x3c: {  	[tilespmem:s10], [sflag:$0xC] =	stream.linear.gather [hbm4b:s2+s6], $0x7D0, $0x38;
	[tilespmem:$0x1D5B0] =	vst v63  }
0x3d: {  	_ =	swait.ge [sflag:s19], $0x7D0  }
0x3e: {  	[sflag:s19] =	ssyncset.done $0x0  }
0x3f: {  	[sflag:s19] =	ssyncadd.s32 $0xFFFFF830  }
0x40: {  	[tilespmem:s26], [sflag:$0x1] =	stream.indirect.gather [hbm4b:s1+s21], $0x80, s6, s21, $0xb8;
	[tilespmem:$0x1D5B0] =	vst v63  }
0x41: {  	_ = 	snop  }
0x42: {  	[tilespmem:s28], [sflag:$0x2] =	stream.indirect.gather [hbm4b:s1+s21], $0x80, s21, s21, $0xb8;
	[tilespmem:$0x1D5B0] =	vst v63  }
0x43: {  	s6 =	simm.s32 $0x50  }
0x44: {  	[tilespmem:s30], [sflag:$0x3] =	stream.indirect.gather [hbm4b:s1+s21], $0x80, s6, s21, $0xb8;
	[tilespmem:$0x1D5B0] =	vst v63  }
0x45: {  	s10 =	simm.s32 $0x78  }
0x46: {  	[tilespmem:s0], [sflag:$0x4] =	stream.indirect.gather [hbm4b:s1+s21], $0x80, s10, s21, $0xb8;
	[tilespmem:$0x1D5B0] =	vst v63  }
0x47: {  	s6 =	simm.s32 $0xA0  }
0x48: {  	[tilespmem:s5], [sflag:$0x5] =	stream.indirect.gather [hbm4b:s1+s21], $0x80, s6, s21, $0xb8;
	[tilespmem:$0x1D5B0] =	vst v63  }
0x49: {  	_ =	swait.ge [sflag:s8], $0x1400  }
0x4a: {  	[sflag:s8] =	ssyncset.done $0x0  }
0x4b: {  	s10 =	simm.s32 $0x7D0;
	[sflag:s8] =	ssyncadd.s32 $0xFFFFEC00  }
0x4c: {  	[spmem:s3] =	stream.indirect.scatter.add.f32 [tilespmem:s26], [sflag:$0x6], $0x80, s10, s21, $0xb8;
	[tilespmem:$0x1D5B0] =	vst v63  }
0x4d: {  	_ = 	snop  }
0x4e: {  	[spmem:s4] =	stream.indirect.scatter.add.f32 [tilespmem:s18], [sflag:$0xB], $0x10, s10, s21, $0xb8;
	[tilespmem:$0x1D5B0] =	vst v63  }
0x4f: {  	_ =	swait.ge [sflag:s7], $0x1400  }
0x50: {  	[sflag:s7] =	ssyncset.done $0x0  }
0x51: {  	s6 =	simm.s32 $0x7F8;
	[sflag:s7] =	ssyncadd.s32 $0xFFFFEC00  }
0x52: {  	[spmem:s3] =	stream.indirect.scatter.add.f32 [tilespmem:s28], [sflag:$0x7], $0x80, s6, s21, $0xb8;
	[tilespmem:$0x1D5B0] =	vst v63  }
0x53: {  	_ = 	snop  }
0x54: {  	[spmem:s4] =	stream.indirect.scatter.add.f32 [tilespmem:s18], [sflag:$0xB], $0x10, s6, s21, $0xb8;
	[tilespmem:$0x1D5B0] =	vst v63  }
0x55: {  	_ =	swait.ge [sflag:s9], $0x1400  }
0x56: {  	[sflag:s9] =	ssyncset.done $0x0  }
0x57: {  	s10 =	simm.s32 $0x820;
	[sflag:s9] =	ssyncadd.s32 $0xFFFFEC00  }
0x58: {  	[spmem:s3] =	stream.indirect.scatter.add.f32 [tilespmem:s30], [sflag:$0x8], $0x80, s10, s21, $0xb8;
	[tilespmem:$0x1D5B0] =	vst v63  }
0x59: {  	_ = 	snop  }
0x5a: {  	[spmem:s4] =	stream.indirect.scatter.add.f32 [tilespmem:s18], [sflag:$0xB], $0x10, s10, s21, $0xb8;
	[tilespmem:$0x1D5B0] =	vst v63  }
0x5b: {  	_ =	swait.ge [sflag:s11], $0x1400  }
0x5c: {  	[sflag:s11] =	ssyncset.done $0x0  }
0x5d: {  	s6 =	simm.s32 $0x848;
	[sflag:s11] =	ssyncadd.s32 $0xFFFFEC00  }
0x5e: {  	[spmem:s3] =	stream.indirect.scatter.add.f32 [tilespmem:s0], [sflag:$0x9], $0x80, s6, s21, $0xb8;
	[tilespmem:$0x1D5B0] =	vst v63  }
0x5f: {  	_ = 	snop  }
0x60: {  	[spmem:s4] =	stream.indirect.scatter.add.f32 [tilespmem:s18], [sflag:$0xB], $0x10, s6, s21, $0xb8;
	[tilespmem:$0x1D5B0] =	vst v63  }
0x61: {  	_ =	swait.ge [sflag:s12], $0x1400  }
0x62: {  	[sflag:s12] =	ssyncset.done $0x0  }
0x63: {  	s10 =	simm.s32 $0x870;
	[sflag:s12] =	ssyncadd.s32 $0xFFFFEC00  }
0x64: {  	[spmem:s3] =	stream.indirect.scatter.add.f32 [tilespmem:s5], [sflag:$0xA], $0x80, s10, s21, $0xb8;
	[tilespmem:$0x1D5B0] =	vst v63  }
0x65: {  	_ = 	snop  }
0x66: {  	[spmem:s4] =	stream.indirect.scatter.add.f32 [tilespmem:s18], [sflag:$0xB], $0x10, s10, s21, $0xb8;
	[tilespmem:$0x1D5B0] =	vst v63  }
0x67: {  	_ =	swait.ge [sflag:s13], $0x1400  }
0x68: {  	[sflag:s13] =	ssyncset.done $0x0  }
0x69: {  	s6 =	simm.s32 $0xC8;
	[sflag:s13] =	ssyncadd.s32 $0xFFFFEC00  }
0x6a: {  	[tilespmem:s26], [sflag:$0x1] =	stream.indirect.gather [hbm4b:s1+s21], $0x80, s6, s21, $0xb8;
	[tilespmem:$0x1D5B0] =	vst v63  }
0x6b: {  	_ =	swait.ge [sflag:s14], $0x1400  }
0x6c: {  	[sflag:s14] =	ssyncset.done $0x0  }
0x6d: {  	s10 =	simm.s32 $0xF0;
	[sflag:s14] =	ssyncadd.s32 $0xFFFFEC00  }
0x6e: {  	[tilespmem:s28], [sflag:$0x2] =	stream.indirect.gather [hbm4b:s1+s21], $0x80, s10, s21, $0xb8;
	[tilespmem:$0x1D5B0] =	vst v63  }
0x6f: {  	_ =	swait.ge [sflag:s15], $0x1400  }
0x70: {  	[sflag:s15] =	ssyncset.done $0x0  }
0x71: {  	s6 =	simm.s32 $0x118;
	[sflag:s15] =	ssyncadd.s32 $0xFFFFEC00  }
0x72: {  	[tilespmem:s30], [sflag:$0x3] =	stream.indirect.gather [hbm4b:s1+s21], $0x80, s6, s21, $0xb8;
	[tilespmem:$0x1D5B0] =	vst v63  }
0x73: {  	_ =	swait.ge [sflag:s16], $0x1400  }
0x74: {  	[sflag:s16] =	ssyncset.done $0x0  }
0x75: {  	s10 =	simm.s32 $0x140;
	[sflag:s16] =	ssyncadd.s32 $0xFFFFEC00  }
0x76: {  	[tilespmem:s0], [sflag:$0x4] =	stream.indirect.gather [hbm4b:s1+s21], $0x80, s10, s21, $0xb8;
	[tilespmem:$0x1D5B0] =	vst v63  }
0x77: {  	_ =	swait.ge [sflag:s17], $0x1400  }
0x78: {  	[sflag:s17] =	ssyncset.done $0x0  }
0x79: {  	s2 =	simm.s32 $0x320;
	s6 =	simm.s32 $0x168;
	[sflag:s17] =	ssyncadd.s32 $0xFFFFEC00  }
.LBB2_3:
0x7a: {  	[tilespmem:s5], [sflag:$0x5] =	stream.indirect.gather [hbm4b:s1+s21], $0x80, s6, s21, $0xb8;
	[tilespmem:$0x1D5B0] =	vst v63  }
0x7b: {  	s6 =	smov.u32 s2  }
0x7c: {  	p1 =	sne.s32 s2, $0x1900;
	s2 =	sadd.s32 $0x320, s2;
	_ =	swait.ge [sflag:s8], $0x1400  }
0x7d: {  	s6 =	sshra.s32 s6, $0x2;
	[sflag:s8] =	ssyncset.done $0x0  }
0x7e: {  	s10 =	sadd.s32 $0x7D0, s6;
	[sflag:s8] =	ssyncadd.s32 $0xFFFFEC00  }
0x7f: {  	[spmem:s3] =	stream.indirect.scatter.add.f32 [tilespmem:s26], [sflag:$0x6], $0x80, s10, s21, $0xb8;
	[tilespmem:$0x1D5B0] =	vst v63  }
0x80: {  	_ = 	snop  }
0x81: {  	[spmem:s4] =	stream.indirect.scatter.add.f32 [tilespmem:s18], [sflag:$0xB], $0x10, s10, s21, $0xb8;
	[tilespmem:$0x1D5B0] =	vst v63  }
0x82: {  	_ =	swait.ge [sflag:s7], $0x1400  }
0x83: {  	[sflag:s7] =	ssyncset.done $0x0  }
0x84: {  	s10 =	sadd.s32 $0x7F8, s6;
	[sflag:s7] =	ssyncadd.s32 $0xFFFFEC00  }
0x85: {  	[spmem:s3] =	stream.indirect.scatter.add.f32 [tilespmem:s28], [sflag:$0x7], $0x80, s10, s21, $0xb8;
	[tilespmem:$0x1D5B0] =	vst v63  }
0x86: {  	_ = 	snop  }
0x87: {  	[spmem:s4] =	stream.indirect.scatter.add.f32 [tilespmem:s18], [sflag:$0xB], $0x10, s10, s21, $0xb8;
	[tilespmem:$0x1D5B0] =	vst v63  }
0x88: {  	_ =	swait.ge [sflag:s9], $0x1400  }
0x89: {  	[sflag:s9] =	ssyncset.done $0x0  }
0x8a: {  	s10 =	sadd.s32 $0x820, s6;
	[sflag:s9] =	ssyncadd.s32 $0xFFFFEC00  }
0x8b: {  	[spmem:s3] =	stream.indirect.scatter.add.f32 [tilespmem:s30], [sflag:$0x8], $0x80, s10, s21, $0xb8;
	[tilespmem:$0x1D5B0] =	vst v63  }
0x8c: {  	_ = 	snop  }
0x8d: {  	[spmem:s4] =	stream.indirect.scatter.add.f32 [tilespmem:s18], [sflag:$0xB], $0x10, s10, s21, $0xb8;
	[tilespmem:$0x1D5B0] =	vst v63  }
0x8e: {  	_ =	swait.ge [sflag:s11], $0x1400  }
0x8f: {  	[sflag:s11] =	ssyncset.done $0x0  }
0x90: {  	s10 =	sadd.s32 $0x848, s6;
	[sflag:s11] =	ssyncadd.s32 $0xFFFFEC00  }
0x91: {  	[spmem:s3] =	stream.indirect.scatter.add.f32 [tilespmem:s0], [sflag:$0x9], $0x80, s10, s21, $0xb8;
	[tilespmem:$0x1D5B0] =	vst v63  }
0x92: {  	_ = 	snop  }
0x93: {  	[spmem:s4] =	stream.indirect.scatter.add.f32 [tilespmem:s18], [sflag:$0xB], $0x10, s10, s21, $0xb8;
	[tilespmem:$0x1D5B0] =	vst v63  }
0x94: {  	_ =	swait.ge [sflag:s12], $0x1400  }
0x95: {  	[sflag:s12] =	ssyncset.done $0x0  }
0x96: {  	s10 =	sadd.s32 $0x870, s6;
	[sflag:s12] =	ssyncadd.s32 $0xFFFFEC00  }
0x97: {  	[spmem:s3] =	stream.indirect.scatter.add.f32 [tilespmem:s5], [sflag:$0xA], $0x80, s10, s21, $0xb8;
	[tilespmem:$0x1D5B0] =	vst v63  }
0x98: {  	_ = 	snop  }
0x99: {  	[spmem:s4] =	stream.indirect.scatter.add.f32 [tilespmem:s18], [sflag:$0xB], $0x10, s10, s21, $0xb8;
	[tilespmem:$0x1D5B0] =	vst v63  }
0x9a: {  	_ =	swait.ge [sflag:s13], $0x1400  }
0x9b: {  	[sflag:s13] =	ssyncset.done $0x0  }
0x9c: {  	s10 =	sadd.s32 $0xC8, s6;
	[sflag:s13] =	ssyncadd.s32 $0xFFFFEC00  }
0x9d: {  	[tilespmem:s26], [sflag:$0x1] =	stream.indirect.gather [hbm4b:s1+s21], $0x80, s10, s21, $0xb8;
	[tilespmem:$0x1D5B0] =	vst v63  }
0x9e: {  	_ =	swait.ge [sflag:s14], $0x1400  }
0x9f: {  	[sflag:s14] =	ssyncset.done $0x0  }
0xa0: {  	s10 =	sadd.s32 $0xF0, s6;
	[sflag:s14] =	ssyncadd.s32 $0xFFFFEC00  }
0xa1: {  	[tilespmem:s28], [sflag:$0x2] =	stream.indirect.gather [hbm4b:s1+s21], $0x80, s10, s21, $0xb8;
	[tilespmem:$0x1D5B0] =	vst v63  }
0xa2: {  	_ =	swait.ge [sflag:s15], $0x1400  }
0xa3: {  	[sflag:s15] =	ssyncset.done $0x0  }
0xa4: {  	s10 =	sadd.s32 $0x118, s6;
	[sflag:s15] =	ssyncadd.s32 $0xFFFFEC00  }
0xa5: {  	[tilespmem:s30], [sflag:$0x3] =	stream.indirect.gather [hbm4b:s1+s21], $0x80, s10, s21, $0xb8;
	[tilespmem:$0x1D5B0] =	vst v63  }
0xa6: {  	_ =	swait.ge [sflag:s16], $0x1400  }
0xa7: {  	[sflag:s16] =	ssyncset.done $0x0  }
.Ltmp0:
0xa8: {  	s10 =	sadd.s32 $0x140, s6;
	[sflag:s16] =	ssyncadd.s32 $0xFFFFEC00;
	(pc) =	sbr.rel @p1 .LBB2_3-.Ltmp0, $4  }
0xa9: {  	[tilespmem:s0], [sflag:$0x4] =	stream.indirect.gather [hbm4b:s1+s21], $0x80, s10, s21, $0xb8;
	[tilespmem:$0x1D5B0] =	vst v63  }
0xaa: {  	_ =	swait.ge [sflag:s17], $0x1400  }
0xab: {  	[sflag:s17] =	ssyncset.done $0x0  }
0xac: {  	s6 =	sadd.s32 $0x168, s6;
	[sflag:s17] =	ssyncadd.s32 $0xFFFFEC00  }
0xad: {  	[tilespmem:s5], [sflag:$0x5] =	stream.indirect.gather [hbm4b:s1+s21], $0x80, s6, s21, $0xb8;
	[tilespmem:$0x1D5B0] =	vst v63  }
0xae: {  	_ =	swait.ge [sflag:s8], $0x1400  }
0xaf: {  	[sflag:s8] =	ssyncset.done $0x0  }
0xb0: {  	[sflag:s8] =	ssyncadd.s32 $0xFFFFEC00  }
0xb1: {  	[spmem:s3] =	stream.indirect.scatter.add.f32 [tilespmem:s26], [sflag:$0x6], $0x80, s22, s21, $0xb8;
	[tilespmem:$0x1D5B0] =	vst v63  }
0xb2: {  	_ = 	snop  }
0xb3: {  	[spmem:s4] =	stream.indirect.scatter.add.f32 [tilespmem:s18], [sflag:$0xB], $0x10, s22, s21, $0xb8;
	[tilespmem:$0x1D5B0] =	vst v63  }
0xb4: {  	_ =	swait.ge [sflag:s7], $0x1400  }
0xb5: {  	[sflag:s7] =	ssyncset.done $0x0  }
0xb6: {  	[sflag:s7] =	ssyncadd.s32 $0xFFFFEC00  }
0xb7: {  	[spmem:s3] =	stream.indirect.scatter.add.f32 [tilespmem:s28], [sflag:$0x7], $0x80, s23, s21, $0xb8;
	[tilespmem:$0x1D5B0] =	vst v63  }
0xb8: {  	_ = 	snop  }
0xb9: {  	[spmem:s4] =	stream.indirect.scatter.add.f32 [tilespmem:s18], [sflag:$0xB], $0x10, s23, s21, $0xb8;
	[tilespmem:$0x1D5B0] =	vst v63  }
0xba: {  	_ =	swait.ge [sflag:s9], $0x1400  }
0xbb: {  	[sflag:s9] =	ssyncset.done $0x0  }
0xbc: {  	[sflag:s9] =	ssyncadd.s32 $0xFFFFEC00  }
0xbd: {  	[spmem:s3] =	stream.indirect.scatter.add.f32 [tilespmem:s30], [sflag:$0x8], $0x80, s24, s21, $0xb8;
	[tilespmem:$0x1D5B0] =	vst v63  }
0xbe: {  	_ = 	snop  }
0xbf: {  	[spmem:s4] =	stream.indirect.scatter.add.f32 [tilespmem:s18], [sflag:$0xB], $0x10, s24, s21, $0xb8;
	[tilespmem:$0x1D5B0] =	vst v63  }
0xc0: {  	_ =	swait.ge [sflag:s11], $0x1400  }
0xc1: {  	[sflag:s11] =	ssyncset.done $0x0  }
0xc2: {  	[sflag:s11] =	ssyncadd.s32 $0xFFFFEC00  }
0xc3: {  	[spmem:s3] =	stream.indirect.scatter.add.f32 [tilespmem:s0], [sflag:$0x9], $0x80, s25, s21, $0xb8;
	[tilespmem:$0x1D5B0] =	vst v63  }
0xc4: {  	_ = 	snop  }
0xc5: {  	[spmem:s4] =	stream.indirect.scatter.add.f32 [tilespmem:s18], [sflag:$0xB], $0x10, s25, s21, $0xb8;
	[tilespmem:$0x1D5B0] =	vst v63  }
0xc6: {  	_ =	swait.ge [sflag:s12], $0x1400  }
0xc7: {  	[sflag:s12] =	ssyncset.done $0x0  }
0xc8: {  	[sflag:s12] =	ssyncadd.s32 $0xFFFFEC00  }
0xc9: {  	[spmem:s3] =	stream.indirect.scatter.add.f32 [tilespmem:s5], [sflag:$0xA], $0x80, s20, s21, $0xb8;
	[tilespmem:$0x1D5B0] =	vst v63  }
0xca: {  	_ = 	snop  }
0xcb: {  	[spmem:s4] =	stream.indirect.scatter.add.f32 [tilespmem:s18], [sflag:$0xB], $0x10, s20, s21, $0xb8;
	[tilespmem:$0x1D5B0] =	vst v63  }
0xcc: {  	_ =	swait.ge [sflag:s13], $0x1400  }
0xcd: {  	[sflag:s13] =	ssyncset.done $0x0  }
0xce: {  	[sflag:s13] =	ssyncadd.s32 $0xFFFFEC00  }
0xcf: {  	_ =	swait.ge [sflag:s14], $0x1400  }
0xd0: {  	[sflag:s14] =	ssyncset.done $0x0  }
0xd1: {  	[sflag:s14] =	ssyncadd.s32 $0xFFFFEC00  }
0xd2: {  	_ =	swait.ge [sflag:s15], $0x1400  }
0xd3: {  	[sflag:s15] =	ssyncset.done $0x0  }
0xd4: {  	[sflag:s15] =	ssyncadd.s32 $0xFFFFEC00  }
0xd5: {  	_ =	swait.ge [sflag:s16], $0x1400  }
0xd6: {  	[sflag:s16] =	ssyncset.done $0x0  }
0xd7: {  	[sflag:s16] =	ssyncadd.s32 $0xFFFFEC00  }
0xd8: {  	_ =	swait.ge [sflag:s17], $0x1400  }
0xd9: {  	[sflag:s17] =	ssyncset.done $0x0  }
0xda: {  	[sflag:s17] =	ssyncadd.s32 $0xFFFFEC00  }
0xdb: {  	_ =	swait.ge [sflag:s29], $0x280  }
0xdc: {  	s2 =	simm.s32 $0x31;
	[sflag:s29] =	ssyncset.done $0x0  }
.LBB2_5:
0xdd: {  	p1 =	sne.s32 s2, $0x1;
	s2 =	sadd.s32 $0xFFFFFFFF, s2;
	[sflag:s29] =	ssyncadd.s32 $0xFFFFFD80  }
.Ltmp1:
0xde: {  	(pc) =	sbr.rel @p1 .LBB2_5-.Ltmp1, $3  }
0xdf: {  	_ =	sdelay $0x1  }
0xe0: {  	_ =	swait.ge [sflag:s29], $0x280  }
0xe1: {  	[sflag:s29] =	ssyncset.done $0x0  }
0xe2: {  	s31 =	sadd.s32 $0x1, s31  }
0xe3: {  	p1 =	sne.s32 s31, $0x5  }
.Ltmp2:
0xe4: {  	_ = 	snop;
	(pc) =	sbr.rel @p1 .LBB2_2-.Ltmp2, $2  }
0xe5: {  	_ =	sdelay $0x2  }
0xe6: {  	[sflag:s29] =	ssyncadd.s32 $0xFFFFFD80  }
0xe7: {  	s2 =	stileid.u32;
	[bflag:$0x0] =	sbarrier.arrive $0xFFFF  }
0xe8: {  	s2 =	sshll.u32 s2, $0x6;
	s6 =	rddreg [dreg:$0xa]  }
0xe9: {  	s10 =	rddreg [dreg:$0x11];
	s2 =	sor.u32 $0x1C0C, s2  }
0xea: {  	[hbm:s6], [sflag:s2] =	dma.local [spmem:s10], $0x2700  }
0xeb: {  	_ =	swait.ge [sflag:s19], $0x2700  }
0xec: {  	[sflag:s19] =	ssyncset.done $0x0;
	s10 =	rddreg [dreg:$0xb]  }
0xed: {  	s31 =	rddreg [dreg:$0x12];
	[sflag:s19] =	ssyncadd.s32 $0xFFFFD900  }
0xee: {  	[hbm:s10], [sflag:s2] =	dma.local [spmem:s31], $0x4E0  }
0xef: {  	_ =	swait.ge [sflag:s19], $0x4E0  }
0xf0: {  	[sflag:s19] =	ssyncset.done $0x0;
	s6 =	rddreg [dreg:$0xc]  }
0xf1: {  	s10 =	rddreg [dreg:$0x13];
	[sflag:s19] =	ssyncadd.s32 $0xFFFFFB20  }
0xf2: {  	[hbm:s6], [sflag:s2] =	dma.local @!p0 [spmem:s10], $0x100  }
0xf3: {  	s6 =	simm.s32 @!p0 $0xC  }
0xf4: {  	_ =	swait.ge @!p0 [sflag:s6], $0x100  }
0xf5: {  	[sflag:s6] =	ssyncset.done @!p0 $0x0;
	s10 =	rddreg [dreg:$0xd]  }
0xf6: {  	s31 =	rddreg [dreg:$0x14];
	[sflag:s6] =	ssyncadd.s32 @!p0 $0xFFFFFF00  }
0xf7: {  	[hbm:s10], [sflag:s2] =	dma.local @!p0 [spmem:s31], $0x20  }
0xf8: {  	_ =	swait.ge @!p0 [sflag:s6], $0x20  }
0xf9: {  	s2 =	rddreg [dreg:$0x15]  }
0xfa: {  	s31 =	rddreg [dreg:$0xe];
	s10 =	sadd.s32 $0x1, s2  }
0xfb: {  	p1 =	sne.s32 s10, s31  }
.Ltmp3:
0xfc: {  	_ = 	snop;
	(pc) =	sbr.rel @p1 .LBB2_1-.Ltmp3, $3  }
0xfd: {  	_ =	sdelay $0x1  }
0xfe: {  	[sflag:s6] =	ssyncset.done @!p0 $0x0  }
0xff: {  	[sflag:s6] =	ssyncadd.s32 @!p0 $0xFFFFFFE0  }
0x100: {  	_ =	sfence.sel $0x180000  }
0x101: {  	[bflag:$0x0] =	sbarrier.arrive $0xFFFF  }
0x102: {  	_ =	strace $0x90000047  }
0x103: {  	[bflag:$0x2] =	sbarrier.arrive $0xFFFF  }
0x104: {  	s0 =	rddreg [dreg:$0x5]  }
0x105: {  	s0 =	sadd.s32 @!p0 $0x100000, s0  }
0x106: {  	[sflag:s0] =	ssyncadd.tile.s32 @!p0 $0x1;
	_ =	shalt  }
.Lfunc_end2:
_tile_overlayer_lowered:
.L_overlay_start_2:
0x107: {  	(tag) =	ssettag $0x2  }
0x108: {  	s0 =	rddreg [dreg:$0x0];
	s2 =	stileid.u32  }
0x109: {  	s1 =	rddreg [dreg:$0x1];
	p0 =	sne.s32 s2, $0x0  }
0x10a: {  	s3 =	rddreg [dreg:$0x2];
	[bflag:$0x3] =	sbarrier.arrive $0xFFFF;
	s2 =	simm.s32 @!p0 $0x1C0C  }
0x10b: {  	[timem:s3], [sflag:s2] =	dma.local @!p0 [hbm:s0], s1  }
0x10c: {  	s0 =	simm.s32 @!p0 $0xC  }
0x10d: {  	_ =	swait.ge @!p0 [sflag:s0], s1  }
0x10e: {  	s1 =	ssub.s32 @!p0 $0x0, s1;
	[sflag:s0] =	ssyncset.done @!p0 $0x0  }
0x10f: {  	[sflag:s0] =	ssyncadd.s32 @!p0 s1  }
0x110: {  	[bflag:$0x3] =	sbarrier.arrive $0xFFFF  }
0x111: {  	_ =	shalt  }

</sc_bundles>
